<compile_context>
chip_gen: v7x
topology: tpu7x:2x2x1
jax: 0.10.2.dev20260603
libtpu: 0.0.44.dev20260713+nightly
codegen_flags: <defaults>
</compile_context>

<pallas_src>
import functools

import jax
import jax.numpy as jnp
from jax import lax
from jax.experimental import pallas as pl
from jax.experimental.pallas import tpu as pltpu
from jax.experimental.pallas import tpu_sc as plsc

_N = 10000
_E = 320000
_H = 128
_DD = 64

_NC = 2
_NS = 16
_NW = _NC * _NS

_GCH = 128
_NCHUNKS = _E // _GCH
_KFULL = _NCHUNKS // _NW
_KREM = _NCHUNKS % _NW

_NPAD = 10240
_NPT = _NPAD // _NS


def _mesh():
    return plsc.VectorSubcoreMesh(
        core_axis_name="c", subcore_axis_name="s",
        num_cores=_NC, num_subcores=_NS,
    )


def _silu(x):
    return x * jax.nn.sigmoid(x)



def _node_mlp_body(h_ref, wl1_ref, bl1_ref, wl2_ref, bl2_ref,
                   wr1_ref, br1_ref, wr2_ref, br2_ref, hl_ref, hr_ref):
    hb = h_ref[...]
    x = jnp.dot(hb, wl1_ref[...], preferred_element_type=jnp.float32) + bl1_ref[...]
    hl_ref[...] = (
        jnp.dot(_silu(x), wl2_ref[...], preferred_element_type=jnp.float32)
        + bl2_ref[...]
    )
    y = jnp.dot(hb, wr1_ref[...], preferred_element_type=jnp.float32) + br1_ref[...]
    hr_ref[...] = (
        jnp.dot(_silu(y), wr2_ref[...], preferred_element_type=jnp.float32)
        + br2_ref[...]
    )


def _node_mlp(h, wl1, bl1, wl2, bl2, wr1, br1, wr2, br2):
    bn = 2000
    grid = (_N // bn,)
    row_spec = pl.BlockSpec((bn, _H), lambda i: (i, 0))
    full = lambda s: pl.BlockSpec(s, lambda i: (0, 0))
    return pl.pallas_call(
        _node_mlp_body,
        grid=grid,
        in_specs=[
            row_spec,
            full((_H, 2 * _H)), full((1, 2 * _H)), full((2 * _H, _H)), full((1, _H)),
            full((_H, 2 * _H)), full((1, 2 * _H)), full((2 * _H, _H)), full((1, _H)),
        ],
        out_specs=[row_spec, row_spec],
        out_shape=[
            jax.ShapeDtypeStruct((_N, _H), jnp.float32),
            jax.ShapeDtypeStruct((_N, _H), jnp.float32),
        ],
    )(h, wl1, bl1, wl2, bl2, wr1, br1, wr2, br2)



def _sc_gather_body(hl_hbm, hr_hbm, px_hbm, py_hbm, pz_hbm, row_hbm, col_hbm,
                    hlg_hbm, hrg_hbm, rel_hbm,
                    idxr_v, idxc_v, bufl_v, bufr_v, relbuf_v,
                    px_v, py_v, pz_v,
                    sem1, sem2, sem3):
    wid = lax.axis_index("s") * _NC + lax.axis_index("c")
    n_k = _KFULL + jnp.where(wid < _KREM, 1, 0)

    pltpu.sync_copy(px_hbm, px_v)
    pltpu.sync_copy(py_hbm, py_v)
    pltpu.sync_copy(pz_hbm, pz_v)

    zero = jnp.zeros((16,), jnp.float32)
    for i in range(_GCH):
        relbuf_v[i] = zero

    lanes = lax.iota(jnp.int32, 16)

    def body(k, carry):
        base = (k * _NW + wid) * _GCH
        i1 = pltpu.async_copy(row_hbm.at[pl.ds(base, _GCH)], idxr_v, sem1)
        i2 = pltpu.async_copy(col_hbm.at[pl.ds(base, _GCH)], idxc_v, sem2)
        i1.wait()
        i2.wait()
        c1 = pltpu.async_copy(hl_hbm.at[idxr_v], bufl_v, sem1)
        c2 = pltpu.async_copy(hr_hbm.at[idxc_v], bufr_v, sem2)
        for g in range(_GCH // 16):
            ir = idxr_v[pl.ds(g * 16, 16)]
            ic = idxc_v[pl.ds(g * 16, 16)]
            rows = g * 16 + lanes
            rx = plsc.load_gather(px_v, [ir]) - plsc.load_gather(px_v, [ic])
            plsc.store_scatter(relbuf_v, [rows, jnp.zeros((16,), jnp.int32)], rx)
            ry = plsc.load_gather(py_v, [ir]) - plsc.load_gather(py_v, [ic])
            plsc.store_scatter(relbuf_v, [rows, jnp.ones((16,), jnp.int32)], ry)
            rz = plsc.load_gather(pz_v, [ir]) - plsc.load_gather(pz_v, [ic])
            plsc.store_scatter(relbuf_v, [rows, jnp.full((16,), 2, jnp.int32)], rz)
        c3 = pltpu.async_copy(relbuf_v, rel_hbm.at[pl.ds(base, _GCH)], sem3)
        c1.wait()
        c2.wait()
        w1 = pltpu.async_copy(bufl_v, hlg_hbm.at[pl.ds(base, _GCH)], sem1)
        w2 = pltpu.async_copy(bufr_v, hrg_hbm.at[pl.ds(base, _GCH)], sem2)
        w1.wait()
        w2.wait()
        c3.wait()
        return carry

    lax.fori_loop(0, n_k, body, 0)


@functools.lru_cache(maxsize=None)
def _make_sc_gather():
    return pl.kernel(
        _sc_gather_body,
        out_type=(
            jax.ShapeDtypeStruct((_E, _H), jnp.float32),
            jax.ShapeDtypeStruct((_E, _H), jnp.float32),
            jax.ShapeDtypeStruct((_E, 16), jnp.float32),
        ),
        mesh=_mesh(),
        compiler_params=pltpu.CompilerParams(needs_layout_passes=False),
        scratch_types=[
            pltpu.VMEM((_GCH,), jnp.int32),
            pltpu.VMEM((_GCH,), jnp.int32),
            pltpu.VMEM((_GCH, _H), jnp.float32),
            pltpu.VMEM((_GCH, _H), jnp.float32),
            pltpu.VMEM((_GCH, 16), jnp.float32),
            pltpu.VMEM((_N,), jnp.float32),
            pltpu.VMEM((_N,), jnp.float32),
            pltpu.VMEM((_N,), jnp.float32),
            pltpu.SemaphoreType.DMA,
            pltpu.SemaphoreType.DMA,
            pltpu.SemaphoreType.DMA,
        ],
    )


def _sc_gather(hl, hr, px, py, pz, row, col):
    return _make_sc_gather()(hl, hr, px, py, pz, row, col)



def _edge_body(hlg_ref, hrg_ref, rel_ref, ea_ref, tm_ref,
               wea_ref, wed_ref, be_ref, wn_ref, bn_ref,
               wi1a_ref, wi1t_ref, bi1_ref, wi2_ref, bi2_ref, out_ref):
    rel = rel_ref[...]
    d2 = jnp.sum(rel * rel, axis=1, keepdims=True)
    dist = jnp.sqrt(d2)
    b = rel.shape[0]
    step = 15.0 / (_DD - 1)
    coeff = -0.5 / (step * step)
    offs = lax.broadcasted_iota(jnp.int32, (b, _DD), 1).astype(jnp.float32) * step
    demb = jnp.exp(coeff * (dist - offs) ** 2)
    ea = (
        jnp.dot(ea_ref[...], wea_ref[...], preferred_element_type=jnp.float32)
        + jnp.dot(demb, wed_ref[...], preferred_element_type=jnp.float32)
        + be_ref[...]
    )
    nf = (
        jnp.dot(hlg_ref[...] * hrg_ref[...], wn_ref[...],
                preferred_element_type=jnp.float32)
        + bn_ref[...]
    )
    x = (
        jnp.dot(ea * nf, wi1a_ref[...], preferred_element_type=jnp.float32)
        + jnp.dot(tm_ref[...], wi1t_ref[...], preferred_element_type=jnp.float32)
        + bi1_ref[...]
    )
    t1 = _silu(x)
    inter = jnp.sum(t1 * wi2_ref[...], axis=1, keepdims=True) + bi2_ref[...]
    w = inter / ((dist + 1.0) * jnp.maximum(dist, 1e-12))
    out_ref[...] = rel * w


def _edge_compute(hlg, hrg, rel, edge_attr, tm,
                  wea, wed, be, wn, bn, wi1a, wi1t, bi1, wi2, bi2):
    be_blk = 2560
    grid = (_E // be_blk,)
    rs = lambda w: pl.BlockSpec((be_blk, w), lambda i: (i, 0))
    full = lambda s: pl.BlockSpec(s, lambda i: (0,) * len(s))
    return pl.pallas_call(
        _edge_body,
        grid=grid,
        in_specs=[
            rs(_H), rs(_H), rs(16), rs(16), rs(16),
            full((16, _H)), full((_DD, _H)), full((1, _H)),
            full((_H, _H)), full((1, _H)),
            full((_H, 2 * _H)), full((16, 2 * _H)), full((1, 2 * _H)),
            full((1, 2 * _H)), full((1, 1)),
        ],
        out_specs=rs(16),
        out_shape=jax.ShapeDtypeStruct((_E, 16), jnp.float32),
    )(hlg, hrg, rel, edge_attr, tm,
      wea, wed, be, wn, bn, wi1a, wi1t, bi1, wi2, bi2)



def _sc_scatter_body(force_hbm, row_hbm, zeros_hbm, out_hbm,
                     val_v, idx_v, accx_v, accy_v, accz_v, sem, sem2):
    c = lax.axis_index("c")
    s = lax.axis_index("s")
    wid = s * _NC + c
    pltpu.sync_copy(zeros_hbm, accx_v)
    pltpu.sync_copy(zeros_hbm, accy_v)
    pltpu.sync_copy(zeros_hbm, accz_v)

    lanes = lax.iota(jnp.int32, 16)
    col0 = jnp.zeros((16,), jnp.int32)
    col1 = jnp.ones((16,), jnp.int32)
    col2 = jnp.full((16,), 2, jnp.int32)

    n_k = _KFULL + jnp.where(wid < _KREM, 1, 0)

    def body(k, carry):
        base = (k * _NW + wid) * _GCH
        i1 = pltpu.async_copy(row_hbm.at[pl.ds(base, _GCH)], idx_v, sem)
        i2 = pltpu.async_copy(force_hbm.at[pl.ds(base, _GCH)], val_v, sem2)
        i1.wait()
        i2.wait()
        for g in range(_GCH // 16):
            rows = g * 16 + lanes
            ir = idx_v[pl.ds(g * 16, 16)]
            fx = plsc.load_gather(val_v, [rows, col0])
            plsc.addupdate_scatter(accx_v, [ir], fx)
            fy = plsc.load_gather(val_v, [rows, col1])
            plsc.addupdate_scatter(accy_v, [ir], fy)
            fz = plsc.load_gather(val_v, [rows, col2])
            plsc.addupdate_scatter(accz_v, [ir], fz)
        return carry

    lax.fori_loop(0, n_k, body, 0)
    obase = wid * 3 * _NPAD
    pltpu.sync_copy(accx_v, out_hbm.at[pl.ds(obase, _NPAD)])
    pltpu.sync_copy(accy_v, out_hbm.at[pl.ds(obase + _NPAD, _NPAD)])
    pltpu.sync_copy(accz_v, out_hbm.at[pl.ds(obase + 2 * _NPAD, _NPAD)])


@functools.lru_cache(maxsize=None)
def _make_sc_scatter():
    return pl.kernel(
        _sc_scatter_body,
        out_type=jax.ShapeDtypeStruct((_NW * 3 * _NPAD,), jnp.float32),
        mesh=_mesh(),
        compiler_params=pltpu.CompilerParams(needs_layout_passes=False),
        scratch_types=[
            pltpu.VMEM((_GCH, 16), jnp.float32),
            pltpu.VMEM((_GCH,), jnp.int32),
            pltpu.VMEM((_NPAD,), jnp.float32),
            pltpu.VMEM((_NPAD,), jnp.float32),
            pltpu.VMEM((_NPAD,), jnp.float32),
            pltpu.SemaphoreType.DMA,
            pltpu.SemaphoreType.DMA,
        ],
    )


def _sc_scatter(force, row, zeros1):
    return _make_sc_scatter()(force, row, zeros1)



def _psum_body(p_ref, out_ref):
    acc = p_ref[0]
    for i in range(1, _NW):
        acc = acc + p_ref[i]
    out_ref[...] = acc


def _psum(p):
    npk = _NPAD // 16
    return pl.pallas_call(
        _psum_body,
        grid=(1,),
        in_specs=[pl.BlockSpec((_NW, npk, 128), lambda i: (0, 0, 0))],
        out_specs=pl.BlockSpec((npk, 128), lambda i: (0, 0)),
        out_shape=jax.ShapeDtypeStruct((npk, 128), jnp.float32),
    )(p)


def _final_body(d_ref, h_ref, ws1h_ref, ws1n_ref, bs1_ref,
                ws2_ref, bs2_ref, out_ref):
    delta = d_ref[...]
    nrm = jnp.sqrt(jnp.sum(delta * delta, axis=1, keepdims=True))
    x = (
        jnp.dot(h_ref[...], ws1h_ref[...], preferred_element_type=jnp.float32)
        + nrm * ws1n_ref[...]
        + bs1_ref[...]
    )
    t = _silu(x)
    g = jnp.sum(t * ws2_ref[...], axis=1, keepdims=True) + bs2_ref[...]
    scale = jax.nn.softplus(g)
    out_ref[...] = delta * scale


def _final(d8, h, ws1h, ws1n, bs1, ws2, bs2):
    bn = 2000
    grid = (_N // bn,)
    rs = lambda w: pl.BlockSpec((bn, w), lambda i: (i, 0))
    full = lambda s: pl.BlockSpec(s, lambda i: (0, 0))
    return pl.pallas_call(
        _final_body,
        grid=grid,
        in_specs=[
            rs(8), rs(_H),
            full((_H, _H // 2)), full((1, _H // 2)), full((1, _H // 2)),
            full((1, _H // 2)), full((1, 1)),
        ],
        out_specs=rs(8),
        out_shape=jax.ShapeDtypeStruct((_N, 8), jnp.float32),
    )(d8, h, ws1h, ws1n, bs1, ws2, bs2)



def kernel(pos, h, edge_index, edge_attr, time,
           W_nl1, b_nl1, W_nl2, b_nl2,
           W_nr1, b_nr1, W_nr2, b_nr2,
           W_e, b_e, W_n, b_n,
           W_i1, b_i1, W_i2, b_i2,
           W_s1, b_s1, W_s2, b_s2):
    row = edge_index[0].astype(jnp.int32)
    col = edge_index[1].astype(jnp.int32)

    px = pos[:, 0]
    py = pos[:, 1]
    pz = pos[:, 2]
    r2 = lambda v: v.reshape(1, -1)

    hl, hr = _node_mlp(h, W_nl1, r2(b_nl1), W_nl2, r2(b_nl2),
                       W_nr1, r2(b_nr1), W_nr2, r2(b_nr2))

    hlg, hrg, rel = _sc_gather(hl, hr, px, py, pz, row, col)

    force = _edge_compute(
        hlg, hrg, rel, edge_attr, time,
        W_e[:16], W_e[16:], r2(b_e), W_n, r2(b_n),
        W_i1[:_H], W_i1[_H:], r2(b_i1), W_i2.reshape(1, -1), b_i2.reshape(1, 1),
    )

    zeros1 = jnp.zeros((_NPAD,), jnp.float32)
    praw = _sc_scatter(force, row, zeros1).reshape(_NW, 3, _NPAD)
    ppk = jnp.pad(praw.transpose(0, 2, 1), ((0, 0), (0, 0), (0, 5)))
    ppk = ppk.reshape(_NW, _NPAD // 16, 128)

    delta8 = _psum(ppk).reshape(_NPAD, 8)[:_N]

    out8 = _final(delta8, h,
                  W_s1[:_H], W_s1[_H:], r2(b_s1),
                  W_s2.reshape(1, -1), b_s2.reshape(1, 1))
    return out8[:, :3]

# --- scband reference (transcript-rebuilt; emitter-appended) ---
"""Pipeline reference for scband-inter-pos-update-62672162783746 (READ-ONLY COPY).

The authoritative reference and input builder live on the scoring server;
editing this copy changes nothing except your own understanding.
"""

import jax, jax.numpy as jnp
import numpy as np

N = 10000
E = 320000
H = 128
ED = 16
DD = 64
TD = 16


def silu(x):
    return x * jax.nn.sigmoid(x)


def setup_inputs(seed: int = 0):
    key = jax.random.key(seed)
    ks = jax.random.split(key, 32)
    def W(k, i, o):
        return jax.random.normal(k, (i, o), jnp.float32) * (1.0 / np.sqrt(i))
    inp = {}
    inp["pos"] = jax.random.normal(ks[0], (N, 3), jnp.float32)
    inp["h"] = jax.random.normal(ks[1], (N, H), jnp.float32)
    inp["edge_index"] = jax.random.randint(ks[2], (2, E), 0, N)
    inp["edge_attr"] = jax.random.normal(ks[3], (E, ED), jnp.float32)
    inp["time"] = jax.random.normal(ks[4], (E, TD), jnp.float32)
    names_shapes = [
        ("W_nl1", H, 2 * H), ("W_nl2", 2 * H, H),
        ("W_nr1", H, 2 * H), ("W_nr2", 2 * H, H),
        ("W_e", ED + DD, H), ("W_n", H, H),
        ("W_i1", H + TD, 2 * H), ("W_i2", 2 * H, 1),
        ("W_s1", H + 1, H // 2), ("W_s2", H // 2, 1),
    ]
    for j, (nm, i, o) in enumerate(names_shapes):
        inp[nm] = W(ks[5 + j], i, o)
        inp["b" + nm[1:]] = jnp.zeros((o,), jnp.float32)
    return inp


def reference(pos, h, edge_index, edge_attr, time,
              W_nl1, b_nl1, W_nl2, b_nl2,
              W_nr1, b_nr1, W_nr2, b_nr2,
              W_e, b_e, W_n, b_n,
              W_i1, b_i1, W_i2, b_i2,
              W_s1, b_s1, W_s2, b_s2):
    row = edge_index[0]
    col = edge_index[1]
    rel = pos[row] - pos[col]
    dist = jnp.sqrt(jnp.sum(rel ** 2, axis=-1))
    offset = jnp.linspace(0.0, 15.0, DD)
    coeff = -0.5 / (offset[1] - offset[0]) ** 2
    dist_emb = jnp.exp(coeff * (dist[:, None] - offset[None, :]) ** 2)
    dis_uns = dist[:, None]
    direction = rel / jnp.maximum(dist[:, None], 1e-12)
    h_left = silu(h[row] @ W_nl1 + b_nl1) @ W_nl2 + b_nl2
    h_right = silu(h[col] @ W_nr1 + b_nr1) @ W_nr2 + b_nr2
    ea = jnp.concatenate([edge_attr, dist_emb], axis=-1) @ W_e + b_e
    node_feat = (h_left * h_right) @ W_n + b_n
    inter = silu(jnp.concatenate([ea * node_feat, time], axis=-1) @ W_i1 + b_i1) @ W_i2 + b_i2
    force_edge = inter / (dis_uns + 1.0) * direction
    delta_pos = jax.ops.segment_sum(force_edge, row, num_segments=N)
    nrm = jnp.linalg.norm(delta_pos, axis=-1, keepdims=True)
    scale = jax.nn.softplus(silu(jnp.concatenate([h, nrm], axis=-1) @ W_s1 + b_s1) @ W_s2 + b_s2)
    return delta_pos * scale

if __name__ == "__main__":
    import jax
    _d = setup_inputs()
    print(jax.jit(kernel)(*tuple(_d.values())))

</pallas_src>

<mosaic_0001>
#map = affine_map<(d0, d1) -> (0, 0)>
#map1 = affine_map<(d0, d1) -> (0)>
module attributes {stable_mosaic.version = 14 : i64} {
  func.func @_sc_gather_body(%arg0: i32, %arg1: i32, %arg2: memref<10000x128xf32, #tpu.memory_space<hbm>>, %arg3: memref<10000x128xf32, #tpu.memory_space<hbm>>, %arg4: memref<10000xf32, #tpu.memory_space<hbm>>, %arg5: memref<10000xf32, #tpu.memory_space<hbm>>, %arg6: memref<10000xf32, #tpu.memory_space<hbm>>, %arg7: memref<320000xi32, #tpu.memory_space<hbm>>, %arg8: memref<320000xi32, #tpu.memory_space<hbm>>, %arg9: memref<320000x128xf32, #tpu.memory_space<hbm>>, %arg10: memref<320000x128xf32, #tpu.memory_space<hbm>>, %arg11: memref<320000x16xf32, #tpu.memory_space<hbm>>, %arg12: memref<128xi32, #tpu.memory_space<vmem>>, %arg13: memref<128xi32, #tpu.memory_space<vmem>>, %arg14: memref<128x128xf32, #tpu.memory_space<vmem>>, %arg15: memref<128x128xf32, #tpu.memory_space<vmem>>, %arg16: memref<128x16xf32, #tpu.memory_space<vmem>>, %arg17: memref<10000xf32, #tpu.memory_space<vmem>>, %arg18: memref<10000xf32, #tpu.memory_space<vmem>>, %arg19: memref<10000xf32, #tpu.memory_space<vmem>>, %arg20: memref<!tpu.dma_semaphore, #tpu.memory_space<semaphore_mem>>, %arg21: memref<!tpu.dma_semaphore, #tpu.memory_space<semaphore_mem>>, %arg22: memref<!tpu.dma_semaphore, #tpu.memory_space<semaphore_mem>>) attributes {dimension_semantics = [#tpu.dimension_semantics<core_parallel>, #tpu.dimension_semantics<subcore_parallel>], iteration_bounds = array<i64: 2, 16>, scalar_prefetch = 0 : i64, scratch_operands = 11 : i64, tpu.core_type = #tpu.core_type<sc_vector_subcore>, window_params = [{transform_indices = #map}, {transform_indices = #map}, {transform_indices = #map1}, {transform_indices = #map1}, {transform_indices = #map1}, {transform_indices = #map1}, {transform_indices = #map1}, {transform_indices = #map}, {transform_indices = #map}, {transform_indices = #map}]} {
    %mul3A = arith.constant 2 : i32
    %mul3A_0 = arith.muli %arg1, %mul3A : i32
    %add3A = arith.addi %mul3A_0, %arg0 : i32
    %lt3A = arith.constant 4 : i32
    %lt3A_1 = arith.cmpi slt, %add3A, %lt3A : i32
    %jit3A = arith.constant 1 : i32
    %jit3A_2 = arith.constant 0 : i32
    %select_n3A = arith.select %lt3A_1, %jit3A, %jit3A_2 : i32
    %add3A_3 = arith.constant 78 : i32
    %add3A_4 = arith.addi %add3A_3, %select_n3A : i32
    "tpu.region"() ({
      %run_scoped3A = tpu.sem_alloc : memref<!tpu.dma_semaphore, #tpu.memory_space<semaphore_mem>>
      tpu.enqueue_dma source(%arg4 : memref<10000xf32, #tpu.memory_space<hbm>>) target(%arg17 : memref<10000xf32, #tpu.memory_space<vmem>>) target_semaphore(%run_scoped3A : memref<!tpu.dma_semaphore, #tpu.memory_space<semaphore_mem>>)
      tpu.wait_dma2 semaphore(%run_scoped3A : memref<!tpu.dma_semaphore, #tpu.memory_space<semaphore_mem>>) src(%arg4 : memref<10000xf32, #tpu.memory_space<hbm>>) dst(%arg17 : memref<10000xf32, #tpu.memory_space<vmem>>)
      tpu.yield
    }) : () -> ()
    "tpu.region"() ({
      %run_scoped3A = tpu.sem_alloc : memref<!tpu.dma_semaphore, #tpu.memory_space<semaphore_mem>>
      tpu.enqueue_dma source(%arg5 : memref<10000xf32, #tpu.memory_space<hbm>>) target(%arg18 : memref<10000xf32, #tpu.memory_space<vmem>>) target_semaphore(%run_scoped3A : memref<!tpu.dma_semaphore, #tpu.memory_space<semaphore_mem>>)
      tpu.wait_dma2 semaphore(%run_scoped3A : memref<!tpu.dma_semaphore, #tpu.memory_space<semaphore_mem>>) src(%arg5 : memref<10000xf32, #tpu.memory_space<hbm>>) dst(%arg18 : memref<10000xf32, #tpu.memory_space<vmem>>)
      tpu.yield
    }) : () -> ()
    "tpu.region"() ({
      %run_scoped3A = tpu.sem_alloc : memref<!tpu.dma_semaphore, #tpu.memory_space<semaphore_mem>>
      tpu.enqueue_dma source(%arg6 : memref<10000xf32, #tpu.memory_space<hbm>>) target(%arg19 : memref<10000xf32, #tpu.memory_space<vmem>>) target_semaphore(%run_scoped3A : memref<!tpu.dma_semaphore, #tpu.memory_space<semaphore_mem>>)
      tpu.wait_dma2 semaphore(%run_scoped3A : memref<!tpu.dma_semaphore, #tpu.memory_space<semaphore_mem>>) src(%arg6 : memref<10000xf32, #tpu.memory_space<hbm>>) dst(%arg19 : memref<10000xf32, #tpu.memory_space<vmem>>)
      tpu.yield
    }) : () -> ()
    %broadcast_in_dim3A = arith.constant 0.000000e+00 : f32
    %broadcast_in_dim3A_5 = vector.broadcast %broadcast_in_dim3A : f32 to vector<16xf32>
    %swap3A = arith.constant 0 : i32
    %swap3A_6 = arith.index_cast %swap3A : i32 to index
    %swap3A_7 = arith.constant 0 : index
    %swap3A_8 = tpu.vector_load %arg16[%swap3A_6, %swap3A_7] {strides = array<i32>} : memref<128x16xf32, #tpu.memory_space<vmem>>, vector<16xf32>,
    tpu.vector_store %arg16[%swap3A_6, %swap3A_7], %broadcast_in_dim3A_5 {strides = array<i32>} : memref<128x16xf32, #tpu.memory_space<vmem>>, vector<16xf32>,
    %swap3A_9 = arith.constant 1 : i32
    %swap3A_10 = arith.index_cast %swap3A_9 : i32 to index
    %swap3A_11 = arith.constant 0 : index
    %swap3A_12 = tpu.vector_load %arg16[%swap3A_10, %swap3A_11] {strides = array<i32>} : memref<128x16xf32, #tpu.memory_space<vmem>>, vector<16xf32>,
    tpu.vector_store %arg16[%swap3A_10, %swap3A_11], %broadcast_in_dim3A_5 {strides = array<i32>} : memref<128x16xf32, #tpu.memory_space<vmem>>, vector<16xf32>,
    %swap3A_13 = arith.constant 2 : i32
    %swap3A_14 = arith.index_cast %swap3A_13 : i32 to index
    %swap3A_15 = arith.constant 0 : index
    %swap3A_16 = tpu.vector_load %arg16[%swap3A_14, %swap3A_15] {strides = array<i32>} : memref<128x16xf32, #tpu.memory_space<vmem>>, vector<16xf32>,
    tpu.vector_store %arg16[%swap3A_14, %swap3A_15], %broadcast_in_dim3A_5 {strides = array<i32>} : memref<128x16xf32, #tpu.memory_space<vmem>>, vector<16xf32>,
    %swap3A_17 = arith.constant 3 : i32
    %swap3A_18 = arith.index_cast %swap3A_17 : i32 to index
    %swap3A_19 = arith.constant 0 : index
    %swap3A_20 = tpu.vector_load %arg16[%swap3A_18, %swap3A_19] {strides = array<i32>} : memref<128x16xf32, #tpu.memory_space<vmem>>, vector<16xf32>,
    tpu.vector_store %arg16[%swap3A_18, %swap3A_19], %broadcast_in_dim3A_5 {strides = array<i32>} : memref<128x16xf32, #tpu.memory_space<vmem>>, vector<16xf32>,
    %swap3A_21 = arith.constant 4 : i32
    %swap3A_22 = arith.index_cast %swap3A_21 : i32 to index
    %swap3A_23 = arith.constant 0 : index
    %swap3A_24 = tpu.vector_load %arg16[%swap3A_22, %swap3A_23] {strides = array<i32>} : memref<128x16xf32, #tpu.memory_space<vmem>>, vector<16xf32>,
    tpu.vector_store %arg16[%swap3A_22, %swap3A_23], %broadcast_in_dim3A_5 {strides = array<i32>} : memref<128x16xf32, #tpu.memory_space<vmem>>, vector<16xf32>,
    %swap3A_25 = arith.constant 5 : i32
    %swap3A_26 = arith.index_cast %swap3A_25 : i32 to index
    %swap3A_27 = arith.constant 0 : index
    %swap3A_28 = tpu.vector_load %arg16[%swap3A_26, %swap3A_27] {strides = array<i32>} : memref<128x16xf32, #tpu.memory_space<vmem>>, vector<16xf32>,
    tpu.vector_store %arg16[%swap3A_26, %swap3A_27], %broadcast_in_dim3A_5 {strides = array<i32>} : memref<128x16xf32, #tpu.memory_space<vmem>>, vector<16xf32>,
    %swap3A_29 = arith.constant 6 : i32
    %swap3A_30 = arith.index_cast %swap3A_29 : i32 to index
    %swap3A_31 = arith.constant 0 : index
    %swap3A_32 = tpu.vector_load %arg16[%swap3A_30, %swap3A_31] {strides = array<i32>} : memref<128x16xf32, #tpu.memory_space<vmem>>, vector<16xf32>,
    tpu.vector_store %arg16[%swap3A_30, %swap3A_31], %broadcast_in_dim3A_5 {strides = array<i32>} : memref<128x16xf32, #tpu.memory_space<vmem>>, vector<16xf32>,
    %swap3A_33 = arith.constant 7 : i32
    %swap3A_34 = arith.index_cast %swap3A_33 : i32 to index
    %swap3A_35 = arith.constant 0 : index
    %swap3A_36 = tpu.vector_load %arg16[%swap3A_34, %swap3A_35] {strides = array<i32>} : memref<128x16xf32, #tpu.memory_space<vmem>>, vector<16xf32>,
    tpu.vector_store %arg16[%swap3A_34, %swap3A_35], %broadcast_in_dim3A_5 {strides = array<i32>} : memref<128x16xf32, #tpu.memory_space<vmem>>, vector<16xf32>,
    %swap3A_37 = arith.constant 8 : i32
    %swap3A_38 = arith.index_cast %swap3A_37 : i32 to index
    %swap3A_39 = arith.constant 0 : index
    %swap3A_40 = tpu.vector_load %arg16[%swap3A_38, %swap3A_39] {strides = array<i32>} : memref<128x16xf32, #tpu.memory_space<vmem>>, vector<16xf32>,
    tpu.vector_store %arg16[%swap3A_38, %swap3A_39], %broadcast_in_dim3A_5 {strides = array<i32>} : memref<128x16xf32, #tpu.memory_space<vmem>>, vector<16xf32>,
    %swap3A_41 = arith.constant 9 : i32
    %swap3A_42 = arith.index_cast %swap3A_41 : i32 to index
    %swap3A_43 = arith.constant 0 : index
    %swap3A_44 = tpu.vector_load %arg16[%swap3A_42, %swap3A_43] {strides = array<i32>} : memref<128x16xf32, #tpu.memory_space<vmem>>, vector<16xf32>,
    tpu.vector_store %arg16[%swap3A_42, %swap3A_43], %broadcast_in_dim3A_5 {strides = array<i32>} : memref<128x16xf32, #tpu.memory_space<vmem>>, vector<16xf32>,
    %swap3A_45 = arith.constant 10 : i32
    %swap3A_46 = arith.index_cast %swap3A_45 : i32 to index
    %swap3A_47 = arith.constant 0 : index
    %swap3A_48 = tpu.vector_load %arg16[%swap3A_46, %swap3A_47] {strides = array<i32>} : memref<128x16xf32, #tpu.memory_space<vmem>>, vector<16xf32>,
    tpu.vector_store %arg16[%swap3A_46, %swap3A_47], %broadcast_in_dim3A_5 {strides = array<i32>} : memref<128x16xf32, #tpu.memory_space<vmem>>, vector<16xf32>,
    %swap3A_49 = arith.constant 11 : i32
    %swap3A_50 = arith.index_cast %swap3A_49 : i32 to index
    %swap3A_51 = arith.constant 0 : index
    %swap3A_52 = tpu.vector_load %arg16[%swap3A_50, %swap3A_51] {strides = array<i32>} : memref<128x16xf32, #tpu.memory_space<vmem>>, vector<16xf32>,
    tpu.vector_store %arg16[%swap3A_50, %swap3A_51], %broadcast_in_dim3A_5 {strides = array<i32>} : memref<128x16xf32, #tpu.memory_space<vmem>>, vector<16xf32>,
    %swap3A_53 = arith.constant 12 : i32
    %swap3A_54 = arith.index_cast %swap3A_53 : i32 to index
    %swap3A_55 = arith.constant 0 : index
    %swap3A_56 = tpu.vector_load %arg16[%swap3A_54, %swap3A_55] {strides = array<i32>} : memref<128x16xf32, #tpu.memory_space<vmem>>, vector<16xf32>,
    tpu.vector_store %arg16[%swap3A_54, %swap3A_55], %broadcast_in_dim3A_5 {strides = array<i32>} : memref<128x16xf32, #tpu.memory_space<vmem>>, vector<16xf32>,
    %swap3A_57 = arith.constant 13 : i32
    %swap3A_58 = arith.index_cast %swap3A_57 : i32 to index
    %swap3A_59 = arith.constant 0 : index
    %swap3A_60 = tpu.vector_load %arg16[%swap3A_58, %swap3A_59] {strides = array<i32>} : memref<128x16xf32, #tpu.memory_space<vmem>>, vector<16xf32>,
    tpu.vector_store %arg16[%swap3A_58, %swap3A_59], %broadcast_in_dim3A_5 {strides = array<i32>} : memref<128x16xf32, #tpu.memory_space<vmem>>, vector<16xf32>,
    %swap3A_61 = arith.constant 14 : i32
    %swap3A_62 = arith.index_cast %swap3A_61 : i32 to index
    %swap3A_63 = arith.constant 0 : index
    %swap3A_64 = tpu.vector_load %arg16[%swap3A_62, %swap3A_63] {strides = array<i32>} : memref<128x16xf32, #tpu.memory_space<vmem>>, vector<16xf32>,
    tpu.vector_store %arg16[%swap3A_62, %swap3A_63], %broadcast_in_dim3A_5 {strides = array<i32>} : memref<128x16xf32, #tpu.memory_space<vmem>>, vector<16xf32>,
    %swap3A_65 = arith.constant 15 : i32
    %swap3A_66 = arith.index_cast %swap3A_65 : i32 to index
    %swap3A_67 = arith.constant 0 : index
    %swap3A_68 = tpu.vector_load %arg16[%swap3A_66, %swap3A_67] {strides = array<i32>} : memref<128x16xf32, #tpu.memory_space<vmem>>, vector<16xf32>,
    tpu.vector_store %arg16[%swap3A_66, %swap3A_67], %broadcast_in_dim3A_5 {strides = array<i32>} : memref<128x16xf32, #tpu.memory_space<vmem>>, vector<16xf32>,
    %swap3A_69 = arith.constant 16 : i32
    %swap3A_70 = arith.index_cast %swap3A_69 : i32 to index
    %swap3A_71 = arith.constant 0 : index
    %swap3A_72 = tpu.vector_load %arg16[%swap3A_70, %swap3A_71] {strides = array<i32>} : memref<128x16xf32, #tpu.memory_space<vmem>>, vector<16xf32>,
    tpu.vector_store %arg16[%swap3A_70, %swap3A_71], %broadcast_in_dim3A_5 {strides = array<i32>} : memref<128x16xf32, #tpu.memory_space<vmem>>, vector<16xf32>,
    %swap3A_73 = arith.constant 17 : i32
    %swap3A_74 = arith.index_cast %swap3A_73 : i32 to index
    %swap3A_75 = arith.constant 0 : index
    %swap3A_76 = tpu.vector_load %arg16[%swap3A_74, %swap3A_75] {strides = array<i32>} : memref<128x16xf32, #tpu.memory_space<vmem>>, vector<16xf32>,
    tpu.vector_store %arg16[%swap3A_74, %swap3A_75], %broadcast_in_dim3A_5 {strides = array<i32>} : memref<128x16xf32, #tpu.memory_space<vmem>>, vector<16xf32>,
    %swap3A_77 = arith.constant 18 : i32
    %swap3A_78 = arith.index_cast %swap3A_77 : i32 to index
    %swap3A_79 = arith.constant 0 : index
    %swap3A_80 = tpu.vector_load %arg16[%swap3A_78, %swap3A_79] {strides = array<i32>} : memref<128x16xf32, #tpu.memory_space<vmem>>, vector<16xf32>,
    tpu.vector_store %arg16[%swap3A_78, %swap3A_79], %broadcast_in_dim3A_5 {strides = array<i32>} : memref<128x16xf32, #tpu.memory_space<vmem>>, vector<16xf32>,
    %swap3A_81 = arith.constant 19 : i32
    %swap3A_82 = arith.index_cast %swap3A_81 : i32 to index
    %swap3A_83 = arith.constant 0 : index
    %swap3A_84 = tpu.vector_load %arg16[%swap3A_82, %swap3A_83] {strides = array<i32>} : memref<128x16xf32, #tpu.memory_space<vmem>>, vector<16xf32>,
    tpu.vector_store %arg16[%swap3A_82, %swap3A_83], %broadcast_in_dim3A_5 {strides = array<i32>} : memref<128x16xf32, #tpu.memory_space<vmem>>, vector<16xf32>,
    %swap3A_85 = arith.constant 20 : i32
    %swap3A_86 = arith.index_cast %swap3A_85 : i32 to index
    %swap3A_87 = arith.constant 0 : index
    %swap3A_88 = tpu.vector_load %arg16[%swap3A_86, %swap3A_87] {strides = array<i32>} : memref<128x16xf32, #tpu.memory_space<vmem>>, vector<16xf32>,
    tpu.vector_store %arg16[%swap3A_86, %swap3A_87], %broadcast_in_dim3A_5 {strides = array<i32>} : memref<128x16xf32, #tpu.memory_space<vmem>>, vector<16xf32>,
    %swap3A_89 = arith.constant 21 : i32
    %swap3A_90 = arith.index_cast %swap3A_89 : i32 to index
    %swap3A_91 = arith.constant 0 : index
    %swap3A_92 = tpu.vector_load %arg16[%swap3A_90, %swap3A_91] {strides = array<i32>} : memref<128x16xf32, #tpu.memory_space<vmem>>, vector<16xf32>,
    tpu.vector_store %arg16[%swap3A_90, %swap3A_91], %broadcast_in_dim3A_5 {strides = array<i32>} : memref<128x16xf32, #tpu.memory_space<vmem>>, vector<16xf32>,
    %swap3A_93 = arith.constant 22 : i32
    %swap3A_94 = arith.index_cast %swap3A_93 : i32 to index
    %swap3A_95 = arith.constant 0 : index
    %swap3A_96 = tpu.vector_load %arg16[%swap3A_94, %swap3A_95] {strides = array<i32>} : memref<128x16xf32, #tpu.memory_space<vmem>>, vector<16xf32>,
    tpu.vector_store %arg16[%swap3A_94, %swap3A_95], %broadcast_in_dim3A_5 {strides = array<i32>} : memref<128x16xf32, #tpu.memory_space<vmem>>, vector<16xf32>,
    %swap3A_97 = arith.constant 23 : i32
    %swap3A_98 = arith.index_cast %swap3A_97 : i32 to index
    %swap3A_99 = arith.constant 0 : index
    %swap3A_100 = tpu.vector_load %arg16[%swap3A_98, %swap3A_99] {strides = array<i32>} : memref<128x16xf32, #tpu.memory_space<vmem>>, vector<16xf32>,
    tpu.vector_store %arg16[%swap3A_98, %swap3A_99], %broadcast_in_dim3A_5 {strides = array<i32>} : memref<128x16xf32, #tpu.memory_space<vmem>>, vector<16xf32>,
    %swap3A_101 = arith.constant 24 : i32
    %swap3A_102 = arith.index_cast %swap3A_101 : i32 to index
    %swap3A_103 = arith.constant 0 : index
    %swap3A_104 = tpu.vector_load %arg16[%swap3A_102, %swap3A_103] {strides = array<i32>} : memref<128x16xf32, #tpu.memory_space<vmem>>, vector<16xf32>,
    tpu.vector_store %arg16[%swap3A_102, %swap3A_103], %broadcast_in_dim3A_5 {strides = array<i32>} : memref<128x16xf32, #tpu.memory_space<vmem>>, vector<16xf32>,
    %swap3A_105 = arith.constant 25 : i32
    %swap3A_106 = arith.index_cast %swap3A_105 : i32 to index
    %swap3A_107 = arith.constant 0 : index
    %swap3A_108 = tpu.vector_load %arg16[%swap3A_106, %swap3A_107] {strides = array<i32>} : memref<128x16xf32, #tpu.memory_space<vmem>>, vector<16xf32>,
    tpu.vector_store %arg16[%swap3A_106, %swap3A_107], %broadcast_in_dim3A_5 {strides = array<i32>} : memref<128x16xf32, #tpu.memory_space<vmem>>, vector<16xf32>,
    %swap3A_109 = arith.constant 26 : i32
    %swap3A_110 = arith.index_cast %swap3A_109 : i32 to index
    %swap3A_111 = arith.constant 0 : index
    %swap3A_112 = tpu.vector_load %arg16[%swap3A_110, %swap3A_111] {strides = array<i32>} : memref<128x16xf32, #tpu.memory_space<vmem>>, vector<16xf32>,
    tpu.vector_store %arg16[%swap3A_110, %swap3A_111], %broadcast_in_dim3A_5 {strides = array<i32>} : memref<128x16xf32, #tpu.memory_space<vmem>>, vector<16xf32>,
    %swap3A_113 = arith.constant 27 : i32
    %swap3A_114 = arith.index_cast %swap3A_113 : i32 to index
    %swap3A_115 = arith.constant 0 : index
    %swap3A_116 = tpu.vector_load %arg16[%swap3A_114, %swap3A_115] {strides = array<i32>} : memref<128x16xf32, #tpu.memory_space<vmem>>, vector<16xf32>,
    tpu.vector_store %arg16[%swap3A_114, %swap3A_115], %broadcast_in_dim3A_5 {strides = array<i32>} : memref<128x16xf32, #tpu.memory_space<vmem>>, vector<16xf32>,
    %swap3A_117 = arith.constant 28 : i32
    %swap3A_118 = arith.index_cast %swap3A_117 : i32 to index
    %swap3A_119 = arith.constant 0 : index
    %swap3A_120 = tpu.vector_load %arg16[%swap3A_118, %swap3A_119] {strides = array<i32>} : memref<128x16xf32, #tpu.memory_space<vmem>>, vector<16xf32>,
    tpu.vector_store %arg16[%swap3A_118, %swap3A_119], %broadcast_in_dim3A_5 {strides = array<i32>} : memref<128x16xf32, #tpu.memory_space<vmem>>, vector<16xf32>,
    %swap3A_121 = arith.constant 29 : i32
    %swap3A_122 = arith.index_cast %swap3A_121 : i32 to index
    %swap3A_123 = arith.constant 0 : index
    %swap3A_124 = tpu.vector_load %arg16[%swap3A_122, %swap3A_123] {strides = array<i32>} : memref<128x16xf32, #tpu.memory_space<vmem>>, vector<16xf32>,
    tpu.vector_store %arg16[%swap3A_122, %swap3A_123], %broadcast_in_dim3A_5 {strides = array<i32>} : memref<128x16xf32, #tpu.memory_space<vmem>>, vector<16xf32>,
    %swap3A_125 = arith.constant 30 : i32
    %swap3A_126 = arith.index_cast %swap3A_125 : i32 to index
    %swap3A_127 = arith.constant 0 : index
    %swap3A_128 = tpu.vector_load %arg16[%swap3A_126, %swap3A_127] {strides = array<i32>} : memref<128x16xf32, #tpu.memory_space<vmem>>, vector<16xf32>,
    tpu.vector_store %arg16[%swap3A_126, %swap3A_127], %broadcast_in_dim3A_5 {strides = array<i32>} : memref<128x16xf32, #tpu.memory_space<vmem>>, vector<16xf32>,
    %swap3A_129 = arith.constant 31 : i32
    %swap3A_130 = arith.index_cast %swap3A_129 : i32 to index
    %swap3A_131 = arith.constant 0 : index
    %swap3A_132 = tpu.vector_load %arg16[%swap3A_130, %swap3A_131] {strides = array<i32>} : memref<128x16xf32, #tpu.memory_space<vmem>>, vector<16xf32>,
    tpu.vector_store %arg16[%swap3A_130, %swap3A_131], %broadcast_in_dim3A_5 {strides = array<i32>} : memref<128x16xf32, #tpu.memory_space<vmem>>, vector<16xf32>,
    %swap3A_133 = arith.constant 32 : i32
    %swap3A_134 = arith.index_cast %swap3A_133 : i32 to index
    %swap3A_135 = arith.constant 0 : index
    %swap3A_136 = tpu.vector_load %arg16[%swap3A_134, %swap3A_135] {strides = array<i32>} : memref<128x16xf32, #tpu.memory_space<vmem>>, vector<16xf32>,
    tpu.vector_store %arg16[%swap3A_134, %swap3A_135], %broadcast_in_dim3A_5 {strides = array<i32>} : memref<128x16xf32, #tpu.memory_space<vmem>>, vector<16xf32>,
    %swap3A_137 = arith.constant 33 : i32
    %swap3A_138 = arith.index_cast %swap3A_137 : i32 to index
    %swap3A_139 = arith.constant 0 : index
    %swap3A_140 = tpu.vector_load %arg16[%swap3A_138, %swap3A_139] {strides = array<i32>} : memref<128x16xf32, #tpu.memory_space<vmem>>, vector<16xf32>,
    tpu.vector_store %arg16[%swap3A_138, %swap3A_139], %broadcast_in_dim3A_5 {strides = array<i32>} : memref<128x16xf32, #tpu.memory_space<vmem>>, vector<16xf32>,
    %swap3A_141 = arith.constant 34 : i32
    %swap3A_142 = arith.index_cast %swap3A_141 : i32 to index
    %swap3A_143 = arith.constant 0 : index
    %swap3A_144 = tpu.vector_load %arg16[%swap3A_142, %swap3A_143] {strides = array<i32>} : memref<128x16xf32, #tpu.memory_space<vmem>>, vector<16xf32>,
    tpu.vector_store %arg16[%swap3A_142, %swap3A_143], %broadcast_in_dim3A_5 {strides = array<i32>} : memref<128x16xf32, #tpu.memory_space<vmem>>, vector<16xf32>,
    %swap3A_145 = arith.constant 35 : i32
    %swap3A_146 = arith.index_cast %swap3A_145 : i32 to index
    %swap3A_147 = arith.constant 0 : index
    %swap3A_148 = tpu.vector_load %arg16[%swap3A_146, %swap3A_147] {strides = array<i32>} : memref<128x16xf32, #tpu.memory_space<vmem>>, vector<16xf32>,
    tpu.vector_store %arg16[%swap3A_146, %swap3A_147], %broadcast_in_dim3A_5 {strides = array<i32>} : memref<128x16xf32, #tpu.memory_space<vmem>>, vector<16xf32>,
    %swap3A_149 = arith.constant 36 : i32
    %swap3A_150 = arith.index_cast %swap3A_149 : i32 to index
    %swap3A_151 = arith.constant 0 : index
    %swap3A_152 = tpu.vector_load %arg16[%swap3A_150, %swap3A_151] {strides = array<i32>} : memref<128x16xf32, #tpu.memory_space<vmem>>, vector<16xf32>,
    tpu.vector_store %arg16[%swap3A_150, %swap3A_151], %broadcast_in_dim3A_5 {strides = array<i32>} : memref<128x16xf32, #tpu.memory_space<vmem>>, vector<16xf32>,
    %swap3A_153 = arith.constant 37 : i32
    %swap3A_154 = arith.index_cast %swap3A_153 : i32 to index
    %swap3A_155 = arith.constant 0 : index
    %swap3A_156 = tpu.vector_load %arg16[%swap3A_154, %swap3A_155] {strides = array<i32>} : memref<128x16xf32, #tpu.memory_space<vmem>>, vector<16xf32>,
    tpu.vector_store %arg16[%swap3A_154, %swap3A_155], %broadcast_in_dim3A_5 {strides = array<i32>} : memref<128x16xf32, #tpu.memory_space<vmem>>, vector<16xf32>,
    %swap3A_157 = arith.constant 38 : i32
    %swap3A_158 = arith.index_cast %swap3A_157 : i32 to index
    %swap3A_159 = arith.constant 0 : index
    %swap3A_160 = tpu.vector_load %arg16[%swap3A_158, %swap3A_159] {strides = array<i32>} : memref<128x16xf32, #tpu.memory_space<vmem>>, vector<16xf32>,
    tpu.vector_store %arg16[%swap3A_158, %swap3A_159], %broadcast_in_dim3A_5 {strides = array<i32>} : memref<128x16xf32, #tpu.memory_space<vmem>>, vector<16xf32>,
    %swap3A_161 = arith.constant 39 : i32
    %swap3A_162 = arith.index_cast %swap3A_161 : i32 to index
    %swap3A_163 = arith.constant 0 : index
    %swap3A_164 = tpu.vector_load %arg16[%swap3A_162, %swap3A_163] {strides = array<i32>} : memref<128x16xf32, #tpu.memory_space<vmem>>, vector<16xf32>,
    tpu.vector_store %arg16[%swap3A_162, %swap3A_163], %broadcast_in_dim3A_5 {strides = array<i32>} : memref<128x16xf32, #tpu.memory_space<vmem>>, vector<16xf32>,
    %swap3A_165 = arith.constant 40 : i32
    %swap3A_166 = arith.index_cast %swap3A_165 : i32 to index
    %swap3A_167 = arith.constant 0 : index
    %swap3A_168 = tpu.vector_load %arg16[%swap3A_166, %swap3A_167] {strides = array<i32>} : memref<128x16xf32, #tpu.memory_space<vmem>>, vector<16xf32>,
    tpu.vector_store %arg16[%swap3A_166, %swap3A_167], %broadcast_in_dim3A_5 {strides = array<i32>} : memref<128x16xf32, #tpu.memory_space<vmem>>, vector<16xf32>,
    %swap3A_169 = arith.constant 41 : i32
    %swap3A_170 = arith.index_cast %swap3A_169 : i32 to index
    %swap3A_171 = arith.constant 0 : index
    %swap3A_172 = tpu.vector_load %arg16[%swap3A_170, %swap3A_171] {strides = array<i32>} : memref<128x16xf32, #tpu.memory_space<vmem>>, vector<16xf32>,
    tpu.vector_store %arg16[%swap3A_170, %swap3A_171], %broadcast_in_dim3A_5 {strides = array<i32>} : memref<128x16xf32, #tpu.memory_space<vmem>>, vector<16xf32>,
    %swap3A_173 = arith.constant 42 : i32
    %swap3A_174 = arith.index_cast %swap3A_173 : i32 to index
    %swap3A_175 = arith.constant 0 : index
    %swap3A_176 = tpu.vector_load %arg16[%swap3A_174, %swap3A_175] {strides = array<i32>} : memref<128x16xf32, #tpu.memory_space<vmem>>, vector<16xf32>,
    tpu.vector_store %arg16[%swap3A_174, %swap3A_175], %broadcast_in_dim3A_5 {strides = array<i32>} : memref<128x16xf32, #tpu.memory_space<vmem>>, vector<16xf32>,
    %swap3A_177 = arith.constant 43 : i32
    %swap3A_178 = arith.index_cast %swap3A_177 : i32 to index
    %swap3A_179 = arith.constant 0 : index
    %swap3A_180 = tpu.vector_load %arg16[%swap3A_178, %swap3A_179] {strides = array<i32>} : memref<128x16xf32, #tpu.memory_space<vmem>>, vector<16xf32>,
    tpu.vector_store %arg16[%swap3A_178, %swap3A_179], %broadcast_in_dim3A_5 {strides = array<i32>} : memref<128x16xf32, #tpu.memory_space<vmem>>, vector<16xf32>,
    %swap3A_181 = arith.constant 44 : i32
    %swap3A_182 = arith.index_cast %swap3A_181 : i32 to index
    %swap3A_183 = arith.constant 0 : index
    %swap3A_184 = tpu.vector_load %arg16[%swap3A_182, %swap3A_183] {strides = array<i32>} : memref<128x16xf32, #tpu.memory_space<vmem>>, vector<16xf32>,
    tpu.vector_store %arg16[%swap3A_182, %swap3A_183], %broadcast_in_dim3A_5 {strides = array<i32>} : memref<128x16xf32, #tpu.memory_space<vmem>>, vector<16xf32>,
    %swap3A_185 = arith.constant 45 : i32
    %swap3A_186 = arith.index_cast %swap3A_185 : i32 to index
    %swap3A_187 = arith.constant 0 : index
    %swap3A_188 = tpu.vector_load %arg16[%swap3A_186, %swap3A_187] {strides = array<i32>} : memref<128x16xf32, #tpu.memory_space<vmem>>, vector<16xf32>,
    tpu.vector_store %arg16[%swap3A_186, %swap3A_187], %broadcast_in_dim3A_5 {strides = array<i32>} : memref<128x16xf32, #tpu.memory_space<vmem>>, vector<16xf32>,
    %swap3A_189 = arith.constant 46 : i32
    %swap3A_190 = arith.index_cast %swap3A_189 : i32 to index
    %swap3A_191 = arith.constant 0 : index
    %swap3A_192 = tpu.vector_load %arg16[%swap3A_190, %swap3A_191] {strides = array<i32>} : memref<128x16xf32, #tpu.memory_space<vmem>>, vector<16xf32>,
    tpu.vector_store %arg16[%swap3A_190, %swap3A_191], %broadcast_in_dim3A_5 {strides = array<i32>} : memref<128x16xf32, #tpu.memory_space<vmem>>, vector<16xf32>,
    %swap3A_193 = arith.constant 47 : i32
    %swap3A_194 = arith.index_cast %swap3A_193 : i32 to index
    %swap3A_195 = arith.constant 0 : index
    %swap3A_196 = tpu.vector_load %arg16[%swap3A_194, %swap3A_195] {strides = array<i32>} : memref<128x16xf32, #tpu.memory_space<vmem>>, vector<16xf32>,
    tpu.vector_store %arg16[%swap3A_194, %swap3A_195], %broadcast_in_dim3A_5 {strides = array<i32>} : memref<128x16xf32, #tpu.memory_space<vmem>>, vector<16xf32>,
    %swap3A_197 = arith.constant 48 : i32
    %swap3A_198 = arith.index_cast %swap3A_197 : i32 to index
    %swap3A_199 = arith.constant 0 : index
    %swap3A_200 = tpu.vector_load %arg16[%swap3A_198, %swap3A_199] {strides = array<i32>} : memref<128x16xf32, #tpu.memory_space<vmem>>, vector<16xf32>,
    tpu.vector_store %arg16[%swap3A_198, %swap3A_199], %broadcast_in_dim3A_5 {strides = array<i32>} : memref<128x16xf32, #tpu.memory_space<vmem>>, vector<16xf32>,
    %swap3A_201 = arith.constant 49 : i32
    %swap3A_202 = arith.index_cast %swap3A_201 : i32 to index
    %swap3A_203 = arith.constant 0 : index
    %swap3A_204 = tpu.vector_load %arg16[%swap3A_202, %swap3A_203] {strides = array<i32>} : memref<128x16xf32, #tpu.memory_space<vmem>>, vector<16xf32>,
    tpu.vector_store %arg16[%swap3A_202, %swap3A_203], %broadcast_in_dim3A_5 {strides = array<i32>} : memref<128x16xf32, #tpu.memory_space<vmem>>, vector<16xf32>,
    %swap3A_205 = arith.constant 50 : i32
    %swap3A_206 = arith.index_cast %swap3A_205 : i32 to index
    %swap3A_207 = arith.constant 0 : index
    %swap3A_208 = tpu.vector_load %arg16[%swap3A_206, %swap3A_207] {strides = array<i32>} : memref<128x16xf32, #tpu.memory_space<vmem>>, vector<16xf32>,
    tpu.vector_store %arg16[%swap3A_206, %swap3A_207], %broadcast_in_dim3A_5 {strides = array<i32>} : memref<128x16xf32, #tpu.memory_space<vmem>>, vector<16xf32>,
    %swap3A_209 = arith.constant 51 : i32
    %swap3A_210 = arith.index_cast %swap3A_209 : i32 to index
    %swap3A_211 = arith.constant 0 : index
    %swap3A_212 = tpu.vector_load %arg16[%swap3A_210, %swap3A_211] {strides = array<i32>} : memref<128x16xf32, #tpu.memory_space<vmem>>, vector<16xf32>,
    tpu.vector_store %arg16[%swap3A_210, %swap3A_211], %broadcast_in_dim3A_5 {strides = array<i32>} : memref<128x16xf32, #tpu.memory_space<vmem>>, vector<16xf32>,
    %swap3A_213 = arith.constant 52 : i32
    %swap3A_214 = arith.index_cast %swap3A_213 : i32 to index
    %swap3A_215 = arith.constant 0 : index
    %swap3A_216 = tpu.vector_load %arg16[%swap3A_214, %swap3A_215] {strides = array<i32>} : memref<128x16xf32, #tpu.memory_space<vmem>>, vector<16xf32>,
    tpu.vector_store %arg16[%swap3A_214, %swap3A_215], %broadcast_in_dim3A_5 {strides = array<i32>} : memref<128x16xf32, #tpu.memory_space<vmem>>, vector<16xf32>,
    %swap3A_217 = arith.constant 53 : i32
    %swap3A_218 = arith.index_cast %swap3A_217 : i32 to index
    %swap3A_219 = arith.constant 0 : index
    %swap3A_220 = tpu.vector_load %arg16[%swap3A_218, %swap3A_219] {strides = array<i32>} : memref<128x16xf32, #tpu.memory_space<vmem>>, vector<16xf32>,
    tpu.vector_store %arg16[%swap3A_218, %swap3A_219], %broadcast_in_dim3A_5 {strides = array<i32>} : memref<128x16xf32, #tpu.memory_space<vmem>>, vector<16xf32>,
    %swap3A_221 = arith.constant 54 : i32
    %swap3A_222 = arith.index_cast %swap3A_221 : i32 to index
    %swap3A_223 = arith.constant 0 : index
    %swap3A_224 = tpu.vector_load %arg16[%swap3A_222, %swap3A_223] {strides = array<i32>} : memref<128x16xf32, #tpu.memory_space<vmem>>, vector<16xf32>,
    tpu.vector_store %arg16[%swap3A_222, %swap3A_223], %broadcast_in_dim3A_5 {strides = array<i32>} : memref<128x16xf32, #tpu.memory_space<vmem>>, vector<16xf32>,
    %swap3A_225 = arith.constant 55 : i32
    %swap3A_226 = arith.index_cast %swap3A_225 : i32 to index
    %swap3A_227 = arith.constant 0 : index
    %swap3A_228 = tpu.vector_load %arg16[%swap3A_226, %swap3A_227] {strides = array<i32>} : memref<128x16xf32, #tpu.memory_space<vmem>>, vector<16xf32>,
    tpu.vector_store %arg16[%swap3A_226, %swap3A_227], %broadcast_in_dim3A_5 {strides = array<i32>} : memref<128x16xf32, #tpu.memory_space<vmem>>, vector<16xf32>,
    %swap3A_229 = arith.constant 56 : i32
    %swap3A_230 = arith.index_cast %swap3A_229 : i32 to index
    %swap3A_231 = arith.constant 0 : index
    %swap3A_232 = tpu.vector_load %arg16[%swap3A_230, %swap3A_231] {strides = array<i32>} : memref<128x16xf32, #tpu.memory_space<vmem>>, vector<16xf32>,
    tpu.vector_store %arg16[%swap3A_230, %swap3A_231], %broadcast_in_dim3A_5 {strides = array<i32>} : memref<128x16xf32, #tpu.memory_space<vmem>>, vector<16xf32>,
    %swap3A_233 = arith.constant 57 : i32
    %swap3A_234 = arith.index_cast %swap3A_233 : i32 to index
    %swap3A_235 = arith.constant 0 : index
    %swap3A_236 = tpu.vector_load %arg16[%swap3A_234, %swap3A_235] {strides = array<i32>} : memref<128x16xf32, #tpu.memory_space<vmem>>, vector<16xf32>,
    tpu.vector_store %arg16[%swap3A_234, %swap3A_235], %broadcast_in_dim3A_5 {strides = array<i32>} : memref<128x16xf32, #tpu.memory_space<vmem>>, vector<16xf32>,
    %swap3A_237 = arith.constant 58 : i32
    %swap3A_238 = arith.index_cast %swap3A_237 : i32 to index
    %swap3A_239 = arith.constant 0 : index
    %swap3A_240 = tpu.vector_load %arg16[%swap3A_238, %swap3A_239] {strides = array<i32>} : memref<128x16xf32, #tpu.memory_space<vmem>>, vector<16xf32>,
    tpu.vector_store %arg16[%swap3A_238, %swap3A_239], %broadcast_in_dim3A_5 {strides = array<i32>} : memref<128x16xf32, #tpu.memory_space<vmem>>, vector<16xf32>,
    %swap3A_241 = arith.constant 59 : i32
    %swap3A_242 = arith.index_cast %swap3A_241 : i32 to index
    %swap3A_243 = arith.constant 0 : index
    %swap3A_244 = tpu.vector_load %arg16[%swap3A_242, %swap3A_243] {strides = array<i32>} : memref<128x16xf32, #tpu.memory_space<vmem>>, vector<16xf32>,
    tpu.vector_store %arg16[%swap3A_242, %swap3A_243], %broadcast_in_dim3A_5 {strides = array<i32>} : memref<128x16xf32, #tpu.memory_space<vmem>>, vector<16xf32>,
    %swap3A_245 = arith.constant 60 : i32
    %swap3A_246 = arith.index_cast %swap3A_245 : i32 to index
    %swap3A_247 = arith.constant 0 : index
    %swap3A_248 = tpu.vector_load %arg16[%swap3A_246, %swap3A_247] {strides = array<i32>} : memref<128x16xf32, #tpu.memory_space<vmem>>, vector<16xf32>,
    tpu.vector_store %arg16[%swap3A_246, %swap3A_247], %broadcast_in_dim3A_5 {strides = array<i32>} : memref<128x16xf32, #tpu.memory_space<vmem>>, vector<16xf32>,
    %swap3A_249 = arith.constant 61 : i32
    %swap3A_250 = arith.index_cast %swap3A_249 : i32 to index
    %swap3A_251 = arith.constant 0 : index
    %swap3A_252 = tpu.vector_load %arg16[%swap3A_250, %swap3A_251] {strides = array<i32>} : memref<128x16xf32, #tpu.memory_space<vmem>>, vector<16xf32>,
    tpu.vector_store %arg16[%swap3A_250, %swap3A_251], %broadcast_in_dim3A_5 {strides = array<i32>} : memref<128x16xf32, #tpu.memory_space<vmem>>, vector<16xf32>,
    %swap3A_253 = arith.constant 62 : i32
    %swap3A_254 = arith.index_cast %swap3A_253 : i32 to index
    %swap3A_255 = arith.constant 0 : index
    %swap3A_256 = tpu.vector_load %arg16[%swap3A_254, %swap3A_255] {strides = array<i32>} : memref<128x16xf32, #tpu.memory_space<vmem>>, vector<16xf32>,
    tpu.vector_store %arg16[%swap3A_254, %swap3A_255], %broadcast_in_dim3A_5 {strides = array<i32>} : memref<128x16xf32, #tpu.memory_space<vmem>>, vector<16xf32>,
    %swap3A_257 = arith.constant 63 : i32
    %swap3A_258 = arith.index_cast %swap3A_257 : i32 to index
    %swap3A_259 = arith.constant 0 : index
    %swap3A_260 = tpu.vector_load %arg16[%swap3A_258, %swap3A_259] {strides = array<i32>} : memref<128x16xf32, #tpu.memory_space<vmem>>, vector<16xf32>,
    tpu.vector_store %arg16[%swap3A_258, %swap3A_259], %broadcast_in_dim3A_5 {strides = array<i32>} : memref<128x16xf32, #tpu.memory_space<vmem>>, vector<16xf32>,
    %swap3A_261 = arith.constant 64 : i32
    %swap3A_262 = arith.index_cast %swap3A_261 : i32 to index
    %swap3A_263 = arith.constant 0 : index
    %swap3A_264 = tpu.vector_load %arg16[%swap3A_262, %swap3A_263] {strides = array<i32>} : memref<128x16xf32, #tpu.memory_space<vmem>>, vector<16xf32>,
    tpu.vector_store %arg16[%swap3A_262, %swap3A_263], %broadcast_in_dim3A_5 {strides = array<i32>} : memref<128x16xf32, #tpu.memory_space<vmem>>, vector<16xf32>,
    %swap3A_265 = arith.constant 65 : i32
    %swap3A_266 = arith.index_cast %swap3A_265 : i32 to index
    %swap3A_267 = arith.constant 0 : index
    %swap3A_268 = tpu.vector_load %arg16[%swap3A_266, %swap3A_267] {strides = array<i32>} : memref<128x16xf32, #tpu.memory_space<vmem>>, vector<16xf32>,
    tpu.vector_store %arg16[%swap3A_266, %swap3A_267], %broadcast_in_dim3A_5 {strides = array<i32>} : memref<128x16xf32, #tpu.memory_space<vmem>>, vector<16xf32>,
    %swap3A_269 = arith.constant 66 : i32
    %swap3A_270 = arith.index_cast %swap3A_269 : i32 to index
    %swap3A_271 = arith.constant 0 : index
    %swap3A_272 = tpu.vector_load %arg16[%swap3A_270, %swap3A_271] {strides = array<i32>} : memref<128x16xf32, #tpu.memory_space<vmem>>, vector<16xf32>,
    tpu.vector_store %arg16[%swap3A_270, %swap3A_271], %broadcast_in_dim3A_5 {strides = array<i32>} : memref<128x16xf32, #tpu.memory_space<vmem>>, vector<16xf32>,
    %swap3A_273 = arith.constant 67 : i32
    %swap3A_274 = arith.index_cast %swap3A_273 : i32 to index
    %swap3A_275 = arith.constant 0 : index
    %swap3A_276 = tpu.vector_load %arg16[%swap3A_274, %swap3A_275] {strides = array<i32>} : memref<128x16xf32, #tpu.memory_space<vmem>>, vector<16xf32>,
    tpu.vector_store %arg16[%swap3A_274, %swap3A_275], %broadcast_in_dim3A_5 {strides = array<i32>} : memref<128x16xf32, #tpu.memory_space<vmem>>, vector<16xf32>,
    %swap3A_277 = arith.constant 68 : i32
    %swap3A_278 = arith.index_cast %swap3A_277 : i32 to index
    %swap3A_279 = arith.constant 0 : index
    %swap3A_280 = tpu.vector_load %arg16[%swap3A_278, %swap3A_279] {strides = array<i32>} : memref<128x16xf32, #tpu.memory_space<vmem>>, vector<16xf32>,
    tpu.vector_store %arg16[%swap3A_278, %swap3A_279], %broadcast_in_dim3A_5 {strides = array<i32>} : memref<128x16xf32, #tpu.memory_space<vmem>>, vector<16xf32>,
    %swap3A_281 = arith.constant 69 : i32
    %swap3A_282 = arith.index_cast %swap3A_281 : i32 to index
    %swap3A_283 = arith.constant 0 : index
    %swap3A_284 = tpu.vector_load %arg16[%swap3A_282, %swap3A_283] {strides = array<i32>} : memref<128x16xf32, #tpu.memory_space<vmem>>, vector<16xf32>,
    tpu.vector_store %arg16[%swap3A_282, %swap3A_283], %broadcast_in_dim3A_5 {strides = array<i32>} : memref<128x16xf32, #tpu.memory_space<vmem>>, vector<16xf32>,
    %swap3A_285 = arith.constant 70 : i32
    %swap3A_286 = arith.index_cast %swap3A_285 : i32 to index
    %swap3A_287 = arith.constant 0 : index
    %swap3A_288 = tpu.vector_load %arg16[%swap3A_286, %swap3A_287] {strides = array<i32>} : memref<128x16xf32, #tpu.memory_space<vmem>>, vector<16xf32>,
    tpu.vector_store %arg16[%swap3A_286, %swap3A_287], %broadcast_in_dim3A_5 {strides = array<i32>} : memref<128x16xf32, #tpu.memory_space<vmem>>, vector<16xf32>,
    %swap3A_289 = arith.constant 71 : i32
    %swap3A_290 = arith.index_cast %swap3A_289 : i32 to index
    %swap3A_291 = arith.constant 0 : index
    %swap3A_292 = tpu.vector_load %arg16[%swap3A_290, %swap3A_291] {strides = array<i32>} : memref<128x16xf32, #tpu.memory_space<vmem>>, vector<16xf32>,
    tpu.vector_store %arg16[%swap3A_290, %swap3A_291], %broadcast_in_dim3A_5 {strides = array<i32>} : memref<128x16xf32, #tpu.memory_space<vmem>>, vector<16xf32>,
    %swap3A_293 = arith.constant 72 : i32
    %swap3A_294 = arith.index_cast %swap3A_293 : i32 to index
    %swap3A_295 = arith.constant 0 : index
    %swap3A_296 = tpu.vector_load %arg16[%swap3A_294, %swap3A_295] {strides = array<i32>} : memref<128x16xf32, #tpu.memory_space<vmem>>, vector<16xf32>,
    tpu.vector_store %arg16[%swap3A_294, %swap3A_295], %broadcast_in_dim3A_5 {strides = array<i32>} : memref<128x16xf32, #tpu.memory_space<vmem>>, vector<16xf32>,
    %swap3A_297 = arith.constant 73 : i32
    %swap3A_298 = arith.index_cast %swap3A_297 : i32 to index
    %swap3A_299 = arith.constant 0 : index
    %swap3A_300 = tpu.vector_load %arg16[%swap3A_298, %swap3A_299] {strides = array<i32>} : memref<128x16xf32, #tpu.memory_space<vmem>>, vector<16xf32>,
    tpu.vector_store %arg16[%swap3A_298, %swap3A_299], %broadcast_in_dim3A_5 {strides = array<i32>} : memref<128x16xf32, #tpu.memory_space<vmem>>, vector<16xf32>,
    %swap3A_301 = arith.constant 74 : i32
    %swap3A_302 = arith.index_cast %swap3A_301 : i32 to index
    %swap3A_303 = arith.constant 0 : index
    %swap3A_304 = tpu.vector_load %arg16[%swap3A_302, %swap3A_303] {strides = array<i32>} : memref<128x16xf32, #tpu.memory_space<vmem>>, vector<16xf32>,
    tpu.vector_store %arg16[%swap3A_302, %swap3A_303], %broadcast_in_dim3A_5 {strides = array<i32>} : memref<128x16xf32, #tpu.memory_space<vmem>>, vector<16xf32>,
    %swap3A_305 = arith.constant 75 : i32
    %swap3A_306 = arith.index_cast %swap3A_305 : i32 to index
    %swap3A_307 = arith.constant 0 : index
    %swap3A_308 = tpu.vector_load %arg16[%swap3A_306, %swap3A_307] {strides = array<i32>} : memref<128x16xf32, #tpu.memory_space<vmem>>, vector<16xf32>,
    tpu.vector_store %arg16[%swap3A_306, %swap3A_307], %broadcast_in_dim3A_5 {strides = array<i32>} : memref<128x16xf32, #tpu.memory_space<vmem>>, vector<16xf32>,
    %swap3A_309 = arith.constant 76 : i32
    %swap3A_310 = arith.index_cast %swap3A_309 : i32 to index
    %swap3A_311 = arith.constant 0 : index
    %swap3A_312 = tpu.vector_load %arg16[%swap3A_310, %swap3A_311] {strides = array<i32>} : memref<128x16xf32, #tpu.memory_space<vmem>>, vector<16xf32>,
    tpu.vector_store %arg16[%swap3A_310, %swap3A_311], %broadcast_in_dim3A_5 {strides = array<i32>} : memref<128x16xf32, #tpu.memory_space<vmem>>, vector<16xf32>,
    %swap3A_313 = arith.constant 77 : i32
    %swap3A_314 = arith.index_cast %swap3A_313 : i32 to index
    %swap3A_315 = arith.constant 0 : index
    %swap3A_316 = tpu.vector_load %arg16[%swap3A_314, %swap3A_315] {strides = array<i32>} : memref<128x16xf32, #tpu.memory_space<vmem>>, vector<16xf32>,
    tpu.vector_store %arg16[%swap3A_314, %swap3A_315], %broadcast_in_dim3A_5 {strides = array<i32>} : memref<128x16xf32, #tpu.memory_space<vmem>>, vector<16xf32>,
    %swap3A_317 = arith.constant 78 : i32
    %swap3A_318 = arith.index_cast %swap3A_317 : i32 to index
    %swap3A_319 = arith.constant 0 : index
    %swap3A_320 = tpu.vector_load %arg16[%swap3A_318, %swap3A_319] {strides = array<i32>} : memref<128x16xf32, #tpu.memory_space<vmem>>, vector<16xf32>,
    tpu.vector_store %arg16[%swap3A_318, %swap3A_319], %broadcast_in_dim3A_5 {strides = array<i32>} : memref<128x16xf32, #tpu.memory_space<vmem>>, vector<16xf32>,
    %swap3A_321 = arith.constant 79 : i32
    %swap3A_322 = arith.index_cast %swap3A_321 : i32 to index
    %swap3A_323 = arith.constant 0 : index
    %swap3A_324 = tpu.vector_load %arg16[%swap3A_322, %swap3A_323] {strides = array<i32>} : memref<128x16xf32, #tpu.memory_space<vmem>>, vector<16xf32>,
    tpu.vector_store %arg16[%swap3A_322, %swap3A_323], %broadcast_in_dim3A_5 {strides = array<i32>} : memref<128x16xf32, #tpu.memory_space<vmem>>, vector<16xf32>,
    %swap3A_325 = arith.constant 80 : i32
    %swap3A_326 = arith.index_cast %swap3A_325 : i32 to index
    %swap3A_327 = arith.constant 0 : index
    %swap3A_328 = tpu.vector_load %arg16[%swap3A_326, %swap3A_327] {strides = array<i32>} : memref<128x16xf32, #tpu.memory_space<vmem>>, vector<16xf32>,
    tpu.vector_store %arg16[%swap3A_326, %swap3A_327], %broadcast_in_dim3A_5 {strides = array<i32>} : memref<128x16xf32, #tpu.memory_space<vmem>>, vector<16xf32>,
    %swap3A_329 = arith.constant 81 : i32
    %swap3A_330 = arith.index_cast %swap3A_329 : i32 to index
    %swap3A_331 = arith.constant 0 : index
    %swap3A_332 = tpu.vector_load %arg16[%swap3A_330, %swap3A_331] {strides = array<i32>} : memref<128x16xf32, #tpu.memory_space<vmem>>, vector<16xf32>,
    tpu.vector_store %arg16[%swap3A_330, %swap3A_331], %broadcast_in_dim3A_5 {strides = array<i32>} : memref<128x16xf32, #tpu.memory_space<vmem>>, vector<16xf32>,
    %swap3A_333 = arith.constant 82 : i32
    %swap3A_334 = arith.index_cast %swap3A_333 : i32 to index
    %swap3A_335 = arith.constant 0 : index
    %swap3A_336 = tpu.vector_load %arg16[%swap3A_334, %swap3A_335] {strides = array<i32>} : memref<128x16xf32, #tpu.memory_space<vmem>>, vector<16xf32>,
    tpu.vector_store %arg16[%swap3A_334, %swap3A_335], %broadcast_in_dim3A_5 {strides = array<i32>} : memref<128x16xf32, #tpu.memory_space<vmem>>, vector<16xf32>,
    %swap3A_337 = arith.constant 83 : i32
    %swap3A_338 = arith.index_cast %swap3A_337 : i32 to index
    %swap3A_339 = arith.constant 0 : index
    %swap3A_340 = tpu.vector_load %arg16[%swap3A_338, %swap3A_339] {strides = array<i32>} : memref<128x16xf32, #tpu.memory_space<vmem>>, vector<16xf32>,
    tpu.vector_store %arg16[%swap3A_338, %swap3A_339], %broadcast_in_dim3A_5 {strides = array<i32>} : memref<128x16xf32, #tpu.memory_space<vmem>>, vector<16xf32>,
    %swap3A_341 = arith.constant 84 : i32
    %swap3A_342 = arith.index_cast %swap3A_341 : i32 to index
    %swap3A_343 = arith.constant 0 : index
    %swap3A_344 = tpu.vector_load %arg16[%swap3A_342, %swap3A_343] {strides = array<i32>} : memref<128x16xf32, #tpu.memory_space<vmem>>, vector<16xf32>,
    tpu.vector_store %arg16[%swap3A_342, %swap3A_343], %broadcast_in_dim3A_5 {strides = array<i32>} : memref<128x16xf32, #tpu.memory_space<vmem>>, vector<16xf32>,
    %swap3A_345 = arith.constant 85 : i32
    %swap3A_346 = arith.index_cast %swap3A_345 : i32 to index
    %swap3A_347 = arith.constant 0 : index
    %swap3A_348 = tpu.vector_load %arg16[%swap3A_346, %swap3A_347] {strides = array<i32>} : memref<128x16xf32, #tpu.memory_space<vmem>>, vector<16xf32>,
    tpu.vector_store %arg16[%swap3A_346, %swap3A_347], %broadcast_in_dim3A_5 {strides = array<i32>} : memref<128x16xf32, #tpu.memory_space<vmem>>, vector<16xf32>,
    %swap3A_349 = arith.constant 86 : i32
    %swap3A_350 = arith.index_cast %swap3A_349 : i32 to index
    %swap3A_351 = arith.constant 0 : index
    %swap3A_352 = tpu.vector_load %arg16[%swap3A_350, %swap3A_351] {strides = array<i32>} : memref<128x16xf32, #tpu.memory_space<vmem>>, vector<16xf32>,
    tpu.vector_store %arg16[%swap3A_350, %swap3A_351], %broadcast_in_dim3A_5 {strides = array<i32>} : memref<128x16xf32, #tpu.memory_space<vmem>>, vector<16xf32>,
    %swap3A_353 = arith.constant 87 : i32
    %swap3A_354 = arith.index_cast %swap3A_353 : i32 to index
    %swap3A_355 = arith.constant 0 : index
    %swap3A_356 = tpu.vector_load %arg16[%swap3A_354, %swap3A_355] {strides = array<i32>} : memref<128x16xf32, #tpu.memory_space<vmem>>, vector<16xf32>,
    tpu.vector_store %arg16[%swap3A_354, %swap3A_355], %broadcast_in_dim3A_5 {strides = array<i32>} : memref<128x16xf32, #tpu.memory_space<vmem>>, vector<16xf32>,
    %swap3A_357 = arith.constant 88 : i32
    %swap3A_358 = arith.index_cast %swap3A_357 : i32 to index
    %swap3A_359 = arith.constant 0 : index
    %swap3A_360 = tpu.vector_load %arg16[%swap3A_358, %swap3A_359] {strides = array<i32>} : memref<128x16xf32, #tpu.memory_space<vmem>>, vector<16xf32>,
    tpu.vector_store %arg16[%swap3A_358, %swap3A_359], %broadcast_in_dim3A_5 {strides = array<i32>} : memref<128x16xf32, #tpu.memory_space<vmem>>, vector<16xf32>,
    %swap3A_361 = arith.constant 89 : i32
    %swap3A_362 = arith.index_cast %swap3A_361 : i32 to index
    %swap3A_363 = arith.constant 0 : index
    %swap3A_364 = tpu.vector_load %arg16[%swap3A_362, %swap3A_363] {strides = array<i32>} : memref<128x16xf32, #tpu.memory_space<vmem>>, vector<16xf32>,
    tpu.vector_store %arg16[%swap3A_362, %swap3A_363], %broadcast_in_dim3A_5 {strides = array<i32>} : memref<128x16xf32, #tpu.memory_space<vmem>>, vector<16xf32>,
    %swap3A_365 = arith.constant 90 : i32
    %swap3A_366 = arith.index_cast %swap3A_365 : i32 to index
    %swap3A_367 = arith.constant 0 : index
    %swap3A_368 = tpu.vector_load %arg16[%swap3A_366, %swap3A_367] {strides = array<i32>} : memref<128x16xf32, #tpu.memory_space<vmem>>, vector<16xf32>,
    tpu.vector_store %arg16[%swap3A_366, %swap3A_367], %broadcast_in_dim3A_5 {strides = array<i32>} : memref<128x16xf32, #tpu.memory_space<vmem>>, vector<16xf32>,
    %swap3A_369 = arith.constant 91 : i32
    %swap3A_370 = arith.index_cast %swap3A_369 : i32 to index
    %swap3A_371 = arith.constant 0 : index
    %swap3A_372 = tpu.vector_load %arg16[%swap3A_370, %swap3A_371] {strides = array<i32>} : memref<128x16xf32, #tpu.memory_space<vmem>>, vector<16xf32>,
    tpu.vector_store %arg16[%swap3A_370, %swap3A_371], %broadcast_in_dim3A_5 {strides = array<i32>} : memref<128x16xf32, #tpu.memory_space<vmem>>, vector<16xf32>,
    %swap3A_373 = arith.constant 92 : i32
    %swap3A_374 = arith.index_cast %swap3A_373 : i32 to index
    %swap3A_375 = arith.constant 0 : index
    %swap3A_376 = tpu.vector_load %arg16[%swap3A_374, %swap3A_375] {strides = array<i32>} : memref<128x16xf32, #tpu.memory_space<vmem>>, vector<16xf32>,
    tpu.vector_store %arg16[%swap3A_374, %swap3A_375], %broadcast_in_dim3A_5 {strides = array<i32>} : memref<128x16xf32, #tpu.memory_space<vmem>>, vector<16xf32>,
    %swap3A_377 = arith.constant 93 : i32
    %swap3A_378 = arith.index_cast %swap3A_377 : i32 to index
    %swap3A_379 = arith.constant 0 : index
    %swap3A_380 = tpu.vector_load %arg16[%swap3A_378, %swap3A_379] {strides = array<i32>} : memref<128x16xf32, #tpu.memory_space<vmem>>, vector<16xf32>,
    tpu.vector_store %arg16[%swap3A_378, %swap3A_379], %broadcast_in_dim3A_5 {strides = array<i32>} : memref<128x16xf32, #tpu.memory_space<vmem>>, vector<16xf32>,
    %swap3A_381 = arith.constant 94 : i32
    %swap3A_382 = arith.index_cast %swap3A_381 : i32 to index
    %swap3A_383 = arith.constant 0 : index
    %swap3A_384 = tpu.vector_load %arg16[%swap3A_382, %swap3A_383] {strides = array<i32>} : memref<128x16xf32, #tpu.memory_space<vmem>>, vector<16xf32>,
    tpu.vector_store %arg16[%swap3A_382, %swap3A_383], %broadcast_in_dim3A_5 {strides = array<i32>} : memref<128x16xf32, #tpu.memory_space<vmem>>, vector<16xf32>,
    %swap3A_385 = arith.constant 95 : i32
    %swap3A_386 = arith.index_cast %swap3A_385 : i32 to index
    %swap3A_387 = arith.constant 0 : index
    %swap3A_388 = tpu.vector_load %arg16[%swap3A_386, %swap3A_387] {strides = array<i32>} : memref<128x16xf32, #tpu.memory_space<vmem>>, vector<16xf32>,
    tpu.vector_store %arg16[%swap3A_386, %swap3A_387], %broadcast_in_dim3A_5 {strides = array<i32>} : memref<128x16xf32, #tpu.memory_space<vmem>>, vector<16xf32>,
    %swap3A_389 = arith.constant 96 : i32
    %swap3A_390 = arith.index_cast %swap3A_389 : i32 to index
    %swap3A_391 = arith.constant 0 : index
    %swap3A_392 = tpu.vector_load %arg16[%swap3A_390, %swap3A_391] {strides = array<i32>} : memref<128x16xf32, #tpu.memory_space<vmem>>, vector<16xf32>,
    tpu.vector_store %arg16[%swap3A_390, %swap3A_391], %broadcast_in_dim3A_5 {strides = array<i32>} : memref<128x16xf32, #tpu.memory_space<vmem>>, vector<16xf32>,
    %swap3A_393 = arith.constant 97 : i32
    %swap3A_394 = arith.index_cast %swap3A_393 : i32 to index
    %swap3A_395 = arith.constant 0 : index
    %swap3A_396 = tpu.vector_load %arg16[%swap3A_394, %swap3A_395] {strides = array<i32>} : memref<128x16xf32, #tpu.memory_space<vmem>>, vector<16xf32>,
    tpu.vector_store %arg16[%swap3A_394, %swap3A_395], %broadcast_in_dim3A_5 {strides = array<i32>} : memref<128x16xf32, #tpu.memory_space<vmem>>, vector<16xf32>,
    %swap3A_397 = arith.constant 98 : i32
    %swap3A_398 = arith.index_cast %swap3A_397 : i32 to index
    %swap3A_399 = arith.constant 0 : index
    %swap3A_400 = tpu.vector_load %arg16[%swap3A_398, %swap3A_399] {strides = array<i32>} : memref<128x16xf32, #tpu.memory_space<vmem>>, vector<16xf32>,
    tpu.vector_store %arg16[%swap3A_398, %swap3A_399], %broadcast_in_dim3A_5 {strides = array<i32>} : memref<128x16xf32, #tpu.memory_space<vmem>>, vector<16xf32>,
    %swap3A_401 = arith.constant 99 : i32
    %swap3A_402 = arith.index_cast %swap3A_401 : i32 to index
    %swap3A_403 = arith.constant 0 : index
    %swap3A_404 = tpu.vector_load %arg16[%swap3A_402, %swap3A_403] {strides = array<i32>} : memref<128x16xf32, #tpu.memory_space<vmem>>, vector<16xf32>,
    tpu.vector_store %arg16[%swap3A_402, %swap3A_403], %broadcast_in_dim3A_5 {strides = array<i32>} : memref<128x16xf32, #tpu.memory_space<vmem>>, vector<16xf32>,
    %swap3A_405 = arith.constant 100 : i32
    %swap3A_406 = arith.index_cast %swap3A_405 : i32 to index
    %swap3A_407 = arith.constant 0 : index
    %swap3A_408 = tpu.vector_load %arg16[%swap3A_406, %swap3A_407] {strides = array<i32>} : memref<128x16xf32, #tpu.memory_space<vmem>>, vector<16xf32>,
    tpu.vector_store %arg16[%swap3A_406, %swap3A_407], %broadcast_in_dim3A_5 {strides = array<i32>} : memref<128x16xf32, #tpu.memory_space<vmem>>, vector<16xf32>,
    %swap3A_409 = arith.constant 101 : i32
    %swap3A_410 = arith.index_cast %swap3A_409 : i32 to index
    %swap3A_411 = arith.constant 0 : index
    %swap3A_412 = tpu.vector_load %arg16[%swap3A_410, %swap3A_411] {strides = array<i32>} : memref<128x16xf32, #tpu.memory_space<vmem>>, vector<16xf32>,
    tpu.vector_store %arg16[%swap3A_410, %swap3A_411], %broadcast_in_dim3A_5 {strides = array<i32>} : memref<128x16xf32, #tpu.memory_space<vmem>>, vector<16xf32>,
    %swap3A_413 = arith.constant 102 : i32
    %swap3A_414 = arith.index_cast %swap3A_413 : i32 to index
    %swap3A_415 = arith.constant 0 : index
    %swap3A_416 = tpu.vector_load %arg16[%swap3A_414, %swap3A_415] {strides = array<i32>} : memref<128x16xf32, #tpu.memory_space<vmem>>, vector<16xf32>,
    tpu.vector_store %arg16[%swap3A_414, %swap3A_415], %broadcast_in_dim3A_5 {strides = array<i32>} : memref<128x16xf32, #tpu.memory_space<vmem>>, vector<16xf32>,
    %swap3A_417 = arith.constant 103 : i32
    %swap3A_418 = arith.index_cast %swap3A_417 : i32 to index
    %swap3A_419 = arith.constant 0 : index
    %swap3A_420 = tpu.vector_load %arg16[%swap3A_418, %swap3A_419] {strides = array<i32>} : memref<128x16xf32, #tpu.memory_space<vmem>>, vector<16xf32>,
    tpu.vector_store %arg16[%swap3A_418, %swap3A_419], %broadcast_in_dim3A_5 {strides = array<i32>} : memref<128x16xf32, #tpu.memory_space<vmem>>, vector<16xf32>,
    %swap3A_421 = arith.constant 104 : i32
    %swap3A_422 = arith.index_cast %swap3A_421 : i32 to index
    %swap3A_423 = arith.constant 0 : index
    %swap3A_424 = tpu.vector_load %arg16[%swap3A_422, %swap3A_423] {strides = array<i32>} : memref<128x16xf32, #tpu.memory_space<vmem>>, vector<16xf32>,
    tpu.vector_store %arg16[%swap3A_422, %swap3A_423], %broadcast_in_dim3A_5 {strides = array<i32>} : memref<128x16xf32, #tpu.memory_space<vmem>>, vector<16xf32>,
    %swap3A_425 = arith.constant 105 : i32
    %swap3A_426 = arith.index_cast %swap3A_425 : i32 to index
    %swap3A_427 = arith.constant 0 : index
    %swap3A_428 = tpu.vector_load %arg16[%swap3A_426, %swap3A_427] {strides = array<i32>} : memref<128x16xf32, #tpu.memory_space<vmem>>, vector<16xf32>,
    tpu.vector_store %arg16[%swap3A_426, %swap3A_427], %broadcast_in_dim3A_5 {strides = array<i32>} : memref<128x16xf32, #tpu.memory_space<vmem>>, vector<16xf32>,
    %swap3A_429 = arith.constant 106 : i32
    %swap3A_430 = arith.index_cast %swap3A_429 : i32 to index
    %swap3A_431 = arith.constant 0 : index
    %swap3A_432 = tpu.vector_load %arg16[%swap3A_430, %swap3A_431] {strides = array<i32>} : memref<128x16xf32, #tpu.memory_space<vmem>>, vector<16xf32>,
    tpu.vector_store %arg16[%swap3A_430, %swap3A_431], %broadcast_in_dim3A_5 {strides = array<i32>} : memref<128x16xf32, #tpu.memory_space<vmem>>, vector<16xf32>,
    %swap3A_433 = arith.constant 107 : i32
    %swap3A_434 = arith.index_cast %swap3A_433 : i32 to index
    %swap3A_435 = arith.constant 0 : index
    %swap3A_436 = tpu.vector_load %arg16[%swap3A_434, %swap3A_435] {strides = array<i32>} : memref<128x16xf32, #tpu.memory_space<vmem>>, vector<16xf32>,
    tpu.vector_store %arg16[%swap3A_434, %swap3A_435], %broadcast_in_dim3A_5 {strides = array<i32>} : memref<128x16xf32, #tpu.memory_space<vmem>>, vector<16xf32>,
    %swap3A_437 = arith.constant 108 : i32
    %swap3A_438 = arith.index_cast %swap3A_437 : i32 to index
    %swap3A_439 = arith.constant 0 : index
    %swap3A_440 = tpu.vector_load %arg16[%swap3A_438, %swap3A_439] {strides = array<i32>} : memref<128x16xf32, #tpu.memory_space<vmem>>, vector<16xf32>,
    tpu.vector_store %arg16[%swap3A_438, %swap3A_439], %broadcast_in_dim3A_5 {strides = array<i32>} : memref<128x16xf32, #tpu.memory_space<vmem>>, vector<16xf32>,
    %swap3A_441 = arith.constant 109 : i32
    %swap3A_442 = arith.index_cast %swap3A_441 : i32 to index
    %swap3A_443 = arith.constant 0 : index
    %swap3A_444 = tpu.vector_load %arg16[%swap3A_442, %swap3A_443] {strides = array<i32>} : memref<128x16xf32, #tpu.memory_space<vmem>>, vector<16xf32>,
    tpu.vector_store %arg16[%swap3A_442, %swap3A_443], %broadcast_in_dim3A_5 {strides = array<i32>} : memref<128x16xf32, #tpu.memory_space<vmem>>, vector<16xf32>,
    %swap3A_445 = arith.constant 110 : i32
    %swap3A_446 = arith.index_cast %swap3A_445 : i32 to index
    %swap3A_447 = arith.constant 0 : index
    %swap3A_448 = tpu.vector_load %arg16[%swap3A_446, %swap3A_447] {strides = array<i32>} : memref<128x16xf32, #tpu.memory_space<vmem>>, vector<16xf32>,
    tpu.vector_store %arg16[%swap3A_446, %swap3A_447], %broadcast_in_dim3A_5 {strides = array<i32>} : memref<128x16xf32, #tpu.memory_space<vmem>>, vector<16xf32>,
    %swap3A_449 = arith.constant 111 : i32
    %swap3A_450 = arith.index_cast %swap3A_449 : i32 to index
    %swap3A_451 = arith.constant 0 : index
    %swap3A_452 = tpu.vector_load %arg16[%swap3A_450, %swap3A_451] {strides = array<i32>} : memref<128x16xf32, #tpu.memory_space<vmem>>, vector<16xf32>,
    tpu.vector_store %arg16[%swap3A_450, %swap3A_451], %broadcast_in_dim3A_5 {strides = array<i32>} : memref<128x16xf32, #tpu.memory_space<vmem>>, vector<16xf32>,
    %swap3A_453 = arith.constant 112 : i32
    %swap3A_454 = arith.index_cast %swap3A_453 : i32 to index
    %swap3A_455 = arith.constant 0 : index
    %swap3A_456 = tpu.vector_load %arg16[%swap3A_454, %swap3A_455] {strides = array<i32>} : memref<128x16xf32, #tpu.memory_space<vmem>>, vector<16xf32>,
    tpu.vector_store %arg16[%swap3A_454, %swap3A_455], %broadcast_in_dim3A_5 {strides = array<i32>} : memref<128x16xf32, #tpu.memory_space<vmem>>, vector<16xf32>,
    %swap3A_457 = arith.constant 113 : i32
    %swap3A_458 = arith.index_cast %swap3A_457 : i32 to index
    %swap3A_459 = arith.constant 0 : index
    %swap3A_460 = tpu.vector_load %arg16[%swap3A_458, %swap3A_459] {strides = array<i32>} : memref<128x16xf32, #tpu.memory_space<vmem>>, vector<16xf32>,
    tpu.vector_store %arg16[%swap3A_458, %swap3A_459], %broadcast_in_dim3A_5 {strides = array<i32>} : memref<128x16xf32, #tpu.memory_space<vmem>>, vector<16xf32>,
    %swap3A_461 = arith.constant 114 : i32
    %swap3A_462 = arith.index_cast %swap3A_461 : i32 to index
    %swap3A_463 = arith.constant 0 : index
    %swap3A_464 = tpu.vector_load %arg16[%swap3A_462, %swap3A_463] {strides = array<i32>} : memref<128x16xf32, #tpu.memory_space<vmem>>, vector<16xf32>,
    tpu.vector_store %arg16[%swap3A_462, %swap3A_463], %broadcast_in_dim3A_5 {strides = array<i32>} : memref<128x16xf32, #tpu.memory_space<vmem>>, vector<16xf32>,
    %swap3A_465 = arith.constant 115 : i32
    %swap3A_466 = arith.index_cast %swap3A_465 : i32 to index
    %swap3A_467 = arith.constant 0 : index
    %swap3A_468 = tpu.vector_load %arg16[%swap3A_466, %swap3A_467] {strides = array<i32>} : memref<128x16xf32, #tpu.memory_space<vmem>>, vector<16xf32>,
    tpu.vector_store %arg16[%swap3A_466, %swap3A_467], %broadcast_in_dim3A_5 {strides = array<i32>} : memref<128x16xf32, #tpu.memory_space<vmem>>, vector<16xf32>,
    %swap3A_469 = arith.constant 116 : i32
    %swap3A_470 = arith.index_cast %swap3A_469 : i32 to index
    %swap3A_471 = arith.constant 0 : index
    %swap3A_472 = tpu.vector_load %arg16[%swap3A_470, %swap3A_471] {strides = array<i32>} : memref<128x16xf32, #tpu.memory_space<vmem>>, vector<16xf32>,
    tpu.vector_store %arg16[%swap3A_470, %swap3A_471], %broadcast_in_dim3A_5 {strides = array<i32>} : memref<128x16xf32, #tpu.memory_space<vmem>>, vector<16xf32>,
    %swap3A_473 = arith.constant 117 : i32
    %swap3A_474 = arith.index_cast %swap3A_473 : i32 to index
    %swap3A_475 = arith.constant 0 : index
    %swap3A_476 = tpu.vector_load %arg16[%swap3A_474, %swap3A_475] {strides = array<i32>} : memref<128x16xf32, #tpu.memory_space<vmem>>, vector<16xf32>,
    tpu.vector_store %arg16[%swap3A_474, %swap3A_475], %broadcast_in_dim3A_5 {strides = array<i32>} : memref<128x16xf32, #tpu.memory_space<vmem>>, vector<16xf32>,
    %swap3A_477 = arith.constant 118 : i32
    %swap3A_478 = arith.index_cast %swap3A_477 : i32 to index
    %swap3A_479 = arith.constant 0 : index
    %swap3A_480 = tpu.vector_load %arg16[%swap3A_478, %swap3A_479] {strides = array<i32>} : memref<128x16xf32, #tpu.memory_space<vmem>>, vector<16xf32>,
    tpu.vector_store %arg16[%swap3A_478, %swap3A_479], %broadcast_in_dim3A_5 {strides = array<i32>} : memref<128x16xf32, #tpu.memory_space<vmem>>, vector<16xf32>,
    %swap3A_481 = arith.constant 119 : i32
    %swap3A_482 = arith.index_cast %swap3A_481 : i32 to index
    %swap3A_483 = arith.constant 0 : index
    %swap3A_484 = tpu.vector_load %arg16[%swap3A_482, %swap3A_483] {strides = array<i32>} : memref<128x16xf32, #tpu.memory_space<vmem>>, vector<16xf32>,
    tpu.vector_store %arg16[%swap3A_482, %swap3A_483], %broadcast_in_dim3A_5 {strides = array<i32>} : memref<128x16xf32, #tpu.memory_space<vmem>>, vector<16xf32>,
    %swap3A_485 = arith.constant 120 : i32
    %swap3A_486 = arith.index_cast %swap3A_485 : i32 to index
    %swap3A_487 = arith.constant 0 : index
    %swap3A_488 = tpu.vector_load %arg16[%swap3A_486, %swap3A_487] {strides = array<i32>} : memref<128x16xf32, #tpu.memory_space<vmem>>, vector<16xf32>,
    tpu.vector_store %arg16[%swap3A_486, %swap3A_487], %broadcast_in_dim3A_5 {strides = array<i32>} : memref<128x16xf32, #tpu.memory_space<vmem>>, vector<16xf32>,
    %swap3A_489 = arith.constant 121 : i32
    %swap3A_490 = arith.index_cast %swap3A_489 : i32 to index
    %swap3A_491 = arith.constant 0 : index
    %swap3A_492 = tpu.vector_load %arg16[%swap3A_490, %swap3A_491] {strides = array<i32>} : memref<128x16xf32, #tpu.memory_space<vmem>>, vector<16xf32>,
    tpu.vector_store %arg16[%swap3A_490, %swap3A_491], %broadcast_in_dim3A_5 {strides = array<i32>} : memref<128x16xf32, #tpu.memory_space<vmem>>, vector<16xf32>,
    %swap3A_493 = arith.constant 122 : i32
    %swap3A_494 = arith.index_cast %swap3A_493 : i32 to index
    %swap3A_495 = arith.constant 0 : index
    %swap3A_496 = tpu.vector_load %arg16[%swap3A_494, %swap3A_495] {strides = array<i32>} : memref<128x16xf32, #tpu.memory_space<vmem>>, vector<16xf32>,
    tpu.vector_store %arg16[%swap3A_494, %swap3A_495], %broadcast_in_dim3A_5 {strides = array<i32>} : memref<128x16xf32, #tpu.memory_space<vmem>>, vector<16xf32>,
    %swap3A_497 = arith.constant 123 : i32
    %swap3A_498 = arith.index_cast %swap3A_497 : i32 to index
    %swap3A_499 = arith.constant 0 : index
    %swap3A_500 = tpu.vector_load %arg16[%swap3A_498, %swap3A_499] {strides = array<i32>} : memref<128x16xf32, #tpu.memory_space<vmem>>, vector<16xf32>,
    tpu.vector_store %arg16[%swap3A_498, %swap3A_499], %broadcast_in_dim3A_5 {strides = array<i32>} : memref<128x16xf32, #tpu.memory_space<vmem>>, vector<16xf32>,
    %swap3A_501 = arith.constant 124 : i32
    %swap3A_502 = arith.index_cast %swap3A_501 : i32 to index
    %swap3A_503 = arith.constant 0 : index
    %swap3A_504 = tpu.vector_load %arg16[%swap3A_502, %swap3A_503] {strides = array<i32>} : memref<128x16xf32, #tpu.memory_space<vmem>>, vector<16xf32>,
    tpu.vector_store %arg16[%swap3A_502, %swap3A_503], %broadcast_in_dim3A_5 {strides = array<i32>} : memref<128x16xf32, #tpu.memory_space<vmem>>, vector<16xf32>,
    %swap3A_505 = arith.constant 125 : i32
    %swap3A_506 = arith.index_cast %swap3A_505 : i32 to index
    %swap3A_507 = arith.constant 0 : index
    %swap3A_508 = tpu.vector_load %arg16[%swap3A_506, %swap3A_507] {strides = array<i32>} : memref<128x16xf32, #tpu.memory_space<vmem>>, vector<16xf32>,
    tpu.vector_store %arg16[%swap3A_506, %swap3A_507], %broadcast_in_dim3A_5 {strides = array<i32>} : memref<128x16xf32, #tpu.memory_space<vmem>>, vector<16xf32>,
    %swap3A_509 = arith.constant 126 : i32
    %swap3A_510 = arith.index_cast %swap3A_509 : i32 to index
    %swap3A_511 = arith.constant 0 : index
    %swap3A_512 = tpu.vector_load %arg16[%swap3A_510, %swap3A_511] {strides = array<i32>} : memref<128x16xf32, #tpu.memory_space<vmem>>, vector<16xf32>,
    tpu.vector_store %arg16[%swap3A_510, %swap3A_511], %broadcast_in_dim3A_5 {strides = array<i32>} : memref<128x16xf32, #tpu.memory_space<vmem>>, vector<16xf32>,
    %swap3A_513 = arith.constant 127 : i32
    %swap3A_514 = arith.index_cast %swap3A_513 : i32 to index
    %swap3A_515 = arith.constant 0 : index
    %swap3A_516 = tpu.vector_load %arg16[%swap3A_514, %swap3A_515] {strides = array<i32>} : memref<128x16xf32, #tpu.memory_space<vmem>>, vector<16xf32>,
    tpu.vector_store %arg16[%swap3A_514, %swap3A_515], %broadcast_in_dim3A_5 {strides = array<i32>} : memref<128x16xf32, #tpu.memory_space<vmem>>, vector<16xf32>,
    %iota3A = tpu.iota {dimensions = array<i32: 0>} : vector<16xi32>
    %while3A = arith.constant 0 : i32
    %while3A_517 = arith.constant 0 : i32
    %while3A_518 = arith.subi %add3A_4, %while3A_517 : i32
    %while3A_519 = arith.addi %while3A_517, %while3A_518 : i32
    %while3A_520 = arith.constant 1 : i32
    %while3A_521 = arith.divsi %while3A_518, %while3A_520 : i32
    %while3A_522 = arith.muli %while3A_521, %while3A_520 : i32
    %while3A_523 = arith.addi %while3A_517, %while3A_522 : i32
    %while3A_524 = arith.constant 1 : i32
    scf.for %while3A_526 = %while3A_517 to %while3A_523 step %while3A_524  : i32 {
      %mul3A_527 = arith.constant 32 : i32
      %mul3A_528 = arith.muli %while3A_526, %mul3A_527 : i32
      %add3A_529 = arith.addi %mul3A_528, %add3A : i32
      %mul3A_530 = arith.constant 128 : i32
      %mul3A_531 = arith.muli %add3A_529, %mul3A_530 : i32
      %dma_start3A = tpu.memref_slice %arg7[%mul3A_531] : memref<320000xi32, #tpu.memory_space<hbm>> -> memref<128xi32, #tpu.memory_space<hbm>>
      %dma_start3A_532 = tpu.memref_slice %arg7[%mul3A_531] : memref<320000xi32, #tpu.memory_space<hbm>> -> memref<128xi32, #tpu.memory_space<hbm>>
      tpu.enqueue_dma source(%dma_start3A_532 : memref<128xi32, #tpu.memory_space<hbm>>) target(%arg12 : memref<128xi32, #tpu.memory_space<vmem>>) target_semaphore(%arg20 : memref<!tpu.dma_semaphore, #tpu.memory_space<semaphore_mem>>)
      %dma_start3A_533 = tpu.memref_slice %arg8[%mul3A_531] : memref<320000xi32, #tpu.memory_space<hbm>> -> memref<128xi32, #tpu.memory_space<hbm>>
      %dma_start3A_534 = tpu.memref_slice %arg8[%mul3A_531] : memref<320000xi32, #tpu.memory_space<hbm>> -> memref<128xi32, #tpu.memory_space<hbm>>
      tpu.enqueue_dma source(%dma_start3A_534 : memref<128xi32, #tpu.memory_space<hbm>>) target(%arg13 : memref<128xi32, #tpu.memory_space<vmem>>) target_semaphore(%arg21 : memref<!tpu.dma_semaphore, #tpu.memory_space<semaphore_mem>>)
      %dma_wait3A = tpu.memref_slice %arg7[%mul3A_531] : memref<320000xi32, #tpu.memory_space<hbm>> -> memref<128xi32, #tpu.memory_space<hbm>>
      %dma_wait3A_535 = tpu.memref_slice %arg7[%mul3A_531] : memref<320000xi32, #tpu.memory_space<hbm>> -> memref<128xi32, #tpu.memory_space<hbm>>
      tpu.wait_dma2 semaphore(%arg20 : memref<!tpu.dma_semaphore, #tpu.memory_space<semaphore_mem>>) src(%dma_wait3A_535 : memref<128xi32, #tpu.memory_space<hbm>>) dst(%arg12 : memref<128xi32, #tpu.memory_space<vmem>>)
      %dma_wait3A_536 = tpu.memref_slice %arg8[%mul3A_531] : memref<320000xi32, #tpu.memory_space<hbm>> -> memref<128xi32, #tpu.memory_space<hbm>>
      %dma_wait3A_537 = tpu.memref_slice %arg8[%mul3A_531] : memref<320000xi32, #tpu.memory_space<hbm>> -> memref<128xi32, #tpu.memory_space<hbm>>
      tpu.wait_dma2 semaphore(%arg21 : memref<!tpu.dma_semaphore, #tpu.memory_space<semaphore_mem>>) src(%dma_wait3A_537 : memref<128xi32, #tpu.memory_space<hbm>>) dst(%arg13 : memref<128xi32, #tpu.memory_space<vmem>>)
      %dma_start3A_538 = arith.constant 0 : i32
      %dma_start3A_539 = arith.constant 0 : i32
      %dma_start3A_540 = tpu.memref_slice %arg2[%dma_start3A_538, %dma_start3A_539] : memref<10000x128xf32, #tpu.memory_space<hbm>> -> memref<10000x128xf32, #tpu.memory_space<hbm>>
      tpu.enqueue_indirect_dma source(%dma_start3A_540 : memref<10000x128xf32, #tpu.memory_space<hbm>>) target(%arg14 : memref<128x128xf32, #tpu.memory_space<vmem>>) offsets(%arg12 : memref<128xi32, #tpu.memory_space<vmem>>) semaphore(%arg20 : memref<!tpu.dma_semaphore, #tpu.memory_space<semaphore_mem>>)
      %dma_start3A_541 = arith.constant 0 : i32
      %dma_start3A_542 = arith.constant 0 : i32
      %dma_start3A_543 = tpu.memref_slice %arg3[%dma_start3A_541, %dma_start3A_542] : memref<10000x128xf32, #tpu.memory_space<hbm>> -> memref<10000x128xf32, #tpu.memory_space<hbm>>
      tpu.enqueue_indirect_dma source(%dma_start3A_543 : memref<10000x128xf32, #tpu.memory_space<hbm>>) target(%arg15 : memref<128x128xf32, #tpu.memory_space<vmem>>) offsets(%arg13 : memref<128xi32, #tpu.memory_space<vmem>>) semaphore(%arg21 : memref<!tpu.dma_semaphore, #tpu.memory_space<semaphore_mem>>)
      %get3A = arith.constant 0 : index
      %get3A_544 = tpu.vector_load %arg12[%get3A] {strides = array<i32>} : memref<128xi32, #tpu.memory_space<vmem>>, vector<16xi32>,
      %get3A_545 = arith.constant 0 : index
      %get3A_546 = tpu.vector_load %arg13[%get3A_545] {strides = array<i32>} : memref<128xi32, #tpu.memory_space<vmem>>, vector<16xi32>,
      %add3A_547 = arith.constant 0 : i32
      %add3A_548 = vector.broadcast %add3A_547 : i32 to vector<16xi32>
      %add3A_549 = arith.addi %add3A_548, %iota3A : vector<16xi32>
      %gather3A = tpu.vector_load_idx %arg17[%get3A_544] : memref<10000xf32, #tpu.memory_space<vmem>>[vector<16xi32>], vector<16xf32>,
      %gather3A_550 = tpu.vector_load_idx %arg17[%get3A_546] : memref<10000xf32, #tpu.memory_space<vmem>>[vector<16xi32>], vector<16xf32>,
      %sub3A = arith.subf %gather3A, %gather3A_550 : vector<16xf32>
      %broadcast_in_dim3A_551 = arith.constant 0 : i32
      %broadcast_in_dim3A_552 = vector.broadcast %broadcast_in_dim3A_551 : i32 to vector<16xi32>
      tpu.vector_store_idx %arg16[%add3A_549, %broadcast_in_dim3A_552], %sub3A : memref<128x16xf32, #tpu.memory_space<vmem>>[vector<16xi32>, vector<16xi32>], vector<16xf32>,
      %gather3A_553 = tpu.vector_load_idx %arg18[%get3A_544] : memref<10000xf32, #tpu.memory_space<vmem>>[vector<16xi32>], vector<16xf32>,
      %gather3A_554 = tpu.vector_load_idx %arg18[%get3A_546] : memref<10000xf32, #tpu.memory_space<vmem>>[vector<16xi32>], vector<16xf32>,
      %sub3A_555 = arith.subf %gather3A_553, %gather3A_554 : vector<16xf32>
      %broadcast_in_dim3A_556 = arith.constant 1 : i32
      %broadcast_in_dim3A_557 = vector.broadcast %broadcast_in_dim3A_556 : i32 to vector<16xi32>
      tpu.vector_store_idx %arg16[%add3A_549, %broadcast_in_dim3A_557], %sub3A_555 : memref<128x16xf32, #tpu.memory_space<vmem>>[vector<16xi32>, vector<16xi32>], vector<16xf32>,
      %gather3A_558 = tpu.vector_load_idx %arg19[%get3A_544] : memref<10000xf32, #tpu.memory_space<vmem>>[vector<16xi32>], vector<16xf32>,
      %gather3A_559 = tpu.vector_load_idx %arg19[%get3A_546] : memref<10000xf32, #tpu.memory_space<vmem>>[vector<16xi32>], vector<16xf32>,
      %sub3A_560 = arith.subf %gather3A_558, %gather3A_559 : vector<16xf32>
      %broadcast_in_dim3A_561 = arith.constant 2 : i32
      %broadcast_in_dim3A_562 = vector.broadcast %broadcast_in_dim3A_561 : i32 to vector<16xi32>
      tpu.vector_store_idx %arg16[%add3A_549, %broadcast_in_dim3A_562], %sub3A_560 : memref<128x16xf32, #tpu.memory_space<vmem>>[vector<16xi32>, vector<16xi32>], vector<16xf32>,
      %get3A_563 = arith.constant 16 : index
      %get3A_564 = tpu.vector_load %arg12[%get3A_563] {strides = array<i32>} : memref<128xi32, #tpu.memory_space<vmem>>, vector<16xi32>,
      %get3A_565 = arith.constant 16 : index
      %get3A_566 = tpu.vector_load %arg13[%get3A_565] {strides = array<i32>} : memref<128xi32, #tpu.memory_space<vmem>>, vector<16xi32>,
      %add3A_567 = arith.constant 16 : i32
      %add3A_568 = vector.broadcast %add3A_567 : i32 to vector<16xi32>
      %add3A_569 = arith.addi %add3A_568, %iota3A : vector<16xi32>
      %gather3A_570 = tpu.vector_load_idx %arg17[%get3A_564] : memref<10000xf32, #tpu.memory_space<vmem>>[vector<16xi32>], vector<16xf32>,
      %gather3A_571 = tpu.vector_load_idx %arg17[%get3A_566] : memref<10000xf32, #tpu.memory_space<vmem>>[vector<16xi32>], vector<16xf32>,
      %sub3A_572 = arith.subf %gather3A_570, %gather3A_571 : vector<16xf32>
      %broadcast_in_dim3A_573 = arith.constant 0 : i32
      %broadcast_in_dim3A_574 = vector.broadcast %broadcast_in_dim3A_573 : i32 to vector<16xi32>
      tpu.vector_store_idx %arg16[%add3A_569, %broadcast_in_dim3A_574], %sub3A_572 : memref<128x16xf32, #tpu.memory_space<vmem>>[vector<16xi32>, vector<16xi32>], vector<16xf32>,
      %gather3A_575 = tpu.vector_load_idx %arg18[%get3A_564] : memref<10000xf32, #tpu.memory_space<vmem>>[vector<16xi32>], vector<16xf32>,
      %gather3A_576 = tpu.vector_load_idx %arg18[%get3A_566] : memref<10000xf32, #tpu.memory_space<vmem>>[vector<16xi32>], vector<16xf32>,
      %sub3A_577 = arith.subf %gather3A_575, %gather3A_576 : vector<16xf32>
      %broadcast_in_dim3A_578 = arith.constant 1 : i32
      %broadcast_in_dim3A_579 = vector.broadcast %broadcast_in_dim3A_578 : i32 to vector<16xi32>
      tpu.vector_store_idx %arg16[%add3A_569, %broadcast_in_dim3A_579], %sub3A_577 : memref<128x16xf32, #tpu.memory_space<vmem>>[vector<16xi32>, vector<16xi32>], vector<16xf32>,
      %gather3A_580 = tpu.vector_load_idx %arg19[%get3A_564] : memref<10000xf32, #tpu.memory_space<vmem>>[vector<16xi32>], vector<16xf32>,
      %gather3A_581 = tpu.vector_load_idx %arg19[%get3A_566] : memref<10000xf32, #tpu.memory_space<vmem>>[vector<16xi32>], vector<16xf32>,
      %sub3A_582 = arith.subf %gather3A_580, %gather3A_581 : vector<16xf32>
      %broadcast_in_dim3A_583 = arith.constant 2 : i32
      %broadcast_in_dim3A_584 = vector.broadcast %broadcast_in_dim3A_583 : i32 to vector<16xi32>
      tpu.vector_store_idx %arg16[%add3A_569, %broadcast_in_dim3A_584], %sub3A_582 : memref<128x16xf32, #tpu.memory_space<vmem>>[vector<16xi32>, vector<16xi32>], vector<16xf32>,
      %get3A_585 = arith.constant 32 : index
      %get3A_586 = tpu.vector_load %arg12[%get3A_585] {strides = array<i32>} : memref<128xi32, #tpu.memory_space<vmem>>, vector<16xi32>,
      %get3A_587 = arith.constant 32 : index
      %get3A_588 = tpu.vector_load %arg13[%get3A_587] {strides = array<i32>} : memref<128xi32, #tpu.memory_space<vmem>>, vector<16xi32>,
      %add3A_589 = arith.constant 32 : i32
      %add3A_590 = vector.broadcast %add3A_589 : i32 to vector<16xi32>
      %add3A_591 = arith.addi %add3A_590, %iota3A : vector<16xi32>
      %gather3A_592 = tpu.vector_load_idx %arg17[%get3A_586] : memref<10000xf32, #tpu.memory_space<vmem>>[vector<16xi32>], vector<16xf32>,
      %gather3A_593 = tpu.vector_load_idx %arg17[%get3A_588] : memref<10000xf32, #tpu.memory_space<vmem>>[vector<16xi32>], vector<16xf32>,
      %sub3A_594 = arith.subf %gather3A_592, %gather3A_593 : vector<16xf32>
      %broadcast_in_dim3A_595 = arith.constant 0 : i32
      %broadcast_in_dim3A_596 = vector.broadcast %broadcast_in_dim3A_595 : i32 to vector<16xi32>
      tpu.vector_store_idx %arg16[%add3A_591, %broadcast_in_dim3A_596], %sub3A_594 : memref<128x16xf32, #tpu.memory_space<vmem>>[vector<16xi32>, vector<16xi32>], vector<16xf32>,
      %gather3A_597 = tpu.vector_load_idx %arg18[%get3A_586] : memref<10000xf32, #tpu.memory_space<vmem>>[vector<16xi32>], vector<16xf32>,
      %gather3A_598 = tpu.vector_load_idx %arg18[%get3A_588] : memref<10000xf32, #tpu.memory_space<vmem>>[vector<16xi32>], vector<16xf32>,
      %sub3A_599 = arith.subf %gather3A_597, %gather3A_598 : vector<16xf32>
      %broadcast_in_dim3A_600 = arith.constant 1 : i32
      %broadcast_in_dim3A_601 = vector.broadcast %broadcast_in_dim3A_600 : i32 to vector<16xi32>
      tpu.vector_store_idx %arg16[%add3A_591, %broadcast_in_dim3A_601], %sub3A_599 : memref<128x16xf32, #tpu.memory_space<vmem>>[vector<16xi32>, vector<16xi32>], vector<16xf32>,
      %gather3A_602 = tpu.vector_load_idx %arg19[%get3A_586] : memref<10000xf32, #tpu.memory_space<vmem>>[vector<16xi32>], vector<16xf32>,
      %gather3A_603 = tpu.vector_load_idx %arg19[%get3A_588] : memref<10000xf32, #tpu.memory_space<vmem>>[vector<16xi32>], vector<16xf32>,
      %sub3A_604 = arith.subf %gather3A_602, %gather3A_603 : vector<16xf32>
      %broadcast_in_dim3A_605 = arith.constant 2 : i32
      %broadcast_in_dim3A_606 = vector.broadcast %broadcast_in_dim3A_605 : i32 to vector<16xi32>
      tpu.vector_store_idx %arg16[%add3A_591, %broadcast_in_dim3A_606], %sub3A_604 : memref<128x16xf32, #tpu.memory_space<vmem>>[vector<16xi32>, vector<16xi32>], vector<16xf32>,
      %get3A_607 = arith.constant 48 : index
      %get3A_608 = tpu.vector_load %arg12[%get3A_607] {strides = array<i32>} : memref<128xi32, #tpu.memory_space<vmem>>, vector<16xi32>,
      %get3A_609 = arith.constant 48 : index
      %get3A_610 = tpu.vector_load %arg13[%get3A_609] {strides = array<i32>} : memref<128xi32, #tpu.memory_space<vmem>>, vector<16xi32>,
      %add3A_611 = arith.constant 48 : i32
      %add3A_612 = vector.broadcast %add3A_611 : i32 to vector<16xi32>
      %add3A_613 = arith.addi %add3A_612, %iota3A : vector<16xi32>
      %gather3A_614 = tpu.vector_load_idx %arg17[%get3A_608] : memref<10000xf32, #tpu.memory_space<vmem>>[vector<16xi32>], vector<16xf32>,
      %gather3A_615 = tpu.vector_load_idx %arg17[%get3A_610] : memref<10000xf32, #tpu.memory_space<vmem>>[vector<16xi32>], vector<16xf32>,
      %sub3A_616 = arith.subf %gather3A_614, %gather3A_615 : vector<16xf32>
      %broadcast_in_dim3A_617 = arith.constant 0 : i32
      %broadcast_in_dim3A_618 = vector.broadcast %broadcast_in_dim3A_617 : i32 to vector<16xi32>
      tpu.vector_store_idx %arg16[%add3A_613, %broadcast_in_dim3A_618], %sub3A_616 : memref<128x16xf32, #tpu.memory_space<vmem>>[vector<16xi32>, vector<16xi32>], vector<16xf32>,
      %gather3A_619 = tpu.vector_load_idx %arg18[%get3A_608] : memref<10000xf32, #tpu.memory_space<vmem>>[vector<16xi32>], vector<16xf32>,
      %gather3A_620 = tpu.vector_load_idx %arg18[%get3A_610] : memref<10000xf32, #tpu.memory_space<vmem>>[vector<16xi32>], vector<16xf32>,
      %sub3A_621 = arith.subf %gather3A_619, %gather3A_620 : vector<16xf32>
      %broadcast_in_dim3A_622 = arith.constant 1 : i32
      %broadcast_in_dim3A_623 = vector.broadcast %broadcast_in_dim3A_622 : i32 to vector<16xi32>
      tpu.vector_store_idx %arg16[%add3A_613, %broadcast_in_dim3A_623], %sub3A_621 : memref<128x16xf32, #tpu.memory_space<vmem>>[vector<16xi32>, vector<16xi32>], vector<16xf32>,
      %gather3A_624 = tpu.vector_load_idx %arg19[%get3A_608] : memref<10000xf32, #tpu.memory_space<vmem>>[vector<16xi32>], vector<16xf32>,
      %gather3A_625 = tpu.vector_load_idx %arg19[%get3A_610] : memref<10000xf32, #tpu.memory_space<vmem>>[vector<16xi32>], vector<16xf32>,
      %sub3A_626 = arith.subf %gather3A_624, %gather3A_625 : vector<16xf32>
      %broadcast_in_dim3A_627 = arith.constant 2 : i32
      %broadcast_in_dim3A_628 = vector.broadcast %broadcast_in_dim3A_627 : i32 to vector<16xi32>
      tpu.vector_store_idx %arg16[%add3A_613, %broadcast_in_dim3A_628], %sub3A_626 : memref<128x16xf32, #tpu.memory_space<vmem>>[vector<16xi32>, vector<16xi32>], vector<16xf32>,
      %get3A_629 = arith.constant 64 : index
      %get3A_630 = tpu.vector_load %arg12[%get3A_629] {strides = array<i32>} : memref<128xi32, #tpu.memory_space<vmem>>, vector<16xi32>,
      %get3A_631 = arith.constant 64 : index
      %get3A_632 = tpu.vector_load %arg13[%get3A_631] {strides = array<i32>} : memref<128xi32, #tpu.memory_space<vmem>>, vector<16xi32>,
      %add3A_633 = arith.constant 64 : i32
      %add3A_634 = vector.broadcast %add3A_633 : i32 to vector<16xi32>
      %add3A_635 = arith.addi %add3A_634, %iota3A : vector<16xi32>
      %gather3A_636 = tpu.vector_load_idx %arg17[%get3A_630] : memref<10000xf32, #tpu.memory_space<vmem>>[vector<16xi32>], vector<16xf32>,
      %gather3A_637 = tpu.vector_load_idx %arg17[%get3A_632] : memref<10000xf32, #tpu.memory_space<vmem>>[vector<16xi32>], vector<16xf32>,
      %sub3A_638 = arith.subf %gather3A_636, %gather3A_637 : vector<16xf32>
      %broadcast_in_dim3A_639 = arith.constant 0 : i32
      %broadcast_in_dim3A_640 = vector.broadcast %broadcast_in_dim3A_639 : i32 to vector<16xi32>
      tpu.vector_store_idx %arg16[%add3A_635, %broadcast_in_dim3A_640], %sub3A_638 : memref<128x16xf32, #tpu.memory_space<vmem>>[vector<16xi32>, vector<16xi32>], vector<16xf32>,
      %gather3A_641 = tpu.vector_load_idx %arg18[%get3A_630] : memref<10000xf32, #tpu.memory_space<vmem>>[vector<16xi32>], vector<16xf32>,
      %gather3A_642 = tpu.vector_load_idx %arg18[%get3A_632] : memref<10000xf32, #tpu.memory_space<vmem>>[vector<16xi32>], vector<16xf32>,
      %sub3A_643 = arith.subf %gather3A_641, %gather3A_642 : vector<16xf32>
      %broadcast_in_dim3A_644 = arith.constant 1 : i32
      %broadcast_in_dim3A_645 = vector.broadcast %broadcast_in_dim3A_644 : i32 to vector<16xi32>
      tpu.vector_store_idx %arg16[%add3A_635, %broadcast_in_dim3A_645], %sub3A_643 : memref<128x16xf32, #tpu.memory_space<vmem>>[vector<16xi32>, vector<16xi32>], vector<16xf32>,
      %gather3A_646 = tpu.vector_load_idx %arg19[%get3A_630] : memref<10000xf32, #tpu.memory_space<vmem>>[vector<16xi32>], vector<16xf32>,
      %gather3A_647 = tpu.vector_load_idx %arg19[%get3A_632] : memref<10000xf32, #tpu.memory_space<vmem>>[vector<16xi32>], vector<16xf32>,
      %sub3A_648 = arith.subf %gather3A_646, %gather3A_647 : vector<16xf32>
      %broadcast_in_dim3A_649 = arith.constant 2 : i32
      %broadcast_in_dim3A_650 = vector.broadcast %broadcast_in_dim3A_649 : i32 to vector<16xi32>
      tpu.vector_store_idx %arg16[%add3A_635, %broadcast_in_dim3A_650], %sub3A_648 : memref<128x16xf32, #tpu.memory_space<vmem>>[vector<16xi32>, vector<16xi32>], vector<16xf32>,
      %get3A_651 = arith.constant 80 : index
      %get3A_652 = tpu.vector_load %arg12[%get3A_651] {strides = array<i32>} : memref<128xi32, #tpu.memory_space<vmem>>, vector<16xi32>,
      %get3A_653 = arith.constant 80 : index
      %get3A_654 = tpu.vector_load %arg13[%get3A_653] {strides = array<i32>} : memref<128xi32, #tpu.memory_space<vmem>>, vector<16xi32>,
      %add3A_655 = arith.constant 80 : i32
      %add3A_656 = vector.broadcast %add3A_655 : i32 to vector<16xi32>
      %add3A_657 = arith.addi %add3A_656, %iota3A : vector<16xi32>
      %gather3A_658 = tpu.vector_load_idx %arg17[%get3A_652] : memref<10000xf32, #tpu.memory_space<vmem>>[vector<16xi32>], vector<16xf32>,
      %gather3A_659 = tpu.vector_load_idx %arg17[%get3A_654] : memref<10000xf32, #tpu.memory_space<vmem>>[vector<16xi32>], vector<16xf32>,
      %sub3A_660 = arith.subf %gather3A_658, %gather3A_659 : vector<16xf32>
      %broadcast_in_dim3A_661 = arith.constant 0 : i32
      %broadcast_in_dim3A_662 = vector.broadcast %broadcast_in_dim3A_661 : i32 to vector<16xi32>
      tpu.vector_store_idx %arg16[%add3A_657, %broadcast_in_dim3A_662], %sub3A_660 : memref<128x16xf32, #tpu.memory_space<vmem>>[vector<16xi32>, vector<16xi32>], vector<16xf32>,
      %gather3A_663 = tpu.vector_load_idx %arg18[%get3A_652] : memref<10000xf32, #tpu.memory_space<vmem>>[vector<16xi32>], vector<16xf32>,
      %gather3A_664 = tpu.vector_load_idx %arg18[%get3A_654] : memref<10000xf32, #tpu.memory_space<vmem>>[vector<16xi32>], vector<16xf32>,
      %sub3A_665 = arith.subf %gather3A_663, %gather3A_664 : vector<16xf32>
      %broadcast_in_dim3A_666 = arith.constant 1 : i32
      %broadcast_in_dim3A_667 = vector.broadcast %broadcast_in_dim3A_666 : i32 to vector<16xi32>
      tpu.vector_store_idx %arg16[%add3A_657, %broadcast_in_dim3A_667], %sub3A_665 : memref<128x16xf32, #tpu.memory_space<vmem>>[vector<16xi32>, vector<16xi32>], vector<16xf32>,
      %gather3A_668 = tpu.vector_load_idx %arg19[%get3A_652] : memref<10000xf32, #tpu.memory_space<vmem>>[vector<16xi32>], vector<16xf32>,
      %gather3A_669 = tpu.vector_load_idx %arg19[%get3A_654] : memref<10000xf32, #tpu.memory_space<vmem>>[vector<16xi32>], vector<16xf32>,
      %sub3A_670 = arith.subf %gather3A_668, %gather3A_669 : vector<16xf32>
      %broadcast_in_dim3A_671 = arith.constant 2 : i32
      %broadcast_in_dim3A_672 = vector.broadcast %broadcast_in_dim3A_671 : i32 to vector<16xi32>
      tpu.vector_store_idx %arg16[%add3A_657, %broadcast_in_dim3A_672], %sub3A_670 : memref<128x16xf32, #tpu.memory_space<vmem>>[vector<16xi32>, vector<16xi32>], vector<16xf32>,
      %get3A_673 = arith.constant 96 : index
      %get3A_674 = tpu.vector_load %arg12[%get3A_673] {strides = array<i32>} : memref<128xi32, #tpu.memory_space<vmem>>, vector<16xi32>,
      %get3A_675 = arith.constant 96 : index
      %get3A_676 = tpu.vector_load %arg13[%get3A_675] {strides = array<i32>} : memref<128xi32, #tpu.memory_space<vmem>>, vector<16xi32>,
      %add3A_677 = arith.constant 96 : i32
      %add3A_678 = vector.broadcast %add3A_677 : i32 to vector<16xi32>
      %add3A_679 = arith.addi %add3A_678, %iota3A : vector<16xi32>
      %gather3A_680 = tpu.vector_load_idx %arg17[%get3A_674] : memref<10000xf32, #tpu.memory_space<vmem>>[vector<16xi32>], vector<16xf32>,
      %gather3A_681 = tpu.vector_load_idx %arg17[%get3A_676] : memref<10000xf32, #tpu.memory_space<vmem>>[vector<16xi32>], vector<16xf32>,
      %sub3A_682 = arith.subf %gather3A_680, %gather3A_681 : vector<16xf32>
      %broadcast_in_dim3A_683 = arith.constant 0 : i32
      %broadcast_in_dim3A_684 = vector.broadcast %broadcast_in_dim3A_683 : i32 to vector<16xi32>
      tpu.vector_store_idx %arg16[%add3A_679, %broadcast_in_dim3A_684], %sub3A_682 : memref<128x16xf32, #tpu.memory_space<vmem>>[vector<16xi32>, vector<16xi32>], vector<16xf32>,
      %gather3A_685 = tpu.vector_load_idx %arg18[%get3A_674] : memref<10000xf32, #tpu.memory_space<vmem>>[vector<16xi32>], vector<16xf32>,
      %gather3A_686 = tpu.vector_load_idx %arg18[%get3A_676] : memref<10000xf32, #tpu.memory_space<vmem>>[vector<16xi32>], vector<16xf32>,
      %sub3A_687 = arith.subf %gather3A_685, %gather3A_686 : vector<16xf32>
      %broadcast_in_dim3A_688 = arith.constant 1 : i32
      %broadcast_in_dim3A_689 = vector.broadcast %broadcast_in_dim3A_688 : i32 to vector<16xi32>
      tpu.vector_store_idx %arg16[%add3A_679, %broadcast_in_dim3A_689], %sub3A_687 : memref<128x16xf32, #tpu.memory_space<vmem>>[vector<16xi32>, vector<16xi32>], vector<16xf32>,
      %gather3A_690 = tpu.vector_load_idx %arg19[%get3A_674] : memref<10000xf32, #tpu.memory_space<vmem>>[vector<16xi32>], vector<16xf32>,
      %gather3A_691 = tpu.vector_load_idx %arg19[%get3A_676] : memref<10000xf32, #tpu.memory_space<vmem>>[vector<16xi32>], vector<16xf32>,
      %sub3A_692 = arith.subf %gather3A_690, %gather3A_691 : vector<16xf32>
      %broadcast_in_dim3A_693 = arith.constant 2 : i32
      %broadcast_in_dim3A_694 = vector.broadcast %broadcast_in_dim3A_693 : i32 to vector<16xi32>
      tpu.vector_store_idx %arg16[%add3A_679, %broadcast_in_dim3A_694], %sub3A_692 : memref<128x16xf32, #tpu.memory_space<vmem>>[vector<16xi32>, vector<16xi32>], vector<16xf32>,
      %get3A_695 = arith.constant 112 : index
      %get3A_696 = tpu.vector_load %arg12[%get3A_695] {strides = array<i32>} : memref<128xi32, #tpu.memory_space<vmem>>, vector<16xi32>,
      %get3A_697 = arith.constant 112 : index
      %get3A_698 = tpu.vector_load %arg13[%get3A_697] {strides = array<i32>} : memref<128xi32, #tpu.memory_space<vmem>>, vector<16xi32>,
      %add3A_699 = arith.constant 112 : i32
      %add3A_700 = vector.broadcast %add3A_699 : i32 to vector<16xi32>
      %add3A_701 = arith.addi %add3A_700, %iota3A : vector<16xi32>
      %gather3A_702 = tpu.vector_load_idx %arg17[%get3A_696] : memref<10000xf32, #tpu.memory_space<vmem>>[vector<16xi32>], vector<16xf32>,
      %gather3A_703 = tpu.vector_load_idx %arg17[%get3A_698] : memref<10000xf32, #tpu.memory_space<vmem>>[vector<16xi32>], vector<16xf32>,
      %sub3A_704 = arith.subf %gather3A_702, %gather3A_703 : vector<16xf32>
      %broadcast_in_dim3A_705 = arith.constant 0 : i32
      %broadcast_in_dim3A_706 = vector.broadcast %broadcast_in_dim3A_705 : i32 to vector<16xi32>
      tpu.vector_store_idx %arg16[%add3A_701, %broadcast_in_dim3A_706], %sub3A_704 : memref<128x16xf32, #tpu.memory_space<vmem>>[vector<16xi32>, vector<16xi32>], vector<16xf32>,
      %gather3A_707 = tpu.vector_load_idx %arg18[%get3A_696] : memref<10000xf32, #tpu.memory_space<vmem>>[vector<16xi32>], vector<16xf32>,
      %gather3A_708 = tpu.vector_load_idx %arg18[%get3A_698] : memref<10000xf32, #tpu.memory_space<vmem>>[vector<16xi32>], vector<16xf32>,
      %sub3A_709 = arith.subf %gather3A_707, %gather3A_708 : vector<16xf32>
      %broadcast_in_dim3A_710 = arith.constant 1 : i32
      %broadcast_in_dim3A_711 = vector.broadcast %broadcast_in_dim3A_710 : i32 to vector<16xi32>
      tpu.vector_store_idx %arg16[%add3A_701, %broadcast_in_dim3A_711], %sub3A_709 : memref<128x16xf32, #tpu.memory_space<vmem>>[vector<16xi32>, vector<16xi32>], vector<16xf32>,
      %gather3A_712 = tpu.vector_load_idx %arg19[%get3A_696] : memref<10000xf32, #tpu.memory_space<vmem>>[vector<16xi32>], vector<16xf32>,
      %gather3A_713 = tpu.vector_load_idx %arg19[%get3A_698] : memref<10000xf32, #tpu.memory_space<vmem>>[vector<16xi32>], vector<16xf32>,
      %sub3A_714 = arith.subf %gather3A_712, %gather3A_713 : vector<16xf32>
      %broadcast_in_dim3A_715 = arith.constant 2 : i32
      %broadcast_in_dim3A_716 = vector.broadcast %broadcast_in_dim3A_715 : i32 to vector<16xi32>
      tpu.vector_store_idx %arg16[%add3A_701, %broadcast_in_dim3A_716], %sub3A_714 : memref<128x16xf32, #tpu.memory_space<vmem>>[vector<16xi32>, vector<16xi32>], vector<16xf32>,
      %dma_start3A_717 = arith.constant 0 : i32
      %dma_start3A_718 = tpu.memref_slice %arg11[%mul3A_531, %dma_start3A_717] : memref<320000x16xf32, #tpu.memory_space<hbm>> -> memref<128x16xf32, #tpu.memory_space<hbm>>
      %dma_start3A_719 = arith.constant 0 : i32
      %dma_start3A_720 = tpu.memref_slice %arg11[%mul3A_531, %dma_start3A_719] : memref<320000x16xf32, #tpu.memory_space<hbm>> -> memref<128x16xf32, #tpu.memory_space<hbm>>
      tpu.enqueue_dma source(%arg16 : memref<128x16xf32, #tpu.memory_space<vmem>>) target(%dma_start3A_720 : memref<128x16xf32, #tpu.memory_space<hbm>>) target_semaphore(%arg22 : memref<!tpu.dma_semaphore, #tpu.memory_space<semaphore_mem>>)
      %dma_wait3A_721 = arith.constant 0 : i32
      %dma_wait3A_722 = arith.constant 0 : i32
      %dma_wait3A_723 = tpu.memref_slice %arg2[%dma_wait3A_721, %dma_wait3A_722] : memref<10000x128xf32, #tpu.memory_space<hbm>> -> memref<10000x128xf32, #tpu.memory_space<hbm>>
      tpu.wait_indirect_dma semaphore(%arg20 : memref<!tpu.dma_semaphore, #tpu.memory_space<semaphore_mem>>) src(%dma_wait3A_723 : memref<10000x128xf32, #tpu.memory_space<hbm>>) dst(%arg14 : memref<128x128xf32, #tpu.memory_space<vmem>>)
      %dma_wait3A_724 = arith.constant 0 : i32
      %dma_wait3A_725 = arith.constant 0 : i32
      %dma_wait3A_726 = tpu.memref_slice %arg3[%dma_wait3A_724, %dma_wait3A_725] : memref<10000x128xf32, #tpu.memory_space<hbm>> -> memref<10000x128xf32, #tpu.memory_space<hbm>>
      tpu.wait_indirect_dma semaphore(%arg21 : memref<!tpu.dma_semaphore, #tpu.memory_space<semaphore_mem>>) src(%dma_wait3A_726 : memref<10000x128xf32, #tpu.memory_space<hbm>>) dst(%arg15 : memref<128x128xf32, #tpu.memory_space<vmem>>)
      %dma_start3A_727 = arith.constant 0 : i32
      %dma_start3A_728 = tpu.memref_slice %arg9[%mul3A_531, %dma_start3A_727] : memref<320000x128xf32, #tpu.memory_space<hbm>> -> memref<128x128xf32, #tpu.memory_space<hbm>>
      %dma_start3A_729 = arith.constant 0 : i32
      %dma_start3A_730 = tpu.memref_slice %arg9[%mul3A_531, %dma_start3A_729] : memref<320000x128xf32, #tpu.memory_space<hbm>> -> memref<128x128xf32, #tpu.memory_space<hbm>>
      tpu.enqueue_dma source(%arg14 : memref<128x128xf32, #tpu.memory_space<vmem>>) target(%dma_start3A_730 : memref<128x128xf32, #tpu.memory_space<hbm>>) target_semaphore(%arg20 : memref<!tpu.dma_semaphore, #tpu.memory_space<semaphore_mem>>)
      %dma_start3A_731 = arith.constant 0 : i32
      %dma_start3A_732 = tpu.memref_slice %arg10[%mul3A_531, %dma_start3A_731] : memref<320000x128xf32, #tpu.memory_space<hbm>> -> memref<128x128xf32, #tpu.memory_space<hbm>>
      %dma_start3A_733 = arith.constant 0 : i32
      %dma_start3A_734 = tpu.memref_slice %arg10[%mul3A_531, %dma_start3A_733] : memref<320000x128xf32, #tpu.memory_space<hbm>> -> memref<128x128xf32, #tpu.memory_space<hbm>>
      tpu.enqueue_dma source(%arg15 : memref<128x128xf32, #tpu.memory_space<vmem>>) target(%dma_start3A_734 : memref<128x128xf32, #tpu.memory_space<hbm>>) target_semaphore(%arg21 : memref<!tpu.dma_semaphore, #tpu.memory_space<semaphore_mem>>)
      %dma_wait3A_735 = arith.constant 0 : i32
      %dma_wait3A_736 = tpu.memref_slice %arg9[%mul3A_531, %dma_wait3A_735] : memref<320000x128xf32, #tpu.memory_space<hbm>> -> memref<128x128xf32, #tpu.memory_space<hbm>>
      %dma_wait3A_737 = arith.constant 0 : i32
      %dma_wait3A_738 = tpu.memref_slice %arg9[%mul3A_531, %dma_wait3A_737] : memref<320000x128xf32, #tpu.memory_space<hbm>> -> memref<128x128xf32, #tpu.memory_space<hbm>>
      tpu.wait_dma2 semaphore(%arg20 : memref<!tpu.dma_semaphore, #tpu.memory_space<semaphore_mem>>) src(%arg14 : memref<128x128xf32, #tpu.memory_space<vmem>>) dst(%dma_wait3A_738 : memref<128x128xf32, #tpu.memory_space<hbm>>)
      %dma_wait3A_739 = arith.constant 0 : i32
      %dma_wait3A_740 = tpu.memref_slice %arg10[%mul3A_531, %dma_wait3A_739] : memref<320000x128xf32, #tpu.memory_space<hbm>> -> memref<128x128xf32, #tpu.memory_space<hbm>>
      %dma_wait3A_741 = arith.constant 0 : i32
      %dma_wait3A_742 = tpu.memref_slice %arg10[%mul3A_531, %dma_wait3A_741] : memref<320000x128xf32, #tpu.memory_space<hbm>> -> memref<128x128xf32, #tpu.memory_space<hbm>>
      tpu.wait_dma2 semaphore(%arg21 : memref<!tpu.dma_semaphore, #tpu.memory_space<semaphore_mem>>) src(%arg15 : memref<128x128xf32, #tpu.memory_space<vmem>>) dst(%dma_wait3A_742 : memref<128x128xf32, #tpu.memory_space<hbm>>)
      %dma_wait3A_743 = arith.constant 0 : i32
      %dma_wait3A_744 = tpu.memref_slice %arg11[%mul3A_531, %dma_wait3A_743] : memref<320000x16xf32, #tpu.memory_space<hbm>> -> memref<128x16xf32, #tpu.memory_space<hbm>>
      %dma_wait3A_745 = arith.constant 0 : i32
      %dma_wait3A_746 = tpu.memref_slice %arg11[%mul3A_531, %dma_wait3A_745] : memref<320000x16xf32, #tpu.memory_space<hbm>> -> memref<128x16xf32, #tpu.memory_space<hbm>>
      tpu.wait_dma2 semaphore(%arg22 : memref<!tpu.dma_semaphore, #tpu.memory_space<semaphore_mem>>) src(%arg16 : memref<128x16xf32, #tpu.memory_space<vmem>>) dst(%dma_wait3A_746 : memref<128x16xf32, #tpu.memory_space<hbm>>)
    }
    %while3A_525 = arith.constant 1 : i32
    scf.for %while3A_526 = %while3A_523 to %while3A_519 step %while3A_525  : i32 {
      %mul3A_527 = arith.constant 32 : i32
      %mul3A_528 = arith.muli %while3A_526, %mul3A_527 : i32
      %add3A_529 = arith.addi %mul3A_528, %add3A : i32
      %mul3A_530 = arith.constant 128 : i32
      %mul3A_531 = arith.muli %add3A_529, %mul3A_530 : i32
      %dma_start3A = tpu.memref_slice %arg7[%mul3A_531] : memref<320000xi32, #tpu.memory_space<hbm>> -> memref<128xi32, #tpu.memory_space<hbm>>
      %dma_start3A_532 = tpu.memref_slice %arg7[%mul3A_531] : memref<320000xi32, #tpu.memory_space<hbm>> -> memref<128xi32, #tpu.memory_space<hbm>>
      tpu.enqueue_dma source(%dma_start3A_532 : memref<128xi32, #tpu.memory_space<hbm>>) target(%arg12 : memref<128xi32, #tpu.memory_space<vmem>>) target_semaphore(%arg20 : memref<!tpu.dma_semaphore, #tpu.memory_space<semaphore_mem>>)
      %dma_start3A_533 = tpu.memref_slice %arg8[%mul3A_531] : memref<320000xi32, #tpu.memory_space<hbm>> -> memref<128xi32, #tpu.memory_space<hbm>>
      %dma_start3A_534 = tpu.memref_slice %arg8[%mul3A_531] : memref<320000xi32, #tpu.memory_space<hbm>> -> memref<128xi32, #tpu.memory_space<hbm>>
      tpu.enqueue_dma source(%dma_start3A_534 : memref<128xi32, #tpu.memory_space<hbm>>) target(%arg13 : memref<128xi32, #tpu.memory_space<vmem>>) target_semaphore(%arg21 : memref<!tpu.dma_semaphore, #tpu.memory_space<semaphore_mem>>)
      %dma_wait3A = tpu.memref_slice %arg7[%mul3A_531] : memref<320000xi32, #tpu.memory_space<hbm>> -> memref<128xi32, #tpu.memory_space<hbm>>
      %dma_wait3A_535 = tpu.memref_slice %arg7[%mul3A_531] : memref<320000xi32, #tpu.memory_space<hbm>> -> memref<128xi32, #tpu.memory_space<hbm>>
      tpu.wait_dma2 semaphore(%arg20 : memref<!tpu.dma_semaphore, #tpu.memory_space<semaphore_mem>>) src(%dma_wait3A_535 : memref<128xi32, #tpu.memory_space<hbm>>) dst(%arg12 : memref<128xi32, #tpu.memory_space<vmem>>)
      %dma_wait3A_536 = tpu.memref_slice %arg8[%mul3A_531] : memref<320000xi32, #tpu.memory_space<hbm>> -> memref<128xi32, #tpu.memory_space<hbm>>
      %dma_wait3A_537 = tpu.memref_slice %arg8[%mul3A_531] : memref<320000xi32, #tpu.memory_space<hbm>> -> memref<128xi32, #tpu.memory_space<hbm>>
      tpu.wait_dma2 semaphore(%arg21 : memref<!tpu.dma_semaphore, #tpu.memory_space<semaphore_mem>>) src(%dma_wait3A_537 : memref<128xi32, #tpu.memory_space<hbm>>) dst(%arg13 : memref<128xi32, #tpu.memory_space<vmem>>)
      %dma_start3A_538 = arith.constant 0 : i32
      %dma_start3A_539 = arith.constant 0 : i32
      %dma_start3A_540 = tpu.memref_slice %arg2[%dma_start3A_538, %dma_start3A_539] : memref<10000x128xf32, #tpu.memory_space<hbm>> -> memref<10000x128xf32, #tpu.memory_space<hbm>>
      tpu.enqueue_indirect_dma source(%dma_start3A_540 : memref<10000x128xf32, #tpu.memory_space<hbm>>) target(%arg14 : memref<128x128xf32, #tpu.memory_space<vmem>>) offsets(%arg12 : memref<128xi32, #tpu.memory_space<vmem>>) semaphore(%arg20 : memref<!tpu.dma_semaphore, #tpu.memory_space<semaphore_mem>>)
      %dma_start3A_541 = arith.constant 0 : i32
      %dma_start3A_542 = arith.constant 0 : i32
      %dma_start3A_543 = tpu.memref_slice %arg3[%dma_start3A_541, %dma_start3A_542] : memref<10000x128xf32, #tpu.memory_space<hbm>> -> memref<10000x128xf32, #tpu.memory_space<hbm>>
      tpu.enqueue_indirect_dma source(%dma_start3A_543 : memref<10000x128xf32, #tpu.memory_space<hbm>>) target(%arg15 : memref<128x128xf32, #tpu.memory_space<vmem>>) offsets(%arg13 : memref<128xi32, #tpu.memory_space<vmem>>) semaphore(%arg21 : memref<!tpu.dma_semaphore, #tpu.memory_space<semaphore_mem>>)
      %get3A = arith.constant 0 : index
      %get3A_544 = tpu.vector_load %arg12[%get3A] {strides = array<i32>} : memref<128xi32, #tpu.memory_space<vmem>>, vector<16xi32>,
      %get3A_545 = arith.constant 0 : index
      %get3A_546 = tpu.vector_load %arg13[%get3A_545] {strides = array<i32>} : memref<128xi32, #tpu.memory_space<vmem>>, vector<16xi32>,
      %add3A_547 = arith.constant 0 : i32
      %add3A_548 = vector.broadcast %add3A_547 : i32 to vector<16xi32>
      %add3A_549 = arith.addi %add3A_548, %iota3A : vector<16xi32>
      %gather3A = tpu.vector_load_idx %arg17[%get3A_544] : memref<10000xf32, #tpu.memory_space<vmem>>[vector<16xi32>], vector<16xf32>,
      %gather3A_550 = tpu.vector_load_idx %arg17[%get3A_546] : memref<10000xf32, #tpu.memory_space<vmem>>[vector<16xi32>], vector<16xf32>,
      %sub3A = arith.subf %gather3A, %gather3A_550 : vector<16xf32>
      %broadcast_in_dim3A_551 = arith.constant 0 : i32
      %broadcast_in_dim3A_552 = vector.broadcast %broadcast_in_dim3A_551 : i32 to vector<16xi32>
      tpu.vector_store_idx %arg16[%add3A_549, %broadcast_in_dim3A_552], %sub3A : memref<128x16xf32, #tpu.memory_space<vmem>>[vector<16xi32>, vector<16xi32>], vector<16xf32>,
      %gather3A_553 = tpu.vector_load_idx %arg18[%get3A_544] : memref<10000xf32, #tpu.memory_space<vmem>>[vector<16xi32>], vector<16xf32>,
      %gather3A_554 = tpu.vector_load_idx %arg18[%get3A_546] : memref<10000xf32, #tpu.memory_space<vmem>>[vector<16xi32>], vector<16xf32>,
      %sub3A_555 = arith.subf %gather3A_553, %gather3A_554 : vector<16xf32>
      %broadcast_in_dim3A_556 = arith.constant 1 : i32
      %broadcast_in_dim3A_557 = vector.broadcast %broadcast_in_dim3A_556 : i32 to vector<16xi32>
      tpu.vector_store_idx %arg16[%add3A_549, %broadcast_in_dim3A_557], %sub3A_555 : memref<128x16xf32, #tpu.memory_space<vmem>>[vector<16xi32>, vector<16xi32>], vector<16xf32>,
      %gather3A_558 = tpu.vector_load_idx %arg19[%get3A_544] : memref<10000xf32, #tpu.memory_space<vmem>>[vector<16xi32>], vector<16xf32>,
      %gather3A_559 = tpu.vector_load_idx %arg19[%get3A_546] : memref<10000xf32, #tpu.memory_space<vmem>>[vector<16xi32>], vector<16xf32>,
      %sub3A_560 = arith.subf %gather3A_558, %gather3A_559 : vector<16xf32>
      %broadcast_in_dim3A_561 = arith.constant 2 : i32
      %broadcast_in_dim3A_562 = vector.broadcast %broadcast_in_dim3A_561 : i32 to vector<16xi32>
      tpu.vector_store_idx %arg16[%add3A_549, %broadcast_in_dim3A_562], %sub3A_560 : memref<128x16xf32, #tpu.memory_space<vmem>>[vector<16xi32>, vector<16xi32>], vector<16xf32>,
      %get3A_563 = arith.constant 16 : index
      %get3A_564 = tpu.vector_load %arg12[%get3A_563] {strides = array<i32>} : memref<128xi32, #tpu.memory_space<vmem>>, vector<16xi32>,
      %get3A_565 = arith.constant 16 : index
      %get3A_566 = tpu.vector_load %arg13[%get3A_565] {strides = array<i32>} : memref<128xi32, #tpu.memory_space<vmem>>, vector<16xi32>,
      %add3A_567 = arith.constant 16 : i32
      %add3A_568 = vector.broadcast %add3A_567 : i32 to vector<16xi32>
      %add3A_569 = arith.addi %add3A_568, %iota3A : vector<16xi32>
      %gather3A_570 = tpu.vector_load_idx %arg17[%get3A_564] : memref<10000xf32, #tpu.memory_space<vmem>>[vector<16xi32>], vector<16xf32>,
      %gather3A_571 = tpu.vector_load_idx %arg17[%get3A_566] : memref<10000xf32, #tpu.memory_space<vmem>>[vector<16xi32>], vector<16xf32>,
      %sub3A_572 = arith.subf %gather3A_570, %gather3A_571 : vector<16xf32>
      %broadcast_in_dim3A_573 = arith.constant 0 : i32
      %broadcast_in_dim3A_574 = vector.broadcast %broadcast_in_dim3A_573 : i32 to vector<16xi32>
      tpu.vector_store_idx %arg16[%add3A_569, %broadcast_in_dim3A_574], %sub3A_572 : memref<128x16xf32, #tpu.memory_space<vmem>>[vector<16xi32>, vector<16xi32>], vector<16xf32>,
      %gather3A_575 = tpu.vector_load_idx %arg18[%get3A_564] : memref<10000xf32, #tpu.memory_space<vmem>>[vector<16xi32>], vector<16xf32>,
      %gather3A_576 = tpu.vector_load_idx %arg18[%get3A_566] : memref<10000xf32, #tpu.memory_space<vmem>>[vector<16xi32>], vector<16xf32>,
      %sub3A_577 = arith.subf %gather3A_575, %gather3A_576 : vector<16xf32>
      %broadcast_in_dim3A_578 = arith.constant 1 : i32
      %broadcast_in_dim3A_579 = vector.broadcast %broadcast_in_dim3A_578 : i32 to vector<16xi32>
      tpu.vector_store_idx %arg16[%add3A_569, %broadcast_in_dim3A_579], %sub3A_577 : memref<128x16xf32, #tpu.memory_space<vmem>>[vector<16xi32>, vector<16xi32>], vector<16xf32>,
      %gather3A_580 = tpu.vector_load_idx %arg19[%get3A_564] : memref<10000xf32, #tpu.memory_space<vmem>>[vector<16xi32>], vector<16xf32>,
      %gather3A_581 = tpu.vector_load_idx %arg19[%get3A_566] : memref<10000xf32, #tpu.memory_space<vmem>>[vector<16xi32>], vector<16xf32>,
      %sub3A_582 = arith.subf %gather3A_580, %gather3A_581 : vector<16xf32>
      %broadcast_in_dim3A_583 = arith.constant 2 : i32
      %broadcast_in_dim3A_584 = vector.broadcast %broadcast_in_dim3A_583 : i32 to vector<16xi32>
      tpu.vector_store_idx %arg16[%add3A_569, %broadcast_in_dim3A_584], %sub3A_582 : memref<128x16xf32, #tpu.memory_space<vmem>>[vector<16xi32>, vector<16xi32>], vector<16xf32>,
      %get3A_585 = arith.constant 32 : index
      %get3A_586 = tpu.vector_load %arg12[%get3A_585] {strides = array<i32>} : memref<128xi32, #tpu.memory_space<vmem>>, vector<16xi32>,
      %get3A_587 = arith.constant 32 : index
      %get3A_588 = tpu.vector_load %arg13[%get3A_587] {strides = array<i32>} : memref<128xi32, #tpu.memory_space<vmem>>, vector<16xi32>,
      %add3A_589 = arith.constant 32 : i32
      %add3A_590 = vector.broadcast %add3A_589 : i32 to vector<16xi32>
      %add3A_591 = arith.addi %add3A_590, %iota3A : vector<16xi32>
      %gather3A_592 = tpu.vector_load_idx %arg17[%get3A_586] : memref<10000xf32, #tpu.memory_space<vmem>>[vector<16xi32>], vector<16xf32>,
      %gather3A_593 = tpu.vector_load_idx %arg17[%get3A_588] : memref<10000xf32, #tpu.memory_space<vmem>>[vector<16xi32>], vector<16xf32>,
      %sub3A_594 = arith.subf %gather3A_592, %gather3A_593 : vector<16xf32>
      %broadcast_in_dim3A_595 = arith.constant 0 : i32
      %broadcast_in_dim3A_596 = vector.broadcast %broadcast_in_dim3A_595 : i32 to vector<16xi32>
      tpu.vector_store_idx %arg16[%add3A_591, %broadcast_in_dim3A_596], %sub3A_594 : memref<128x16xf32, #tpu.memory_space<vmem>>[vector<16xi32>, vector<16xi32>], vector<16xf32>,
      %gather3A_597 = tpu.vector_load_idx %arg18[%get3A_586] : memref<10000xf32, #tpu.memory_space<vmem>>[vector<16xi32>], vector<16xf32>,
      %gather3A_598 = tpu.vector_load_idx %arg18[%get3A_588] : memref<10000xf32, #tpu.memory_space<vmem>>[vector<16xi32>], vector<16xf32>,
      %sub3A_599 = arith.subf %gather3A_597, %gather3A_598 : vector<16xf32>
      %broadcast_in_dim3A_600 = arith.constant 1 : i32
      %broadcast_in_dim3A_601 = vector.broadcast %broadcast_in_dim3A_600 : i32 to vector<16xi32>
      tpu.vector_store_idx %arg16[%add3A_591, %broadcast_in_dim3A_601], %sub3A_599 : memref<128x16xf32, #tpu.memory_space<vmem>>[vector<16xi32>, vector<16xi32>], vector<16xf32>,
      %gather3A_602 = tpu.vector_load_idx %arg19[%get3A_586] : memref<10000xf32, #tpu.memory_space<vmem>>[vector<16xi32>], vector<16xf32>,
      %gather3A_603 = tpu.vector_load_idx %arg19[%get3A_588] : memref<10000xf32, #tpu.memory_space<vmem>>[vector<16xi32>], vector<16xf32>,
      %sub3A_604 = arith.subf %gather3A_602, %gather3A_603 : vector<16xf32>
      %broadcast_in_dim3A_605 = arith.constant 2 : i32
      %broadcast_in_dim3A_606 = vector.broadcast %broadcast_in_dim3A_605 : i32 to vector<16xi32>
      tpu.vector_store_idx %arg16[%add3A_591, %broadcast_in_dim3A_606], %sub3A_604 : memref<128x16xf32, #tpu.memory_space<vmem>>[vector<16xi32>, vector<16xi32>], vector<16xf32>,
      %get3A_607 = arith.constant 48 : index
      %get3A_608 = tpu.vector_load %arg12[%get3A_607] {strides = array<i32>} : memref<128xi32, #tpu.memory_space<vmem>>, vector<16xi32>,
      %get3A_609 = arith.constant 48 : index
      %get3A_610 = tpu.vector_load %arg13[%get3A_609] {strides = array<i32>} : memref<128xi32, #tpu.memory_space<vmem>>, vector<16xi32>,
      %add3A_611 = arith.constant 48 : i32
      %add3A_612 = vector.broadcast %add3A_611 : i32 to vector<16xi32>
      %add3A_613 = arith.addi %add3A_612, %iota3A : vector<16xi32>
      %gather3A_614 = tpu.vector_load_idx %arg17[%get3A_608] : memref<10000xf32, #tpu.memory_space<vmem>>[vector<16xi32>], vector<16xf32>,
      %gather3A_615 = tpu.vector_load_idx %arg17[%get3A_610] : memref<10000xf32, #tpu.memory_space<vmem>>[vector<16xi32>], vector<16xf32>,
      %sub3A_616 = arith.subf %gather3A_614, %gather3A_615 : vector<16xf32>
      %broadcast_in_dim3A_617 = arith.constant 0 : i32
      %broadcast_in_dim3A_618 = vector.broadcast %broadcast_in_dim3A_617 : i32 to vector<16xi32>
      tpu.vector_store_idx %arg16[%add3A_613, %broadcast_in_dim3A_618], %sub3A_616 : memref<128x16xf32, #tpu.memory_space<vmem>>[vector<16xi32>, vector<16xi32>], vector<16xf32>,
      %gather3A_619 = tpu.vector_load_idx %arg18[%get3A_608] : memref<10000xf32, #tpu.memory_space<vmem>>[vector<16xi32>], vector<16xf32>,
      %gather3A_620 = tpu.vector_load_idx %arg18[%get3A_610] : memref<10000xf32, #tpu.memory_space<vmem>>[vector<16xi32>], vector<16xf32>,
      %sub3A_621 = arith.subf %gather3A_619, %gather3A_620 : vector<16xf32>
      %broadcast_in_dim3A_622 = arith.constant 1 : i32
      %broadcast_in_dim3A_623 = vector.broadcast %broadcast_in_dim3A_622 : i32 to vector<16xi32>
      tpu.vector_store_idx %arg16[%add3A_613, %broadcast_in_dim3A_623], %sub3A_621 : memref<128x16xf32, #tpu.memory_space<vmem>>[vector<16xi32>, vector<16xi32>], vector<16xf32>,
      %gather3A_624 = tpu.vector_load_idx %arg19[%get3A_608] : memref<10000xf32, #tpu.memory_space<vmem>>[vector<16xi32>], vector<16xf32>,
      %gather3A_625 = tpu.vector_load_idx %arg19[%get3A_610] : memref<10000xf32, #tpu.memory_space<vmem>>[vector<16xi32>], vector<16xf32>,
      %sub3A_626 = arith.subf %gather3A_624, %gather3A_625 : vector<16xf32>
      %broadcast_in_dim3A_627 = arith.constant 2 : i32
      %broadcast_in_dim3A_628 = vector.broadcast %broadcast_in_dim3A_627 : i32 to vector<16xi32>
      tpu.vector_store_idx %arg16[%add3A_613, %broadcast_in_dim3A_628], %sub3A_626 : memref<128x16xf32, #tpu.memory_space<vmem>>[vector<16xi32>, vector<16xi32>], vector<16xf32>,
      %get3A_629 = arith.constant 64 : index
      %get3A_630 = tpu.vector_load %arg12[%get3A_629] {strides = array<i32>} : memref<128xi32, #tpu.memory_space<vmem>>, vector<16xi32>,
      %get3A_631 = arith.constant 64 : index
      %get3A_632 = tpu.vector_load %arg13[%get3A_631] {strides = array<i32>} : memref<128xi32, #tpu.memory_space<vmem>>, vector<16xi32>,
      %add3A_633 = arith.constant 64 : i32
      %add3A_634 = vector.broadcast %add3A_633 : i32 to vector<16xi32>
      %add3A_635 = arith.addi %add3A_634, %iota3A : vector<16xi32>
      %gather3A_636 = tpu.vector_load_idx %arg17[%get3A_630] : memref<10000xf32, #tpu.memory_space<vmem>>[vector<16xi32>], vector<16xf32>,
      %gather3A_637 = tpu.vector_load_idx %arg17[%get3A_632] : memref<10000xf32, #tpu.memory_space<vmem>>[vector<16xi32>], vector<16xf32>,
      %sub3A_638 = arith.subf %gather3A_636, %gather3A_637 : vector<16xf32>
      %broadcast_in_dim3A_639 = arith.constant 0 : i32
      %broadcast_in_dim3A_640 = vector.broadcast %broadcast_in_dim3A_639 : i32 to vector<16xi32>
      tpu.vector_store_idx %arg16[%add3A_635, %broadcast_in_dim3A_640], %sub3A_638 : memref<128x16xf32, #tpu.memory_space<vmem>>[vector<16xi32>, vector<16xi32>], vector<16xf32>,
      %gather3A_641 = tpu.vector_load_idx %arg18[%get3A_630] : memref<10000xf32, #tpu.memory_space<vmem>>[vector<16xi32>], vector<16xf32>,
      %gather3A_642 = tpu.vector_load_idx %arg18[%get3A_632] : memref<10000xf32, #tpu.memory_space<vmem>>[vector<16xi32>], vector<16xf32>,
      %sub3A_643 = arith.subf %gather3A_641, %gather3A_642 : vector<16xf32>
      %broadcast_in_dim3A_644 = arith.constant 1 : i32
      %broadcast_in_dim3A_645 = vector.broadcast %broadcast_in_dim3A_644 : i32 to vector<16xi32>
      tpu.vector_store_idx %arg16[%add3A_635, %broadcast_in_dim3A_645], %sub3A_643 : memref<128x16xf32, #tpu.memory_space<vmem>>[vector<16xi32>, vector<16xi32>], vector<16xf32>,
      %gather3A_646 = tpu.vector_load_idx %arg19[%get3A_630] : memref<10000xf32, #tpu.memory_space<vmem>>[vector<16xi32>], vector<16xf32>,
      %gather3A_647 = tpu.vector_load_idx %arg19[%get3A_632] : memref<10000xf32, #tpu.memory_space<vmem>>[vector<16xi32>], vector<16xf32>,
      %sub3A_648 = arith.subf %gather3A_646, %gather3A_647 : vector<16xf32>
      %broadcast_in_dim3A_649 = arith.constant 2 : i32
      %broadcast_in_dim3A_650 = vector.broadcast %broadcast_in_dim3A_649 : i32 to vector<16xi32>
      tpu.vector_store_idx %arg16[%add3A_635, %broadcast_in_dim3A_650], %sub3A_648 : memref<128x16xf32, #tpu.memory_space<vmem>>[vector<16xi32>, vector<16xi32>], vector<16xf32>,
      %get3A_651 = arith.constant 80 : index
      %get3A_652 = tpu.vector_load %arg12[%get3A_651] {strides = array<i32>} : memref<128xi32, #tpu.memory_space<vmem>>, vector<16xi32>,
      %get3A_653 = arith.constant 80 : index
      %get3A_654 = tpu.vector_load %arg13[%get3A_653] {strides = array<i32>} : memref<128xi32, #tpu.memory_space<vmem>>, vector<16xi32>,
      %add3A_655 = arith.constant 80 : i32
      %add3A_656 = vector.broadcast %add3A_655 : i32 to vector<16xi32>
      %add3A_657 = arith.addi %add3A_656, %iota3A : vector<16xi32>
      %gather3A_658 = tpu.vector_load_idx %arg17[%get3A_652] : memref<10000xf32, #tpu.memory_space<vmem>>[vector<16xi32>], vector<16xf32>,
      %gather3A_659 = tpu.vector_load_idx %arg17[%get3A_654] : memref<10000xf32, #tpu.memory_space<vmem>>[vector<16xi32>], vector<16xf32>,
      %sub3A_660 = arith.subf %gather3A_658, %gather3A_659 : vector<16xf32>
      %broadcast_in_dim3A_661 = arith.constant 0 : i32
      %broadcast_in_dim3A_662 = vector.broadcast %broadcast_in_dim3A_661 : i32 to vector<16xi32>
      tpu.vector_store_idx %arg16[%add3A_657, %broadcast_in_dim3A_662], %sub3A_660 : memref<128x16xf32, #tpu.memory_space<vmem>>[vector<16xi32>, vector<16xi32>], vector<16xf32>,
      %gather3A_663 = tpu.vector_load_idx %arg18[%get3A_652] : memref<10000xf32, #tpu.memory_space<vmem>>[vector<16xi32>], vector<16xf32>,
      %gather3A_664 = tpu.vector_load_idx %arg18[%get3A_654] : memref<10000xf32, #tpu.memory_space<vmem>>[vector<16xi32>], vector<16xf32>,
      %sub3A_665 = arith.subf %gather3A_663, %gather3A_664 : vector<16xf32>
      %broadcast_in_dim3A_666 = arith.constant 1 : i32
      %broadcast_in_dim3A_667 = vector.broadcast %broadcast_in_dim3A_666 : i32 to vector<16xi32>
      tpu.vector_store_idx %arg16[%add3A_657, %broadcast_in_dim3A_667], %sub3A_665 : memref<128x16xf32, #tpu.memory_space<vmem>>[vector<16xi32>, vector<16xi32>], vector<16xf32>,
      %gather3A_668 = tpu.vector_load_idx %arg19[%get3A_652] : memref<10000xf32, #tpu.memory_space<vmem>>[vector<16xi32>], vector<16xf32>,
      %gather3A_669 = tpu.vector_load_idx %arg19[%get3A_654] : memref<10000xf32, #tpu.memory_space<vmem>>[vector<16xi32>], vector<16xf32>,
      %sub3A_670 = arith.subf %gather3A_668, %gather3A_669 : vector<16xf32>
      %broadcast_in_dim3A_671 = arith.constant 2 : i32
      %broadcast_in_dim3A_672 = vector.broadcast %broadcast_in_dim3A_671 : i32 to vector<16xi32>
      tpu.vector_store_idx %arg16[%add3A_657, %broadcast_in_dim3A_672], %sub3A_670 : memref<128x16xf32, #tpu.memory_space<vmem>>[vector<16xi32>, vector<16xi32>], vector<16xf32>,
      %get3A_673 = arith.constant 96 : index
      %get3A_674 = tpu.vector_load %arg12[%get3A_673] {strides = array<i32>} : memref<128xi32, #tpu.memory_space<vmem>>, vector<16xi32>,
      %get3A_675 = arith.constant 96 : index
      %get3A_676 = tpu.vector_load %arg13[%get3A_675] {strides = array<i32>} : memref<128xi32, #tpu.memory_space<vmem>>, vector<16xi32>,
      %add3A_677 = arith.constant 96 : i32
      %add3A_678 = vector.broadcast %add3A_677 : i32 to vector<16xi32>
      %add3A_679 = arith.addi %add3A_678, %iota3A : vector<16xi32>
      %gather3A_680 = tpu.vector_load_idx %arg17[%get3A_674] : memref<10000xf32, #tpu.memory_space<vmem>>[vector<16xi32>], vector<16xf32>,
      %gather3A_681 = tpu.vector_load_idx %arg17[%get3A_676] : memref<10000xf32, #tpu.memory_space<vmem>>[vector<16xi32>], vector<16xf32>,
      %sub3A_682 = arith.subf %gather3A_680, %gather3A_681 : vector<16xf32>
      %broadcast_in_dim3A_683 = arith.constant 0 : i32
      %broadcast_in_dim3A_684 = vector.broadcast %broadcast_in_dim3A_683 : i32 to vector<16xi32>
      tpu.vector_store_idx %arg16[%add3A_679, %broadcast_in_dim3A_684], %sub3A_682 : memref<128x16xf32, #tpu.memory_space<vmem>>[vector<16xi32>, vector<16xi32>], vector<16xf32>,
      %gather3A_685 = tpu.vector_load_idx %arg18[%get3A_674] : memref<10000xf32, #tpu.memory_space<vmem>>[vector<16xi32>], vector<16xf32>,
      %gather3A_686 = tpu.vector_load_idx %arg18[%get3A_676] : memref<10000xf32, #tpu.memory_space<vmem>>[vector<16xi32>], vector<16xf32>,
      %sub3A_687 = arith.subf %gather3A_685, %gather3A_686 : vector<16xf32>
      %broadcast_in_dim3A_688 = arith.constant 1 : i32
      %broadcast_in_dim3A_689 = vector.broadcast %broadcast_in_dim3A_688 : i32 to vector<16xi32>
      tpu.vector_store_idx %arg16[%add3A_679, %broadcast_in_dim3A_689], %sub3A_687 : memref<128x16xf32, #tpu.memory_space<vmem>>[vector<16xi32>, vector<16xi32>], vector<16xf32>,
      %gather3A_690 = tpu.vector_load_idx %arg19[%get3A_674] : memref<10000xf32, #tpu.memory_space<vmem>>[vector<16xi32>], vector<16xf32>,
      %gather3A_691 = tpu.vector_load_idx %arg19[%get3A_676] : memref<10000xf32, #tpu.memory_space<vmem>>[vector<16xi32>], vector<16xf32>,
      %sub3A_692 = arith.subf %gather3A_690, %gather3A_691 : vector<16xf32>
      %broadcast_in_dim3A_693 = arith.constant 2 : i32
      %broadcast_in_dim3A_694 = vector.broadcast %broadcast_in_dim3A_693 : i32 to vector<16xi32>
      tpu.vector_store_idx %arg16[%add3A_679, %broadcast_in_dim3A_694], %sub3A_692 : memref<128x16xf32, #tpu.memory_space<vmem>>[vector<16xi32>, vector<16xi32>], vector<16xf32>,
      %get3A_695 = arith.constant 112 : index
      %get3A_696 = tpu.vector_load %arg12[%get3A_695] {strides = array<i32>} : memref<128xi32, #tpu.memory_space<vmem>>, vector<16xi32>,
      %get3A_697 = arith.constant 112 : index
      %get3A_698 = tpu.vector_load %arg13[%get3A_697] {strides = array<i32>} : memref<128xi32, #tpu.memory_space<vmem>>, vector<16xi32>,
      %add3A_699 = arith.constant 112 : i32
      %add3A_700 = vector.broadcast %add3A_699 : i32 to vector<16xi32>
      %add3A_701 = arith.addi %add3A_700, %iota3A : vector<16xi32>
      %gather3A_702 = tpu.vector_load_idx %arg17[%get3A_696] : memref<10000xf32, #tpu.memory_space<vmem>>[vector<16xi32>], vector<16xf32>,
      %gather3A_703 = tpu.vector_load_idx %arg17[%get3A_698] : memref<10000xf32, #tpu.memory_space<vmem>>[vector<16xi32>], vector<16xf32>,
      %sub3A_704 = arith.subf %gather3A_702, %gather3A_703 : vector<16xf32>
      %broadcast_in_dim3A_705 = arith.constant 0 : i32
      %broadcast_in_dim3A_706 = vector.broadcast %broadcast_in_dim3A_705 : i32 to vector<16xi32>
      tpu.vector_store_idx %arg16[%add3A_701, %broadcast_in_dim3A_706], %sub3A_704 : memref<128x16xf32, #tpu.memory_space<vmem>>[vector<16xi32>, vector<16xi32>], vector<16xf32>,
      %gather3A_707 = tpu.vector_load_idx %arg18[%get3A_696] : memref<10000xf32, #tpu.memory_space<vmem>>[vector<16xi32>], vector<16xf32>,
      %gather3A_708 = tpu.vector_load_idx %arg18[%get3A_698] : memref<10000xf32, #tpu.memory_space<vmem>>[vector<16xi32>], vector<16xf32>,
      %sub3A_709 = arith.subf %gather3A_707, %gather3A_708 : vector<16xf32>
      %broadcast_in_dim3A_710 = arith.constant 1 : i32
      %broadcast_in_dim3A_711 = vector.broadcast %broadcast_in_dim3A_710 : i32 to vector<16xi32>
      tpu.vector_store_idx %arg16[%add3A_701, %broadcast_in_dim3A_711], %sub3A_709 : memref<128x16xf32, #tpu.memory_space<vmem>>[vector<16xi32>, vector<16xi32>], vector<16xf32>,
      %gather3A_712 = tpu.vector_load_idx %arg19[%get3A_696] : memref<10000xf32, #tpu.memory_space<vmem>>[vector<16xi32>], vector<16xf32>,
      %gather3A_713 = tpu.vector_load_idx %arg19[%get3A_698] : memref<10000xf32, #tpu.memory_space<vmem>>[vector<16xi32>], vector<16xf32>,
      %sub3A_714 = arith.subf %gather3A_712, %gather3A_713 : vector<16xf32>
      %broadcast_in_dim3A_715 = arith.constant 2 : i32
      %broadcast_in_dim3A_716 = vector.broadcast %broadcast_in_dim3A_715 : i32 to vector<16xi32>
      tpu.vector_store_idx %arg16[%add3A_701, %broadcast_in_dim3A_716], %sub3A_714 : memref<128x16xf32, #tpu.memory_space<vmem>>[vector<16xi32>, vector<16xi32>], vector<16xf32>,
      %dma_start3A_717 = arith.constant 0 : i32
      %dma_start3A_718 = tpu.memref_slice %arg11[%mul3A_531, %dma_start3A_717] : memref<320000x16xf32, #tpu.memory_space<hbm>> -> memref<128x16xf32, #tpu.memory_space<hbm>>
      %dma_start3A_719 = arith.constant 0 : i32
      %dma_start3A_720 = tpu.memref_slice %arg11[%mul3A_531, %dma_start3A_719] : memref<320000x16xf32, #tpu.memory_space<hbm>> -> memref<128x16xf32, #tpu.memory_space<hbm>>
      tpu.enqueue_dma source(%arg16 : memref<128x16xf32, #tpu.memory_space<vmem>>) target(%dma_start3A_720 : memref<128x16xf32, #tpu.memory_space<hbm>>) target_semaphore(%arg22 : memref<!tpu.dma_semaphore, #tpu.memory_space<semaphore_mem>>)
      %dma_wait3A_721 = arith.constant 0 : i32
      %dma_wait3A_722 = arith.constant 0 : i32
      %dma_wait3A_723 = tpu.memref_slice %arg2[%dma_wait3A_721, %dma_wait3A_722] : memref<10000x128xf32, #tpu.memory_space<hbm>> -> memref<10000x128xf32, #tpu.memory_space<hbm>>
      tpu.wait_indirect_dma semaphore(%arg20 : memref<!tpu.dma_semaphore, #tpu.memory_space<semaphore_mem>>) src(%dma_wait3A_723 : memref<10000x128xf32, #tpu.memory_space<hbm>>) dst(%arg14 : memref<128x128xf32, #tpu.memory_space<vmem>>)
      %dma_wait3A_724 = arith.constant 0 : i32
      %dma_wait3A_725 = arith.constant 0 : i32
      %dma_wait3A_726 = tpu.memref_slice %arg3[%dma_wait3A_724, %dma_wait3A_725] : memref<10000x128xf32, #tpu.memory_space<hbm>> -> memref<10000x128xf32, #tpu.memory_space<hbm>>
      tpu.wait_indirect_dma semaphore(%arg21 : memref<!tpu.dma_semaphore, #tpu.memory_space<semaphore_mem>>) src(%dma_wait3A_726 : memref<10000x128xf32, #tpu.memory_space<hbm>>) dst(%arg15 : memref<128x128xf32, #tpu.memory_space<vmem>>)
      %dma_start3A_727 = arith.constant 0 : i32
      %dma_start3A_728 = tpu.memref_slice %arg9[%mul3A_531, %dma_start3A_727] : memref<320000x128xf32, #tpu.memory_space<hbm>> -> memref<128x128xf32, #tpu.memory_space<hbm>>
      %dma_start3A_729 = arith.constant 0 : i32
      %dma_start3A_730 = tpu.memref_slice %arg9[%mul3A_531, %dma_start3A_729] : memref<320000x128xf32, #tpu.memory_space<hbm>> -> memref<128x128xf32, #tpu.memory_space<hbm>>
      tpu.enqueue_dma source(%arg14 : memref<128x128xf32, #tpu.memory_space<vmem>>) target(%dma_start3A_730 : memref<128x128xf32, #tpu.memory_space<hbm>>) target_semaphore(%arg20 : memref<!tpu.dma_semaphore, #tpu.memory_space<semaphore_mem>>)
      %dma_start3A_731 = arith.constant 0 : i32
      %dma_start3A_732 = tpu.memref_slice %arg10[%mul3A_531, %dma_start3A_731] : memref<320000x128xf32, #tpu.memory_space<hbm>> -> memref<128x128xf32, #tpu.memory_space<hbm>>
      %dma_start3A_733 = arith.constant 0 : i32
      %dma_start3A_734 = tpu.memref_slice %arg10[%mul3A_531, %dma_start3A_733] : memref<320000x128xf32, #tpu.memory_space<hbm>> -> memref<128x128xf32, #tpu.memory_space<hbm>>
      tpu.enqueue_dma source(%arg15 : memref<128x128xf32, #tpu.memory_space<vmem>>) target(%dma_start3A_734 : memref<128x128xf32, #tpu.memory_space<hbm>>) target_semaphore(%arg21 : memref<!tpu.dma_semaphore, #tpu.memory_space<semaphore_mem>>)
      %dma_wait3A_735 = arith.constant 0 : i32
      %dma_wait3A_736 = tpu.memref_slice %arg9[%mul3A_531, %dma_wait3A_735] : memref<320000x128xf32, #tpu.memory_space<hbm>> -> memref<128x128xf32, #tpu.memory_space<hbm>>
      %dma_wait3A_737 = arith.constant 0 : i32
      %dma_wait3A_738 = tpu.memref_slice %arg9[%mul3A_531, %dma_wait3A_737] : memref<320000x128xf32, #tpu.memory_space<hbm>> -> memref<128x128xf32, #tpu.memory_space<hbm>>
      tpu.wait_dma2 semaphore(%arg20 : memref<!tpu.dma_semaphore, #tpu.memory_space<semaphore_mem>>) src(%arg14 : memref<128x128xf32, #tpu.memory_space<vmem>>) dst(%dma_wait3A_738 : memref<128x128xf32, #tpu.memory_space<hbm>>)
      %dma_wait3A_739 = arith.constant 0 : i32
      %dma_wait3A_740 = tpu.memref_slice %arg10[%mul3A_531, %dma_wait3A_739] : memref<320000x128xf32, #tpu.memory_space<hbm>> -> memref<128x128xf32, #tpu.memory_space<hbm>>
      %dma_wait3A_741 = arith.constant 0 : i32
      %dma_wait3A_742 = tpu.memref_slice %arg10[%mul3A_531, %dma_wait3A_741] : memref<320000x128xf32, #tpu.memory_space<hbm>> -> memref<128x128xf32, #tpu.memory_space<hbm>>
      tpu.wait_dma2 semaphore(%arg21 : memref<!tpu.dma_semaphore, #tpu.memory_space<semaphore_mem>>) src(%arg15 : memref<128x128xf32, #tpu.memory_space<vmem>>) dst(%dma_wait3A_742 : memref<128x128xf32, #tpu.memory_space<hbm>>)
      %dma_wait3A_743 = arith.constant 0 : i32
      %dma_wait3A_744 = tpu.memref_slice %arg11[%mul3A_531, %dma_wait3A_743] : memref<320000x16xf32, #tpu.memory_space<hbm>> -> memref<128x16xf32, #tpu.memory_space<hbm>>
      %dma_wait3A_745 = arith.constant 0 : i32
      %dma_wait3A_746 = tpu.memref_slice %arg11[%mul3A_531, %dma_wait3A_745] : memref<320000x16xf32, #tpu.memory_space<hbm>> -> memref<128x16xf32, #tpu.memory_space<hbm>>
      tpu.wait_dma2 semaphore(%arg22 : memref<!tpu.dma_semaphore, #tpu.memory_space<semaphore_mem>>) src(%arg16 : memref<128x16xf32, #tpu.memory_space<vmem>>) dst(%dma_wait3A_746 : memref<128x16xf32, #tpu.memory_space<hbm>>)
    }
    return
  }
}

#map = affine_map<(d0, d1) -> (0, 0)>
#map1 = affine_map<(d0, d1) -> (0)>
module attributes {stable_mosaic.version = 14 : i64} {
  func.func @_sc_scatter_body(%arg0: i32, %arg1: i32, %arg2: memref<320000x16xf32, #tpu.memory_space<hbm>>, %arg3: memref<320000xi32, #tpu.memory_space<hbm>>, %arg4: memref<10240xf32, #tpu.memory_space<hbm>>, %arg5: memref<983040xf32, #tpu.memory_space<hbm>>, %arg6: memref<128x16xf32, #tpu.memory_space<vmem>>, %arg7: memref<128xi32, #tpu.memory_space<vmem>>, %arg8: memref<10240xf32, #tpu.memory_space<vmem>>, %arg9: memref<10240xf32, #tpu.memory_space<vmem>>, %arg10: memref<10240xf32, #tpu.memory_space<vmem>>, %arg11: memref<!tpu.dma_semaphore, #tpu.memory_space<semaphore_mem>>, %arg12: memref<!tpu.dma_semaphore, #tpu.memory_space<semaphore_mem>>) attributes {dimension_semantics = [#tpu.dimension_semantics<core_parallel>, #tpu.dimension_semantics<subcore_parallel>], iteration_bounds = array<i64: 2, 16>, scalar_prefetch = 0 : i64, scratch_operands = 7 : i64, tpu.core_type = #tpu.core_type<sc_vector_subcore>, window_params = [{transform_indices = #map}, {transform_indices = #map1}, {transform_indices = #map1}, {transform_indices = #map1}]} {
    %mul3A = arith.constant 2 : i32
    %mul3A_0 = arith.muli %arg1, %mul3A : i32
    %add3A = arith.addi %mul3A_0, %arg0 : i32
    "tpu.region"() ({
      %run_scoped3A = tpu.sem_alloc : memref<!tpu.dma_semaphore, #tpu.memory_space<semaphore_mem>>
      tpu.enqueue_dma source(%arg4 : memref<10240xf32, #tpu.memory_space<hbm>>) target(%arg8 : memref<10240xf32, #tpu.memory_space<vmem>>) target_semaphore(%run_scoped3A : memref<!tpu.dma_semaphore, #tpu.memory_space<semaphore_mem>>)
      tpu.wait_dma2 semaphore(%run_scoped3A : memref<!tpu.dma_semaphore, #tpu.memory_space<semaphore_mem>>) src(%arg4 : memref<10240xf32, #tpu.memory_space<hbm>>) dst(%arg8 : memref<10240xf32, #tpu.memory_space<vmem>>)
      tpu.yield
    }) : () -> ()
    "tpu.region"() ({
      %run_scoped3A = tpu.sem_alloc : memref<!tpu.dma_semaphore, #tpu.memory_space<semaphore_mem>>
      tpu.enqueue_dma source(%arg4 : memref<10240xf32, #tpu.memory_space<hbm>>) target(%arg9 : memref<10240xf32, #tpu.memory_space<vmem>>) target_semaphore(%run_scoped3A : memref<!tpu.dma_semaphore, #tpu.memory_space<semaphore_mem>>)
      tpu.wait_dma2 semaphore(%run_scoped3A : memref<!tpu.dma_semaphore, #tpu.memory_space<semaphore_mem>>) src(%arg4 : memref<10240xf32, #tpu.memory_space<hbm>>) dst(%arg9 : memref<10240xf32, #tpu.memory_space<vmem>>)
      tpu.yield
    }) : () -> ()
    "tpu.region"() ({
      %run_scoped3A = tpu.sem_alloc : memref<!tpu.dma_semaphore, #tpu.memory_space<semaphore_mem>>
      tpu.enqueue_dma source(%arg4 : memref<10240xf32, #tpu.memory_space<hbm>>) target(%arg10 : memref<10240xf32, #tpu.memory_space<vmem>>) target_semaphore(%run_scoped3A : memref<!tpu.dma_semaphore, #tpu.memory_space<semaphore_mem>>)
      tpu.wait_dma2 semaphore(%run_scoped3A : memref<!tpu.dma_semaphore, #tpu.memory_space<semaphore_mem>>) src(%arg4 : memref<10240xf32, #tpu.memory_space<hbm>>) dst(%arg10 : memref<10240xf32, #tpu.memory_space<vmem>>)
      tpu.yield
    }) : () -> ()
    %iota3A = tpu.iota {dimensions = array<i32: 0>} : vector<16xi32>
    %broadcast_in_dim3A = arith.constant 0 : i32
    %broadcast_in_dim3A_1 = vector.broadcast %broadcast_in_dim3A : i32 to vector<16xi32>
    %broadcast_in_dim3A_2 = arith.constant 1 : i32
    %broadcast_in_dim3A_3 = vector.broadcast %broadcast_in_dim3A_2 : i32 to vector<16xi32>
    %broadcast_in_dim3A_4 = arith.constant 2 : i32
    %broadcast_in_dim3A_5 = vector.broadcast %broadcast_in_dim3A_4 : i32 to vector<16xi32>
    %lt3A = arith.constant 4 : i32
    %lt3A_6 = arith.cmpi slt, %add3A, %lt3A : i32
    %jit3A = arith.constant 1 : i32
    %jit3A_7 = arith.constant 0 : i32
    %select_n3A = arith.select %lt3A_6, %jit3A, %jit3A_7 : i32
    %add3A_8 = arith.constant 78 : i32
    %add3A_9 = arith.addi %add3A_8, %select_n3A : i32
    %while3A = arith.constant 0 : i32
    %while3A_10 = arith.constant 0 : i32
    %while3A_11 = arith.subi %add3A_9, %while3A_10 : i32
    %while3A_12 = arith.addi %while3A_10, %while3A_11 : i32
    %while3A_13 = arith.constant 1 : i32
    %while3A_14 = arith.divsi %while3A_11, %while3A_13 : i32
    %while3A_15 = arith.muli %while3A_14, %while3A_13 : i32
    %while3A_16 = arith.addi %while3A_10, %while3A_15 : i32
    %while3A_17 = arith.constant 1 : i32
    scf.for %while3A_27 = %while3A_10 to %while3A_16 step %while3A_17  : i32 {
      %mul3A_28 = arith.constant 32 : i32
      %mul3A_29 = arith.muli %while3A_27, %mul3A_28 : i32
      %add3A_30 = arith.addi %mul3A_29, %add3A : i32
      %mul3A_31 = arith.constant 128 : i32
      %mul3A_32 = arith.muli %add3A_30, %mul3A_31 : i32
      %dma_start3A = tpu.memref_slice %arg3[%mul3A_32] : memref<320000xi32, #tpu.memory_space<hbm>> -> memref<128xi32, #tpu.memory_space<hbm>>
      %dma_start3A_33 = tpu.memref_slice %arg3[%mul3A_32] : memref<320000xi32, #tpu.memory_space<hbm>> -> memref<128xi32, #tpu.memory_space<hbm>>
      tpu.enqueue_dma source(%dma_start3A_33 : memref<128xi32, #tpu.memory_space<hbm>>) target(%arg7 : memref<128xi32, #tpu.memory_space<vmem>>) target_semaphore(%arg11 : memref<!tpu.dma_semaphore, #tpu.memory_space<semaphore_mem>>)
      %dma_start3A_34 = arith.constant 0 : i32
      %dma_start3A_35 = tpu.memref_slice %arg2[%mul3A_32, %dma_start3A_34] : memref<320000x16xf32, #tpu.memory_space<hbm>> -> memref<128x16xf32, #tpu.memory_space<hbm>>
      %dma_start3A_36 = arith.constant 0 : i32
      %dma_start3A_37 = tpu.memref_slice %arg2[%mul3A_32, %dma_start3A_36] : memref<320000x16xf32, #tpu.memory_space<hbm>> -> memref<128x16xf32, #tpu.memory_space<hbm>>
      tpu.enqueue_dma source(%dma_start3A_37 : memref<128x16xf32, #tpu.memory_space<hbm>>) target(%arg6 : memref<128x16xf32, #tpu.memory_space<vmem>>) target_semaphore(%arg12 : memref<!tpu.dma_semaphore, #tpu.memory_space<semaphore_mem>>)
      %dma_wait3A = tpu.memref_slice %arg3[%mul3A_32] : memref<320000xi32, #tpu.memory_space<hbm>> -> memref<128xi32, #tpu.memory_space<hbm>>
      %dma_wait3A_38 = tpu.memref_slice %arg3[%mul3A_32] : memref<320000xi32, #tpu.memory_space<hbm>> -> memref<128xi32, #tpu.memory_space<hbm>>
      tpu.wait_dma2 semaphore(%arg11 : memref<!tpu.dma_semaphore, #tpu.memory_space<semaphore_mem>>) src(%dma_wait3A_38 : memref<128xi32, #tpu.memory_space<hbm>>) dst(%arg7 : memref<128xi32, #tpu.memory_space<vmem>>)
      %dma_wait3A_39 = arith.constant 0 : i32
      %dma_wait3A_40 = tpu.memref_slice %arg2[%mul3A_32, %dma_wait3A_39] : memref<320000x16xf32, #tpu.memory_space<hbm>> -> memref<128x16xf32, #tpu.memory_space<hbm>>
      %dma_wait3A_41 = arith.constant 0 : i32
      %dma_wait3A_42 = tpu.memref_slice %arg2[%mul3A_32, %dma_wait3A_41] : memref<320000x16xf32, #tpu.memory_space<hbm>> -> memref<128x16xf32, #tpu.memory_space<hbm>>
      tpu.wait_dma2 semaphore(%arg12 : memref<!tpu.dma_semaphore, #tpu.memory_space<semaphore_mem>>) src(%dma_wait3A_42 : memref<128x16xf32, #tpu.memory_space<hbm>>) dst(%arg6 : memref<128x16xf32, #tpu.memory_space<vmem>>)
      %add3A_43 = arith.constant 0 : i32
      %add3A_44 = vector.broadcast %add3A_43 : i32 to vector<16xi32>
      %add3A_45 = arith.addi %add3A_44, %iota3A : vector<16xi32>
      %get3A = arith.constant 0 : index
      %get3A_46 = tpu.vector_load %arg7[%get3A] {strides = array<i32>} : memref<128xi32, #tpu.memory_space<vmem>>, vector<16xi32>,
      %gather3A = tpu.vector_load_idx %arg6[%add3A_45, %broadcast_in_dim3A_1] : memref<128x16xf32, #tpu.memory_space<vmem>>[vector<16xi32>, vector<16xi32>], vector<16xf32>,
      tpu.vector_store_idx %arg8[%get3A_46], %gather3A {add = true} : memref<10240xf32, #tpu.memory_space<vmem>>[vector<16xi32>], vector<16xf32>,
      %gather3A_47 = tpu.vector_load_idx %arg6[%add3A_45, %broadcast_in_dim3A_3] : memref<128x16xf32, #tpu.memory_space<vmem>>[vector<16xi32>, vector<16xi32>], vector<16xf32>,
      tpu.vector_store_idx %arg9[%get3A_46], %gather3A_47 {add = true} : memref<10240xf32, #tpu.memory_space<vmem>>[vector<16xi32>], vector<16xf32>,
      %gather3A_48 = tpu.vector_load_idx %arg6[%add3A_45, %broadcast_in_dim3A_5] : memref<128x16xf32, #tpu.memory_space<vmem>>[vector<16xi32>, vector<16xi32>], vector<16xf32>,
      tpu.vector_store_idx %arg10[%get3A_46], %gather3A_48 {add = true} : memref<10240xf32, #tpu.memory_space<vmem>>[vector<16xi32>], vector<16xf32>,
      %add3A_49 = arith.constant 16 : i32
      %add3A_50 = vector.broadcast %add3A_49 : i32 to vector<16xi32>
      %add3A_51 = arith.addi %add3A_50, %iota3A : vector<16xi32>
      %get3A_52 = arith.constant 16 : index
      %get3A_53 = tpu.vector_load %arg7[%get3A_52] {strides = array<i32>} : memref<128xi32, #tpu.memory_space<vmem>>, vector<16xi32>,
      %gather3A_54 = tpu.vector_load_idx %arg6[%add3A_51, %broadcast_in_dim3A_1] : memref<128x16xf32, #tpu.memory_space<vmem>>[vector<16xi32>, vector<16xi32>], vector<16xf32>,
      tpu.vector_store_idx %arg8[%get3A_53], %gather3A_54 {add = true} : memref<10240xf32, #tpu.memory_space<vmem>>[vector<16xi32>], vector<16xf32>,
      %gather3A_55 = tpu.vector_load_idx %arg6[%add3A_51, %broadcast_in_dim3A_3] : memref<128x16xf32, #tpu.memory_space<vmem>>[vector<16xi32>, vector<16xi32>], vector<16xf32>,
      tpu.vector_store_idx %arg9[%get3A_53], %gather3A_55 {add = true} : memref<10240xf32, #tpu.memory_space<vmem>>[vector<16xi32>], vector<16xf32>,
      %gather3A_56 = tpu.vector_load_idx %arg6[%add3A_51, %broadcast_in_dim3A_5] : memref<128x16xf32, #tpu.memory_space<vmem>>[vector<16xi32>, vector<16xi32>], vector<16xf32>,
      tpu.vector_store_idx %arg10[%get3A_53], %gather3A_56 {add = true} : memref<10240xf32, #tpu.memory_space<vmem>>[vector<16xi32>], vector<16xf32>,
      %add3A_57 = arith.constant 32 : i32
      %add3A_58 = vector.broadcast %add3A_57 : i32 to vector<16xi32>
      %add3A_59 = arith.addi %add3A_58, %iota3A : vector<16xi32>
      %get3A_60 = arith.constant 32 : index
      %get3A_61 = tpu.vector_load %arg7[%get3A_60] {strides = array<i32>} : memref<128xi32, #tpu.memory_space<vmem>>, vector<16xi32>,
      %gather3A_62 = tpu.vector_load_idx %arg6[%add3A_59, %broadcast_in_dim3A_1] : memref<128x16xf32, #tpu.memory_space<vmem>>[vector<16xi32>, vector<16xi32>], vector<16xf32>,
      tpu.vector_store_idx %arg8[%get3A_61], %gather3A_62 {add = true} : memref<10240xf32, #tpu.memory_space<vmem>>[vector<16xi32>], vector<16xf32>,
      %gather3A_63 = tpu.vector_load_idx %arg6[%add3A_59, %broadcast_in_dim3A_3] : memref<128x16xf32, #tpu.memory_space<vmem>>[vector<16xi32>, vector<16xi32>], vector<16xf32>,
      tpu.vector_store_idx %arg9[%get3A_61], %gather3A_63 {add = true} : memref<10240xf32, #tpu.memory_space<vmem>>[vector<16xi32>], vector<16xf32>,
      %gather3A_64 = tpu.vector_load_idx %arg6[%add3A_59, %broadcast_in_dim3A_5] : memref<128x16xf32, #tpu.memory_space<vmem>>[vector<16xi32>, vector<16xi32>], vector<16xf32>,
      tpu.vector_store_idx %arg10[%get3A_61], %gather3A_64 {add = true} : memref<10240xf32, #tpu.memory_space<vmem>>[vector<16xi32>], vector<16xf32>,
      %add3A_65 = arith.constant 48 : i32
      %add3A_66 = vector.broadcast %add3A_65 : i32 to vector<16xi32>
      %add3A_67 = arith.addi %add3A_66, %iota3A : vector<16xi32>
      %get3A_68 = arith.constant 48 : index
      %get3A_69 = tpu.vector_load %arg7[%get3A_68] {strides = array<i32>} : memref<128xi32, #tpu.memory_space<vmem>>, vector<16xi32>,
      %gather3A_70 = tpu.vector_load_idx %arg6[%add3A_67, %broadcast_in_dim3A_1] : memref<128x16xf32, #tpu.memory_space<vmem>>[vector<16xi32>, vector<16xi32>], vector<16xf32>,
      tpu.vector_store_idx %arg8[%get3A_69], %gather3A_70 {add = true} : memref<10240xf32, #tpu.memory_space<vmem>>[vector<16xi32>], vector<16xf32>,
      %gather3A_71 = tpu.vector_load_idx %arg6[%add3A_67, %broadcast_in_dim3A_3] : memref<128x16xf32, #tpu.memory_space<vmem>>[vector<16xi32>, vector<16xi32>], vector<16xf32>,
      tpu.vector_store_idx %arg9[%get3A_69], %gather3A_71 {add = true} : memref<10240xf32, #tpu.memory_space<vmem>>[vector<16xi32>], vector<16xf32>,
      %gather3A_72 = tpu.vector_load_idx %arg6[%add3A_67, %broadcast_in_dim3A_5] : memref<128x16xf32, #tpu.memory_space<vmem>>[vector<16xi32>, vector<16xi32>], vector<16xf32>,
      tpu.vector_store_idx %arg10[%get3A_69], %gather3A_72 {add = true} : memref<10240xf32, #tpu.memory_space<vmem>>[vector<16xi32>], vector<16xf32>,
      %add3A_73 = arith.constant 64 : i32
      %add3A_74 = vector.broadcast %add3A_73 : i32 to vector<16xi32>
      %add3A_75 = arith.addi %add3A_74, %iota3A : vector<16xi32>
      %get3A_76 = arith.constant 64 : index
      %get3A_77 = tpu.vector_load %arg7[%get3A_76] {strides = array<i32>} : memref<128xi32, #tpu.memory_space<vmem>>, vector<16xi32>,
      %gather3A_78 = tpu.vector_load_idx %arg6[%add3A_75, %broadcast_in_dim3A_1] : memref<128x16xf32, #tpu.memory_space<vmem>>[vector<16xi32>, vector<16xi32>], vector<16xf32>,
      tpu.vector_store_idx %arg8[%get3A_77], %gather3A_78 {add = true} : memref<10240xf32, #tpu.memory_space<vmem>>[vector<16xi32>], vector<16xf32>,
      %gather3A_79 = tpu.vector_load_idx %arg6[%add3A_75, %broadcast_in_dim3A_3] : memref<128x16xf32, #tpu.memory_space<vmem>>[vector<16xi32>, vector<16xi32>], vector<16xf32>,
      tpu.vector_store_idx %arg9[%get3A_77], %gather3A_79 {add = true} : memref<10240xf32, #tpu.memory_space<vmem>>[vector<16xi32>], vector<16xf32>,
      %gather3A_80 = tpu.vector_load_idx %arg6[%add3A_75, %broadcast_in_dim3A_5] : memref<128x16xf32, #tpu.memory_space<vmem>>[vector<16xi32>, vector<16xi32>], vector<16xf32>,
      tpu.vector_store_idx %arg10[%get3A_77], %gather3A_80 {add = true} : memref<10240xf32, #tpu.memory_space<vmem>>[vector<16xi32>], vector<16xf32>,
      %add3A_81 = arith.constant 80 : i32
      %add3A_82 = vector.broadcast %add3A_81 : i32 to vector<16xi32>
      %add3A_83 = arith.addi %add3A_82, %iota3A : vector<16xi32>
      %get3A_84 = arith.constant 80 : index
      %get3A_85 = tpu.vector_load %arg7[%get3A_84] {strides = array<i32>} : memref<128xi32, #tpu.memory_space<vmem>>, vector<16xi32>,
      %gather3A_86 = tpu.vector_load_idx %arg6[%add3A_83, %broadcast_in_dim3A_1] : memref<128x16xf32, #tpu.memory_space<vmem>>[vector<16xi32>, vector<16xi32>], vector<16xf32>,
      tpu.vector_store_idx %arg8[%get3A_85], %gather3A_86 {add = true} : memref<10240xf32, #tpu.memory_space<vmem>>[vector<16xi32>], vector<16xf32>,
      %gather3A_87 = tpu.vector_load_idx %arg6[%add3A_83, %broadcast_in_dim3A_3] : memref<128x16xf32, #tpu.memory_space<vmem>>[vector<16xi32>, vector<16xi32>], vector<16xf32>,
      tpu.vector_store_idx %arg9[%get3A_85], %gather3A_87 {add = true} : memref<10240xf32, #tpu.memory_space<vmem>>[vector<16xi32>], vector<16xf32>,
      %gather3A_88 = tpu.vector_load_idx %arg6[%add3A_83, %broadcast_in_dim3A_5] : memref<128x16xf32, #tpu.memory_space<vmem>>[vector<16xi32>, vector<16xi32>], vector<16xf32>,
      tpu.vector_store_idx %arg10[%get3A_85], %gather3A_88 {add = true} : memref<10240xf32, #tpu.memory_space<vmem>>[vector<16xi32>], vector<16xf32>,
      %add3A_89 = arith.constant 96 : i32
      %add3A_90 = vector.broadcast %add3A_89 : i32 to vector<16xi32>
      %add3A_91 = arith.addi %add3A_90, %iota3A : vector<16xi32>
      %get3A_92 = arith.constant 96 : index
      %get3A_93 = tpu.vector_load %arg7[%get3A_92] {strides = array<i32>} : memref<128xi32, #tpu.memory_space<vmem>>, vector<16xi32>,
      %gather3A_94 = tpu.vector_load_idx %arg6[%add3A_91, %broadcast_in_dim3A_1] : memref<128x16xf32, #tpu.memory_space<vmem>>[vector<16xi32>, vector<16xi32>], vector<16xf32>,
      tpu.vector_store_idx %arg8[%get3A_93], %gather3A_94 {add = true} : memref<10240xf32, #tpu.memory_space<vmem>>[vector<16xi32>], vector<16xf32>,
      %gather3A_95 = tpu.vector_load_idx %arg6[%add3A_91, %broadcast_in_dim3A_3] : memref<128x16xf32, #tpu.memory_space<vmem>>[vector<16xi32>, vector<16xi32>], vector<16xf32>,
      tpu.vector_store_idx %arg9[%get3A_93], %gather3A_95 {add = true} : memref<10240xf32, #tpu.memory_space<vmem>>[vector<16xi32>], vector<16xf32>,
      %gather3A_96 = tpu.vector_load_idx %arg6[%add3A_91, %broadcast_in_dim3A_5] : memref<128x16xf32, #tpu.memory_space<vmem>>[vector<16xi32>, vector<16xi32>], vector<16xf32>,
      tpu.vector_store_idx %arg10[%get3A_93], %gather3A_96 {add = true} : memref<10240xf32, #tpu.memory_space<vmem>>[vector<16xi32>], vector<16xf32>,
      %add3A_97 = arith.constant 112 : i32
      %add3A_98 = vector.broadcast %add3A_97 : i32 to vector<16xi32>
      %add3A_99 = arith.addi %add3A_98, %iota3A : vector<16xi32>
      %get3A_100 = arith.constant 112 : index
      %get3A_101 = tpu.vector_load %arg7[%get3A_100] {strides = array<i32>} : memref<128xi32, #tpu.memory_space<vmem>>, vector<16xi32>,
      %gather3A_102 = tpu.vector_load_idx %arg6[%add3A_99, %broadcast_in_dim3A_1] : memref<128x16xf32, #tpu.memory_space<vmem>>[vector<16xi32>, vector<16xi32>], vector<16xf32>,
      tpu.vector_store_idx %arg8[%get3A_101], %gather3A_102 {add = true} : memref<10240xf32, #tpu.memory_space<vmem>>[vector<16xi32>], vector<16xf32>,
      %gather3A_103 = tpu.vector_load_idx %arg6[%add3A_99, %broadcast_in_dim3A_3] : memref<128x16xf32, #tpu.memory_space<vmem>>[vector<16xi32>, vector<16xi32>], vector<16xf32>,
      tpu.vector_store_idx %arg9[%get3A_101], %gather3A_103 {add = true} : memref<10240xf32, #tpu.memory_space<vmem>>[vector<16xi32>], vector<16xf32>,
      %gather3A_104 = tpu.vector_load_idx %arg6[%add3A_99, %broadcast_in_dim3A_5] : memref<128x16xf32, #tpu.memory_space<vmem>>[vector<16xi32>, vector<16xi32>], vector<16xf32>,
      tpu.vector_store_idx %arg10[%get3A_101], %gather3A_104 {add = true} : memref<10240xf32, #tpu.memory_space<vmem>>[vector<16xi32>], vector<16xf32>,
    }
    %while3A_18 = arith.constant 1 : i32
    scf.for %while3A_27 = %while3A_16 to %while3A_12 step %while3A_18  : i32 {
      %mul3A_28 = arith.constant 32 : i32
      %mul3A_29 = arith.muli %while3A_27, %mul3A_28 : i32
      %add3A_30 = arith.addi %mul3A_29, %add3A : i32
      %mul3A_31 = arith.constant 128 : i32
      %mul3A_32 = arith.muli %add3A_30, %mul3A_31 : i32
      %dma_start3A = tpu.memref_slice %arg3[%mul3A_32] : memref<320000xi32, #tpu.memory_space<hbm>> -> memref<128xi32, #tpu.memory_space<hbm>>
      %dma_start3A_33 = tpu.memref_slice %arg3[%mul3A_32] : memref<320000xi32, #tpu.memory_space<hbm>> -> memref<128xi32, #tpu.memory_space<hbm>>
      tpu.enqueue_dma source(%dma_start3A_33 : memref<128xi32, #tpu.memory_space<hbm>>) target(%arg7 : memref<128xi32, #tpu.memory_space<vmem>>) target_semaphore(%arg11 : memref<!tpu.dma_semaphore, #tpu.memory_space<semaphore_mem>>)
      %dma_start3A_34 = arith.constant 0 : i32
      %dma_start3A_35 = tpu.memref_slice %arg2[%mul3A_32, %dma_start3A_34] : memref<320000x16xf32, #tpu.memory_space<hbm>> -> memref<128x16xf32, #tpu.memory_space<hbm>>
      %dma_start3A_36 = arith.constant 0 : i32
      %dma_start3A_37 = tpu.memref_slice %arg2[%mul3A_32, %dma_start3A_36] : memref<320000x16xf32, #tpu.memory_space<hbm>> -> memref<128x16xf32, #tpu.memory_space<hbm>>
      tpu.enqueue_dma source(%dma_start3A_37 : memref<128x16xf32, #tpu.memory_space<hbm>>) target(%arg6 : memref<128x16xf32, #tpu.memory_space<vmem>>) target_semaphore(%arg12 : memref<!tpu.dma_semaphore, #tpu.memory_space<semaphore_mem>>)
      %dma_wait3A = tpu.memref_slice %arg3[%mul3A_32] : memref<320000xi32, #tpu.memory_space<hbm>> -> memref<128xi32, #tpu.memory_space<hbm>>
      %dma_wait3A_38 = tpu.memref_slice %arg3[%mul3A_32] : memref<320000xi32, #tpu.memory_space<hbm>> -> memref<128xi32, #tpu.memory_space<hbm>>
      tpu.wait_dma2 semaphore(%arg11 : memref<!tpu.dma_semaphore, #tpu.memory_space<semaphore_mem>>) src(%dma_wait3A_38 : memref<128xi32, #tpu.memory_space<hbm>>) dst(%arg7 : memref<128xi32, #tpu.memory_space<vmem>>)
      %dma_wait3A_39 = arith.constant 0 : i32
      %dma_wait3A_40 = tpu.memref_slice %arg2[%mul3A_32, %dma_wait3A_39] : memref<320000x16xf32, #tpu.memory_space<hbm>> -> memref<128x16xf32, #tpu.memory_space<hbm>>
      %dma_wait3A_41 = arith.constant 0 : i32
      %dma_wait3A_42 = tpu.memref_slice %arg2[%mul3A_32, %dma_wait3A_41] : memref<320000x16xf32, #tpu.memory_space<hbm>> -> memref<128x16xf32, #tpu.memory_space<hbm>>
      tpu.wait_dma2 semaphore(%arg12 : memref<!tpu.dma_semaphore, #tpu.memory_space<semaphore_mem>>) src(%dma_wait3A_42 : memref<128x16xf32, #tpu.memory_space<hbm>>) dst(%arg6 : memref<128x16xf32, #tpu.memory_space<vmem>>)
      %add3A_43 = arith.constant 0 : i32
      %add3A_44 = vector.broadcast %add3A_43 : i32 to vector<16xi32>
      %add3A_45 = arith.addi %add3A_44, %iota3A : vector<16xi32>
      %get3A = arith.constant 0 : index
      %get3A_46 = tpu.vector_load %arg7[%get3A] {strides = array<i32>} : memref<128xi32, #tpu.memory_space<vmem>>, vector<16xi32>,
      %gather3A = tpu.vector_load_idx %arg6[%add3A_45, %broadcast_in_dim3A_1] : memref<128x16xf32, #tpu.memory_space<vmem>>[vector<16xi32>, vector<16xi32>], vector<16xf32>,
      tpu.vector_store_idx %arg8[%get3A_46], %gather3A {add = true} : memref<10240xf32, #tpu.memory_space<vmem>>[vector<16xi32>], vector<16xf32>,
      %gather3A_47 = tpu.vector_load_idx %arg6[%add3A_45, %broadcast_in_dim3A_3] : memref<128x16xf32, #tpu.memory_space<vmem>>[vector<16xi32>, vector<16xi32>], vector<16xf32>,
      tpu.vector_store_idx %arg9[%get3A_46], %gather3A_47 {add = true} : memref<10240xf32, #tpu.memory_space<vmem>>[vector<16xi32>], vector<16xf32>,
      %gather3A_48 = tpu.vector_load_idx %arg6[%add3A_45, %broadcast_in_dim3A_5] : memref<128x16xf32, #tpu.memory_space<vmem>>[vector<16xi32>, vector<16xi32>], vector<16xf32>,
      tpu.vector_store_idx %arg10[%get3A_46], %gather3A_48 {add = true} : memref<10240xf32, #tpu.memory_space<vmem>>[vector<16xi32>], vector<16xf32>,
      %add3A_49 = arith.constant 16 : i32
      %add3A_50 = vector.broadcast %add3A_49 : i32 to vector<16xi32>
      %add3A_51 = arith.addi %add3A_50, %iota3A : vector<16xi32>
      %get3A_52 = arith.constant 16 : index
      %get3A_53 = tpu.vector_load %arg7[%get3A_52] {strides = array<i32>} : memref<128xi32, #tpu.memory_space<vmem>>, vector<16xi32>,
      %gather3A_54 = tpu.vector_load_idx %arg6[%add3A_51, %broadcast_in_dim3A_1] : memref<128x16xf32, #tpu.memory_space<vmem>>[vector<16xi32>, vector<16xi32>], vector<16xf32>,
      tpu.vector_store_idx %arg8[%get3A_53], %gather3A_54 {add = true} : memref<10240xf32, #tpu.memory_space<vmem>>[vector<16xi32>], vector<16xf32>,
      %gather3A_55 = tpu.vector_load_idx %arg6[%add3A_51, %broadcast_in_dim3A_3] : memref<128x16xf32, #tpu.memory_space<vmem>>[vector<16xi32>, vector<16xi32>], vector<16xf32>,
      tpu.vector_store_idx %arg9[%get3A_53], %gather3A_55 {add = true} : memref<10240xf32, #tpu.memory_space<vmem>>[vector<16xi32>], vector<16xf32>,
      %gather3A_56 = tpu.vector_load_idx %arg6[%add3A_51, %broadcast_in_dim3A_5] : memref<128x16xf32, #tpu.memory_space<vmem>>[vector<16xi32>, vector<16xi32>], vector<16xf32>,
      tpu.vector_store_idx %arg10[%get3A_53], %gather3A_56 {add = true} : memref<10240xf32, #tpu.memory_space<vmem>>[vector<16xi32>], vector<16xf32>,
      %add3A_57 = arith.constant 32 : i32
      %add3A_58 = vector.broadcast %add3A_57 : i32 to vector<16xi32>
      %add3A_59 = arith.addi %add3A_58, %iota3A : vector<16xi32>
      %get3A_60 = arith.constant 32 : index
      %get3A_61 = tpu.vector_load %arg7[%get3A_60] {strides = array<i32>} : memref<128xi32, #tpu.memory_space<vmem>>, vector<16xi32>,
      %gather3A_62 = tpu.vector_load_idx %arg6[%add3A_59, %broadcast_in_dim3A_1] : memref<128x16xf32, #tpu.memory_space<vmem>>[vector<16xi32>, vector<16xi32>], vector<16xf32>,
      tpu.vector_store_idx %arg8[%get3A_61], %gather3A_62 {add = true} : memref<10240xf32, #tpu.memory_space<vmem>>[vector<16xi32>], vector<16xf32>,
      %gather3A_63 = tpu.vector_load_idx %arg6[%add3A_59, %broadcast_in_dim3A_3] : memref<128x16xf32, #tpu.memory_space<vmem>>[vector<16xi32>, vector<16xi32>], vector<16xf32>,
      tpu.vector_store_idx %arg9[%get3A_61], %gather3A_63 {add = true} : memref<10240xf32, #tpu.memory_space<vmem>>[vector<16xi32>], vector<16xf32>,
      %gather3A_64 = tpu.vector_load_idx %arg6[%add3A_59, %broadcast_in_dim3A_5] : memref<128x16xf32, #tpu.memory_space<vmem>>[vector<16xi32>, vector<16xi32>], vector<16xf32>,
      tpu.vector_store_idx %arg10[%get3A_61], %gather3A_64 {add = true} : memref<10240xf32, #tpu.memory_space<vmem>>[vector<16xi32>], vector<16xf32>,
      %add3A_65 = arith.constant 48 : i32
      %add3A_66 = vector.broadcast %add3A_65 : i32 to vector<16xi32>
      %add3A_67 = arith.addi %add3A_66, %iota3A : vector<16xi32>
      %get3A_68 = arith.constant 48 : index
      %get3A_69 = tpu.vector_load %arg7[%get3A_68] {strides = array<i32>} : memref<128xi32, #tpu.memory_space<vmem>>, vector<16xi32>,
      %gather3A_70 = tpu.vector_load_idx %arg6[%add3A_67, %broadcast_in_dim3A_1] : memref<128x16xf32, #tpu.memory_space<vmem>>[vector<16xi32>, vector<16xi32>], vector<16xf32>,
      tpu.vector_store_idx %arg8[%get3A_69], %gather3A_70 {add = true} : memref<10240xf32, #tpu.memory_space<vmem>>[vector<16xi32>], vector<16xf32>,
      %gather3A_71 = tpu.vector_load_idx %arg6[%add3A_67, %broadcast_in_dim3A_3] : memref<128x16xf32, #tpu.memory_space<vmem>>[vector<16xi32>, vector<16xi32>], vector<16xf32>,
      tpu.vector_store_idx %arg9[%get3A_69], %gather3A_71 {add = true} : memref<10240xf32, #tpu.memory_space<vmem>>[vector<16xi32>], vector<16xf32>,
      %gather3A_72 = tpu.vector_load_idx %arg6[%add3A_67, %broadcast_in_dim3A_5] : memref<128x16xf32, #tpu.memory_space<vmem>>[vector<16xi32>, vector<16xi32>], vector<16xf32>,
      tpu.vector_store_idx %arg10[%get3A_69], %gather3A_72 {add = true} : memref<10240xf32, #tpu.memory_space<vmem>>[vector<16xi32>], vector<16xf32>,
      %add3A_73 = arith.constant 64 : i32
      %add3A_74 = vector.broadcast %add3A_73 : i32 to vector<16xi32>
      %add3A_75 = arith.addi %add3A_74, %iota3A : vector<16xi32>
      %get3A_76 = arith.constant 64 : index
      %get3A_77 = tpu.vector_load %arg7[%get3A_76] {strides = array<i32>} : memref<128xi32, #tpu.memory_space<vmem>>, vector<16xi32>,
      %gather3A_78 = tpu.vector_load_idx %arg6[%add3A_75, %broadcast_in_dim3A_1] : memref<128x16xf32, #tpu.memory_space<vmem>>[vector<16xi32>, vector<16xi32>], vector<16xf32>,
      tpu.vector_store_idx %arg8[%get3A_77], %gather3A_78 {add = true} : memref<10240xf32, #tpu.memory_space<vmem>>[vector<16xi32>], vector<16xf32>,
      %gather3A_79 = tpu.vector_load_idx %arg6[%add3A_75, %broadcast_in_dim3A_3] : memref<128x16xf32, #tpu.memory_space<vmem>>[vector<16xi32>, vector<16xi32>], vector<16xf32>,
      tpu.vector_store_idx %arg9[%get3A_77], %gather3A_79 {add = true} : memref<10240xf32, #tpu.memory_space<vmem>>[vector<16xi32>], vector<16xf32>,
      %gather3A_80 = tpu.vector_load_idx %arg6[%add3A_75, %broadcast_in_dim3A_5] : memref<128x16xf32, #tpu.memory_space<vmem>>[vector<16xi32>, vector<16xi32>], vector<16xf32>,
      tpu.vector_store_idx %arg10[%get3A_77], %gather3A_80 {add = true} : memref<10240xf32, #tpu.memory_space<vmem>>[vector<16xi32>], vector<16xf32>,
      %add3A_81 = arith.constant 80 : i32
      %add3A_82 = vector.broadcast %add3A_81 : i32 to vector<16xi32>
      %add3A_83 = arith.addi %add3A_82, %iota3A : vector<16xi32>
      %get3A_84 = arith.constant 80 : index
      %get3A_85 = tpu.vector_load %arg7[%get3A_84] {strides = array<i32>} : memref<128xi32, #tpu.memory_space<vmem>>, vector<16xi32>,
      %gather3A_86 = tpu.vector_load_idx %arg6[%add3A_83, %broadcast_in_dim3A_1] : memref<128x16xf32, #tpu.memory_space<vmem>>[vector<16xi32>, vector<16xi32>], vector<16xf32>,
      tpu.vector_store_idx %arg8[%get3A_85], %gather3A_86 {add = true} : memref<10240xf32, #tpu.memory_space<vmem>>[vector<16xi32>], vector<16xf32>,
      %gather3A_87 = tpu.vector_load_idx %arg6[%add3A_83, %broadcast_in_dim3A_3] : memref<128x16xf32, #tpu.memory_space<vmem>>[vector<16xi32>, vector<16xi32>], vector<16xf32>,
      tpu.vector_store_idx %arg9[%get3A_85], %gather3A_87 {add = true} : memref<10240xf32, #tpu.memory_space<vmem>>[vector<16xi32>], vector<16xf32>,
      %gather3A_88 = tpu.vector_load_idx %arg6[%add3A_83, %broadcast_in_dim3A_5] : memref<128x16xf32, #tpu.memory_space<vmem>>[vector<16xi32>, vector<16xi32>], vector<16xf32>,
      tpu.vector_store_idx %arg10[%get3A_85], %gather3A_88 {add = true} : memref<10240xf32, #tpu.memory_space<vmem>>[vector<16xi32>], vector<16xf32>,
      %add3A_89 = arith.constant 96 : i32
      %add3A_90 = vector.broadcast %add3A_89 : i32 to vector<16xi32>
      %add3A_91 = arith.addi %add3A_90, %iota3A : vector<16xi32>
      %get3A_92 = arith.constant 96 : index
      %get3A_93 = tpu.vector_load %arg7[%get3A_92] {strides = array<i32>} : memref<128xi32, #tpu.memory_space<vmem>>, vector<16xi32>,
      %gather3A_94 = tpu.vector_load_idx %arg6[%add3A_91, %broadcast_in_dim3A_1] : memref<128x16xf32, #tpu.memory_space<vmem>>[vector<16xi32>, vector<16xi32>], vector<16xf32>,
      tpu.vector_store_idx %arg8[%get3A_93], %gather3A_94 {add = true} : memref<10240xf32, #tpu.memory_space<vmem>>[vector<16xi32>], vector<16xf32>,
      %gather3A_95 = tpu.vector_load_idx %arg6[%add3A_91, %broadcast_in_dim3A_3] : memref<128x16xf32, #tpu.memory_space<vmem>>[vector<16xi32>, vector<16xi32>], vector<16xf32>,
      tpu.vector_store_idx %arg9[%get3A_93], %gather3A_95 {add = true} : memref<10240xf32, #tpu.memory_space<vmem>>[vector<16xi32>], vector<16xf32>,
      %gather3A_96 = tpu.vector_load_idx %arg6[%add3A_91, %broadcast_in_dim3A_5] : memref<128x16xf32, #tpu.memory_space<vmem>>[vector<16xi32>, vector<16xi32>], vector<16xf32>,
      tpu.vector_store_idx %arg10[%get3A_93], %gather3A_96 {add = true} : memref<10240xf32, #tpu.memory_space<vmem>>[vector<16xi32>], vector<16xf32>,
      %add3A_97 = arith.constant 112 : i32
      %add3A_98 = vector.broadcast %add3A_97 : i32 to vector<16xi32>
      %add3A_99 = arith.addi %add3A_98, %iota3A : vector<16xi32>
      %get3A_100 = arith.constant 112 : index
      %get3A_101 = tpu.vector_load %arg7[%get3A_100] {strides = array<i32>} : memref<128xi32, #tpu.memory_space<vmem>>, vector<16xi32>,
      %gather3A_102 = tpu.vector_load_idx %arg6[%add3A_99, %broadcast_in_dim3A_1] : memref<128x16xf32, #tpu.memory_space<vmem>>[vector<16xi32>, vector<16xi32>], vector<16xf32>,
      tpu.vector_store_idx %arg8[%get3A_101], %gather3A_102 {add = true} : memref<10240xf32, #tpu.memory_space<vmem>>[vector<16xi32>], vector<16xf32>,
      %gather3A_103 = tpu.vector_load_idx %arg6[%add3A_99, %broadcast_in_dim3A_3] : memref<128x16xf32, #tpu.memory_space<vmem>>[vector<16xi32>, vector<16xi32>], vector<16xf32>,
      tpu.vector_store_idx %arg9[%get3A_101], %gather3A_103 {add = true} : memref<10240xf32, #tpu.memory_space<vmem>>[vector<16xi32>], vector<16xf32>,
      %gather3A_104 = tpu.vector_load_idx %arg6[%add3A_99, %broadcast_in_dim3A_5] : memref<128x16xf32, #tpu.memory_space<vmem>>[vector<16xi32>, vector<16xi32>], vector<16xf32>,
      tpu.vector_store_idx %arg10[%get3A_101], %gather3A_104 {add = true} : memref<10240xf32, #tpu.memory_space<vmem>>[vector<16xi32>], vector<16xf32>,
    }
    %mul3A_19 = arith.constant 3 : i32
    %mul3A_20 = arith.muli %add3A, %mul3A_19 : i32
    %mul3A_21 = arith.constant 10240 : i32
    %mul3A_22 = arith.muli %mul3A_20, %mul3A_21 : i32
    "tpu.region"() ({
      %run_scoped3A = tpu.sem_alloc : memref<!tpu.dma_semaphore, #tpu.memory_space<semaphore_mem>>
      %dma_start3A = tpu.memref_slice %arg5[%mul3A_22] : memref<983040xf32, #tpu.memory_space<hbm>> -> memref<10240xf32, #tpu.memory_space<hbm>>
      %dma_start3A_27 = tpu.memref_slice %arg5[%mul3A_22] : memref<983040xf32, #tpu.memory_space<hbm>> -> memref<10240xf32, #tpu.memory_space<hbm>>
      tpu.enqueue_dma source(%arg8 : memref<10240xf32, #tpu.memory_space<vmem>>) target(%dma_start3A_27 : memref<10240xf32, #tpu.memory_space<hbm>>) target_semaphore(%run_scoped3A : memref<!tpu.dma_semaphore, #tpu.memory_space<semaphore_mem>>)
      %dma_wait3A = tpu.memref_slice %arg5[%mul3A_22] : memref<983040xf32, #tpu.memory_space<hbm>> -> memref<10240xf32, #tpu.memory_space<hbm>>
      %dma_wait3A_28 = tpu.memref_slice %arg5[%mul3A_22] : memref<983040xf32, #tpu.memory_space<hbm>> -> memref<10240xf32, #tpu.memory_space<hbm>>
      tpu.wait_dma2 semaphore(%run_scoped3A : memref<!tpu.dma_semaphore, #tpu.memory_space<semaphore_mem>>) src(%arg8 : memref<10240xf32, #tpu.memory_space<vmem>>) dst(%dma_wait3A_28 : memref<10240xf32, #tpu.memory_space<hbm>>)
      tpu.yield
    }) : () -> ()
    %add3A_23 = arith.constant 10240 : i32
    %add3A_24 = arith.addi %mul3A_22, %add3A_23 : i32
    "tpu.region"() ({
      %run_scoped3A = tpu.sem_alloc : memref<!tpu.dma_semaphore, #tpu.memory_space<semaphore_mem>>
      %dma_start3A = tpu.memref_slice %arg5[%add3A_24] : memref<983040xf32, #tpu.memory_space<hbm>> -> memref<10240xf32, #tpu.memory_space<hbm>>
      %dma_start3A_27 = tpu.memref_slice %arg5[%add3A_24] : memref<983040xf32, #tpu.memory_space<hbm>> -> memref<10240xf32, #tpu.memory_space<hbm>>
      tpu.enqueue_dma source(%arg9 : memref<10240xf32, #tpu.memory_space<vmem>>) target(%dma_start3A_27 : memref<10240xf32, #tpu.memory_space<hbm>>) target_semaphore(%run_scoped3A : memref<!tpu.dma_semaphore, #tpu.memory_space<semaphore_mem>>)
      %dma_wait3A = tpu.memref_slice %arg5[%add3A_24] : memref<983040xf32, #tpu.memory_space<hbm>> -> memref<10240xf32, #tpu.memory_space<hbm>>
      %dma_wait3A_28 = tpu.memref_slice %arg5[%add3A_24] : memref<983040xf32, #tpu.memory_space<hbm>> -> memref<10240xf32, #tpu.memory_space<hbm>>
      tpu.wait_dma2 semaphore(%run_scoped3A : memref<!tpu.dma_semaphore, #tpu.memory_space<semaphore_mem>>) src(%arg9 : memref<10240xf32, #tpu.memory_space<vmem>>) dst(%dma_wait3A_28 : memref<10240xf32, #tpu.memory_space<hbm>>)
      tpu.yield
    }) : () -> ()
    %add3A_25 = arith.constant 20480 : i32
    %add3A_26 = arith.addi %mul3A_22, %add3A_25 : i32
    "tpu.region"() ({
      %run_scoped3A = tpu.sem_alloc : memref<!tpu.dma_semaphore, #tpu.memory_space<semaphore_mem>>
      %dma_start3A = tpu.memref_slice %arg5[%add3A_26] : memref<983040xf32, #tpu.memory_space<hbm>> -> memref<10240xf32, #tpu.memory_space<hbm>>
      %dma_start3A_27 = tpu.memref_slice %arg5[%add3A_26] : memref<983040xf32, #tpu.memory_space<hbm>> -> memref<10240xf32, #tpu.memory_space<hbm>>
      tpu.enqueue_dma source(%arg10 : memref<10240xf32, #tpu.memory_space<vmem>>) target(%dma_start3A_27 : memref<10240xf32, #tpu.memory_space<hbm>>) target_semaphore(%run_scoped3A : memref<!tpu.dma_semaphore, #tpu.memory_space<semaphore_mem>>)
      %dma_wait3A = tpu.memref_slice %arg5[%add3A_26] : memref<983040xf32, #tpu.memory_space<hbm>> -> memref<10240xf32, #tpu.memory_space<hbm>>
      %dma_wait3A_28 = tpu.memref_slice %arg5[%add3A_26] : memref<983040xf32, #tpu.memory_space<hbm>> -> memref<10240xf32, #tpu.memory_space<hbm>>
      tpu.wait_dma2 semaphore(%run_scoped3A : memref<!tpu.dma_semaphore, #tpu.memory_space<semaphore_mem>>) src(%arg10 : memref<10240xf32, #tpu.memory_space<vmem>>) dst(%dma_wait3A_28 : memref<10240xf32, #tpu.memory_space<hbm>>)
      tpu.yield
    }) : () -> ()
    return
  }
}

module attributes {stable_mosaic.version = 14 : i64} {
  func.func @_node_mlp_body(%arg0: i32, %arg1: memref<2000x128xf32, #tpu.memory_space<vmem>>, %arg2: memref<128x256xf32, #tpu.memory_space<vmem>>, %arg3: memref<1x256xf32, #tpu.memory_space<vmem>>, %arg4: memref<256x128xf32, #tpu.memory_space<vmem>>, %arg5: memref<1x128xf32, #tpu.memory_space<vmem>>, %arg6: memref<128x256xf32, #tpu.memory_space<vmem>>, %arg7: memref<1x256xf32, #tpu.memory_space<vmem>>, %arg8: memref<256x128xf32, #tpu.memory_space<vmem>>, %arg9: memref<1x128xf32, #tpu.memory_space<vmem>>, %arg10: memref<2000x128xf32, #tpu.memory_space<vmem>>, %arg11: memref<2000x128xf32, #tpu.memory_space<vmem>>) attributes {dimension_semantics = [#tpu.dimension_semantics<arbitrary>], iteration_bounds = array<i64: 5>, scalar_prefetch = 0 : i64, scratch_operands = 0 : i64, tpu.core_type = #tpu.core_type<tc>, window_params = [{transform_indices = @transform_0, window_bounds = array<i64: 2000, 128>}, {pipeline_mode = #tpu.pipeline_mode<synchronous>, transform_indices = @transform_1, window_bounds = array<i64: 128, 256>}, {pipeline_mode = #tpu.pipeline_mode<synchronous>, transform_indices = @transform_2, window_bounds = array<i64: 1, 256>}, {pipeline_mode = #tpu.pipeline_mode<synchronous>, transform_indices = @transform_3, window_bounds = array<i64: 256, 128>}, {pipeline_mode = #tpu.pipeline_mode<synchronous>, transform_indices = @transform_4, window_bounds = array<i64: 1, 128>}, {pipeline_mode = #tpu.pipeline_mode<synchronous>, transform_indices = @transform_5, window_bounds = array<i64: 128, 256>}, {pipeline_mode = #tpu.pipeline_mode<synchronous>, transform_indices = @transform_6, window_bounds = array<i64: 1, 256>}, {pipeline_mode = #tpu.pipeline_mode<synchronous>, transform_indices = @transform_7, window_bounds = array<i64: 256, 128>}, {pipeline_mode = #tpu.pipeline_mode<synchronous>, transform_indices = @transform_8, window_bounds = array<i64: 1, 128>}, {transform_indices = @transform_9, window_bounds = array<i64: 2000, 128>}, {transform_indices = @transform_10, window_bounds = array<i64: 2000, 128>}]} {
    %get3A = arith.constant 0 : index
    %get3A_0 = arith.constant 0 : index
    %get3A_1 = vector.load %arg1[%get3A, %get3A_0] : memref<2000x128xf32, #tpu.memory_space<vmem>>, vector<2000x128xf32>
    %get3A_2 = arith.constant 0 : index
    %get3A_3 = arith.constant 0 : index
    %get3A_4 = vector.load %arg2[%get3A_2, %get3A_3] : memref<128x256xf32, #tpu.memory_space<vmem>>, vector<128x256xf32>
    %dot_general3A = arith.constant dense<0.000000e+00> : vector<2000x256xf32>
    %dot_general3A_5 = tpu.matmul %get3A_1, %get3A_4, %dot_general3A {dimension_numbers = #tpu.dot_dimension_numbers<[1], [0], [0], [1], [0, 0, 1, 1], [], []>, transpose_lhs_hint = false} : vector<2000x128xf32>, vector<128x256xf32>, vector<2000x256xf32> -> vector<2000x256xf32>
    %get3A_6 = arith.constant 0 : index
    %get3A_7 = arith.constant 0 : index
    %get3A_8 = vector.load %arg3[%get3A_6, %get3A_7] : memref<1x256xf32, #tpu.memory_space<vmem>>, vector<1x256xf32>
    %add3A = vector.broadcast %get3A_8 : vector<1x256xf32> to vector<2000x256xf32>
    %add3A_9 = arith.addf %dot_general3A_5, %add3A : vector<2000x256xf32>
    %logistic3A = arith.negf %add3A_9 : vector<2000x256xf32>
    %logistic3A_10 = math.exp %logistic3A : vector<2000x256xf32>
    %logistic3A_11 = arith.constant 1.000000e+00 : f32
    %logistic3A_12 = vector.broadcast %logistic3A_11 : f32 to vector<2000x256xf32>
    %logistic3A_13 = arith.addf %logistic3A_12, %logistic3A_10 : vector<2000x256xf32>
    %logistic3A_14 = arith.divf %logistic3A_12, %logistic3A_13 : vector<2000x256xf32>
    %mul3A = arith.mulf %add3A_9, %logistic3A_14 : vector<2000x256xf32>
    %get3A_15 = arith.constant 0 : index
    %get3A_16 = arith.constant 0 : index
    %get3A_17 = vector.load %arg4[%get3A_15, %get3A_16] : memref<256x128xf32, #tpu.memory_space<vmem>>, vector<256x128xf32>
    %dot_general3A_18 = arith.constant dense<0.000000e+00> : vector<2000x128xf32>
    %dot_general3A_19 = tpu.matmul %mul3A, %get3A_17, %dot_general3A_18 {dimension_numbers = #tpu.dot_dimension_numbers<[1], [0], [0], [1], [0, 0, 1, 1], [], []>, transpose_lhs_hint = false} : vector<2000x256xf32>, vector<256x128xf32>, vector<2000x128xf32> -> vector<2000x128xf32>
    %get3A_20 = arith.constant 0 : index
    %get3A_21 = arith.constant 0 : index
    %get3A_22 = vector.load %arg5[%get3A_20, %get3A_21] : memref<1x128xf32, #tpu.memory_space<vmem>>, vector<1x128xf32>
    %add3A_23 = vector.broadcast %get3A_22 : vector<1x128xf32> to vector<2000x128xf32>
    %add3A_24 = arith.addf %dot_general3A_19, %add3A_23 : vector<2000x128xf32>
    %swap3A = arith.constant 0 : index
    %swap3A_25 = arith.constant 0 : index
    %swap3A_26 = vector.load %arg10[%swap3A, %swap3A_25] : memref<2000x128xf32, #tpu.memory_space<vmem>>, vector<2000x128xf32>
    tpu.vector_store %arg10[%swap3A, %swap3A_25], %add3A_24 {strides = array<i32>} : memref<2000x128xf32, #tpu.memory_space<vmem>>, vector<2000x128xf32>,
    %get3A_27 = arith.constant 0 : index
    %get3A_28 = arith.constant 0 : index
    %get3A_29 = vector.load %arg6[%get3A_27, %get3A_28] : memref<128x256xf32, #tpu.memory_space<vmem>>, vector<128x256xf32>
    %dot_general3A_30 = arith.constant dense<0.000000e+00> : vector<2000x256xf32>
    %dot_general3A_31 = tpu.matmul %get3A_1, %get3A_29, %dot_general3A_30 {dimension_numbers = #tpu.dot_dimension_numbers<[1], [0], [0], [1], [0, 0, 1, 1], [], []>, transpose_lhs_hint = false} : vector<2000x128xf32>, vector<128x256xf32>, vector<2000x256xf32> -> vector<2000x256xf32>
    %get3A_32 = arith.constant 0 : index
    %get3A_33 = arith.constant 0 : index
    %get3A_34 = vector.load %arg7[%get3A_32, %get3A_33] : memref<1x256xf32, #tpu.memory_space<vmem>>, vector<1x256xf32>
    %add3A_35 = vector.broadcast %get3A_34 : vector<1x256xf32> to vector<2000x256xf32>
    %add3A_36 = arith.addf %dot_general3A_31, %add3A_35 : vector<2000x256xf32>
    %logistic3A_37 = arith.negf %add3A_36 : vector<2000x256xf32>
    %logistic3A_38 = math.exp %logistic3A_37 : vector<2000x256xf32>
    %logistic3A_39 = arith.constant 1.000000e+00 : f32
    %logistic3A_40 = vector.broadcast %logistic3A_39 : f32 to vector<2000x256xf32>
    %logistic3A_41 = arith.addf %logistic3A_40, %logistic3A_38 : vector<2000x256xf32>
    %logistic3A_42 = arith.divf %logistic3A_40, %logistic3A_41 : vector<2000x256xf32>
    %mul3A_43 = arith.mulf %add3A_36, %logistic3A_42 : vector<2000x256xf32>
    %get3A_44 = arith.constant 0 : index
    %get3A_45 = arith.constant 0 : index
    %get3A_46 = vector.load %arg8[%get3A_44, %get3A_45] : memref<256x128xf32, #tpu.memory_space<vmem>>, vector<256x128xf32>
    %dot_general3A_47 = arith.constant dense<0.000000e+00> : vector<2000x128xf32>
    %dot_general3A_48 = tpu.matmul %mul3A_43, %get3A_46, %dot_general3A_47 {dimension_numbers = #tpu.dot_dimension_numbers<[1], [0], [0], [1], [0, 0, 1, 1], [], []>, transpose_lhs_hint = false} : vector<2000x256xf32>, vector<256x128xf32>, vector<2000x128xf32> -> vector<2000x128xf32>
    %get3A_49 = arith.constant 0 : index
    %get3A_50 = arith.constant 0 : index
    %get3A_51 = vector.load %arg9[%get3A_49, %get3A_50] : memref<1x128xf32, #tpu.memory_space<vmem>>, vector<1x128xf32>
    %add3A_52 = vector.broadcast %get3A_51 : vector<1x128xf32> to vector<2000x128xf32>
    %add3A_53 = arith.addf %dot_general3A_48, %add3A_52 : vector<2000x128xf32>
    %swap3A_54 = arith.constant 0 : index
    %swap3A_55 = arith.constant 0 : index
    %swap3A_56 = vector.load %arg11[%swap3A_54, %swap3A_55] : memref<2000x128xf32, #tpu.memory_space<vmem>>, vector<2000x128xf32>
    tpu.vector_store %arg11[%swap3A_54, %swap3A_55], %add3A_53 {strides = array<i32>} : memref<2000x128xf32, #tpu.memory_space<vmem>>, vector<2000x128xf32>,
    return
  }
  func.func @transform_0(%arg0: i32) -> (i32, i32) {
    %c0_i32 = arith.constant 0 : i32
    %c0_i32_0 = arith.constant 0 : i32
    return %arg0, %c0_i32 : i32, i32
  }
  func.func @transform_1(%arg0: i32) -> (i32, i32) {
    %c0_i32 = arith.constant 0 : i32
    %c0_i32_0 = arith.constant 0 : i32
    %c0_i32_1 = arith.constant 0 : i32
    return %c0_i32, %c0_i32_0 : i32, i32
  }
  func.func @transform_2(%arg0: i32) -> (i32, i32) {
    %c0_i32 = arith.constant 0 : i32
    %c0_i32_0 = arith.constant 0 : i32
    %c0_i32_1 = arith.constant 0 : i32
    return %c0_i32, %c0_i32_0 : i32, i32
  }
  func.func @transform_3(%arg0: i32) -> (i32, i32) {
    %c0_i32 = arith.constant 0 : i32
    %c0_i32_0 = arith.constant 0 : i32
    %c0_i32_1 = arith.constant 0 : i32
    return %c0_i32, %c0_i32_0 : i32, i32
  }
  func.func @transform_4(%arg0: i32) -> (i32, i32) {
    %c0_i32 = arith.constant 0 : i32
    %c0_i32_0 = arith.constant 0 : i32
    %c0_i32_1 = arith.constant 0 : i32
    return %c0_i32, %c0_i32_0 : i32, i32
  }
  func.func @transform_5(%arg0: i32) -> (i32, i32) {
    %c0_i32 = arith.constant 0 : i32
    %c0_i32_0 = arith.constant 0 : i32
    %c0_i32_1 = arith.constant 0 : i32
    return %c0_i32, %c0_i32_0 : i32, i32
  }
  func.func @transform_6(%arg0: i32) -> (i32, i32) {
    %c0_i32 = arith.constant 0 : i32
    %c0_i32_0 = arith.constant 0 : i32
    %c0_i32_1 = arith.constant 0 : i32
    return %c0_i32, %c0_i32_0 : i32, i32
  }
  func.func @transform_7(%arg0: i32) -> (i32, i32) {
    %c0_i32 = arith.constant 0 : i32
    %c0_i32_0 = arith.constant 0 : i32
    %c0_i32_1 = arith.constant 0 : i32
    return %c0_i32, %c0_i32_0 : i32, i32
  }
  func.func @transform_8(%arg0: i32) -> (i32, i32) {
    %c0_i32 = arith.constant 0 : i32
    %c0_i32_0 = arith.constant 0 : i32
    %c0_i32_1 = arith.constant 0 : i32
    return %c0_i32, %c0_i32_0 : i32, i32
  }
  func.func @transform_9(%arg0: i32) -> (i32, i32) {
    %c0_i32 = arith.constant 0 : i32
    %c0_i32_0 = arith.constant 0 : i32
    return %arg0, %c0_i32 : i32, i32
  }
  func.func @transform_10(%arg0: i32) -> (i32, i32) {
    %c0_i32 = arith.constant 0 : i32
    %c0_i32_0 = arith.constant 0 : i32
    return %arg0, %c0_i32 : i32, i32
  }
}

module attributes {stable_mosaic.version = 14 : i64} {
  func.func @_edge_body(%arg0: i32, %arg1: memref<2560x128xf32, #tpu.memory_space<vmem>>, %arg2: memref<2560x128xf32, #tpu.memory_space<vmem>>, %arg3: memref<2560x16xf32, #tpu.memory_space<vmem>>, %arg4: memref<2560x16xf32, #tpu.memory_space<vmem>>, %arg5: memref<2560x16xf32, #tpu.memory_space<vmem>>, %arg6: memref<16x128xf32, #tpu.memory_space<vmem>>, %arg7: memref<64x128xf32, #tpu.memory_space<vmem>>, %arg8: memref<1x128xf32, #tpu.memory_space<vmem>>, %arg9: memref<128x128xf32, #tpu.memory_space<vmem>>, %arg10: memref<1x128xf32, #tpu.memory_space<vmem>>, %arg11: memref<128x256xf32, #tpu.memory_space<vmem>>, %arg12: memref<16x256xf32, #tpu.memory_space<vmem>>, %arg13: memref<1x256xf32, #tpu.memory_space<vmem>>, %arg14: memref<1x256xf32, #tpu.memory_space<vmem>>, %arg15: memref<1x1xf32, #tpu.memory_space<vmem>>, %arg16: memref<2560x16xf32, #tpu.memory_space<vmem>>) attributes {dimension_semantics = [#tpu.dimension_semantics<arbitrary>], iteration_bounds = array<i64: 125>, scalar_prefetch = 0 : i64, scratch_operands = 0 : i64, tpu.core_type = #tpu.core_type<tc>, window_params = [{transform_indices = @transform_0, window_bounds = array<i64: 2560, 128>}, {transform_indices = @transform_1, window_bounds = array<i64: 2560, 128>}, {transform_indices = @transform_2, window_bounds = array<i64: 2560, 16>}, {transform_indices = @transform_3, window_bounds = array<i64: 2560, 16>}, {transform_indices = @transform_4, window_bounds = array<i64: 2560, 16>}, {pipeline_mode = #tpu.pipeline_mode<synchronous>, transform_indices = @transform_5, window_bounds = array<i64: 16, 128>}, {pipeline_mode = #tpu.pipeline_mode<synchronous>, transform_indices = @transform_6, window_bounds = array<i64: 64, 128>}, {pipeline_mode = #tpu.pipeline_mode<synchronous>, transform_indices = @transform_7, window_bounds = array<i64: 1, 128>}, {pipeline_mode = #tpu.pipeline_mode<synchronous>, transform_indices = @transform_8, window_bounds = array<i64: 128, 128>}, {pipeline_mode = #tpu.pipeline_mode<synchronous>, transform_indices = @transform_9, window_bounds = array<i64: 1, 128>}, {pipeline_mode = #tpu.pipeline_mode<synchronous>, transform_indices = @transform_10, window_bounds = array<i64: 128, 256>}, {pipeline_mode = #tpu.pipeline_mode<synchronous>, transform_indices = @transform_11, window_bounds = array<i64: 16, 256>}, {pipeline_mode = #tpu.pipeline_mode<synchronous>, transform_indices = @transform_12, window_bounds = array<i64: 1, 256>}, {pipeline_mode = #tpu.pipeline_mode<synchronous>, transform_indices = @transform_13, window_bounds = array<i64: 1, 256>}, {pipeline_mode = #tpu.pipeline_mode<synchronous>, transform_indices = @transform_14, window_bounds = array<i64: 1, 1>}, {transform_indices = @transform_15, window_bounds = array<i64: 2560, 16>}]} {
    %get3A = arith.constant 0 : index
    %get3A_0 = arith.constant 0 : index
    %get3A_1 = vector.load %arg3[%get3A, %get3A_0] : memref<2560x16xf32, #tpu.memory_space<vmem>>, vector<2560x16xf32>
    %mul3A = arith.mulf %get3A_1, %get3A_1 : vector<2560x16xf32>
    %reduce_sum3A = arith.constant dense<0.000000e+00> : vector<2560xf32>
    %reduce_sum3A_2 = vector.multi_reduction <add>, %mul3A, %reduce_sum3A [1] : vector<2560x16xf32> to vector<2560xf32>
    %broadcast_in_dim3A = vector.shape_cast %reduce_sum3A_2 : vector<2560xf32> to vector<2560x1xf32>
    %sqrt3A = math.sqrt %broadcast_in_dim3A : vector<2560x1xf32>
    %iota3A = tpu.iota {dimensions = array<i32: 1>} : vector<2560x64xi32>
    %convert_element_type3A = arith.sitofp %iota3A : vector<2560x64xi32> to vector<2560x64xf32>
    %mul3A_3 = arith.constant 0.238095239 : f32
    %mul3A_4 = vector.broadcast %mul3A_3 : f32 to vector<2560x64xf32>
    %mul3A_5 = arith.mulf %convert_element_type3A, %mul3A_4 : vector<2560x64xf32>
    %sub3A = vector.broadcast %sqrt3A : vector<2560x1xf32> to vector<2560x64xf32>
    %sub3A_6 = arith.subf %sub3A, %mul3A_5 : vector<2560x64xf32>
    %integer_pow3A = arith.mulf %sub3A_6, %sub3A_6 : vector<2560x64xf32>
    %mul3A_7 = arith.constant -8.81999969 : f32
    %mul3A_8 = vector.broadcast %mul3A_7 : f32 to vector<2560x64xf32>
    %mul3A_9 = arith.mulf %mul3A_8, %integer_pow3A : vector<2560x64xf32>
    %exp3A = math.exp %mul3A_9 : vector<2560x64xf32>
    %get3A_10 = arith.constant 0 : index
    %get3A_11 = arith.constant 0 : index
    %get3A_12 = vector.load %arg4[%get3A_10, %get3A_11] : memref<2560x16xf32, #tpu.memory_space<vmem>>, vector<2560x16xf32>
    %get3A_13 = arith.constant 0 : index
    %get3A_14 = arith.constant 0 : index
    %get3A_15 = vector.load %arg6[%get3A_13, %get3A_14] : memref<16x128xf32, #tpu.memory_space<vmem>>, vector<16x128xf32>
    %dot_general3A = arith.constant dense<0.000000e+00> : vector<2560x128xf32>
    %dot_general3A_16 = tpu.matmul %get3A_12, %get3A_15, %dot_general3A {dimension_numbers = #tpu.dot_dimension_numbers<[1], [0], [0], [1], [0, 0, 1, 1], [], []>, transpose_lhs_hint = false} : vector<2560x16xf32>, vector<16x128xf32>, vector<2560x128xf32> -> vector<2560x128xf32>
    %get3A_17 = arith.constant 0 : index
    %get3A_18 = arith.constant 0 : index
    %get3A_19 = vector.load %arg7[%get3A_17, %get3A_18] : memref<64x128xf32, #tpu.memory_space<vmem>>, vector<64x128xf32>
    %dot_general3A_20 = arith.constant dense<0.000000e+00> : vector<2560x128xf32>
    %dot_general3A_21 = tpu.matmul %exp3A, %get3A_19, %dot_general3A_20 {dimension_numbers = #tpu.dot_dimension_numbers<[1], [0], [0], [1], [0, 0, 1, 1], [], []>, transpose_lhs_hint = false} : vector<2560x64xf32>, vector<64x128xf32>, vector<2560x128xf32> -> vector<2560x128xf32>
    %add3A = arith.addf %dot_general3A_16, %dot_general3A_21 : vector<2560x128xf32>
    %get3A_22 = arith.constant 0 : index
    %get3A_23 = arith.constant 0 : index
    %get3A_24 = vector.load %arg8[%get3A_22, %get3A_23] : memref<1x128xf32, #tpu.memory_space<vmem>>, vector<1x128xf32>
    %add3A_25 = vector.broadcast %get3A_24 : vector<1x128xf32> to vector<2560x128xf32>
    %add3A_26 = arith.addf %add3A, %add3A_25 : vector<2560x128xf32>
    %get3A_27 = arith.constant 0 : index
    %get3A_28 = arith.constant 0 : index
    %get3A_29 = vector.load %arg1[%get3A_27, %get3A_28] : memref<2560x128xf32, #tpu.memory_space<vmem>>, vector<2560x128xf32>
    %get3A_30 = arith.constant 0 : index
    %get3A_31 = arith.constant 0 : index
    %get3A_32 = vector.load %arg2[%get3A_30, %get3A_31] : memref<2560x128xf32, #tpu.memory_space<vmem>>, vector<2560x128xf32>
    %mul3A_33 = arith.mulf %get3A_29, %get3A_32 : vector<2560x128xf32>
    %get3A_34 = arith.constant 0 : index
    %get3A_35 = arith.constant 0 : index
    %get3A_36 = vector.load %arg9[%get3A_34, %get3A_35] : memref<128x128xf32, #tpu.memory_space<vmem>>, vector<128x128xf32>
    %dot_general3A_37 = arith.constant dense<0.000000e+00> : vector<2560x128xf32>
    %dot_general3A_38 = tpu.matmul %mul3A_33, %get3A_36, %dot_general3A_37 {dimension_numbers = #tpu.dot_dimension_numbers<[1], [0], [0], [1], [0, 0, 1, 1], [], []>, transpose_lhs_hint = false} : vector<2560x128xf32>, vector<128x128xf32>, vector<2560x128xf32> -> vector<2560x128xf32>
    %get3A_39 = arith.constant 0 : index
    %get3A_40 = arith.constant 0 : index
    %get3A_41 = vector.load %arg10[%get3A_39, %get3A_40] : memref<1x128xf32, #tpu.memory_space<vmem>>, vector<1x128xf32>
    %add3A_42 = vector.broadcast %get3A_41 : vector<1x128xf32> to vector<2560x128xf32>
    %add3A_43 = arith.addf %dot_general3A_38, %add3A_42 : vector<2560x128xf32>
    %mul3A_44 = arith.mulf %add3A_26, %add3A_43 : vector<2560x128xf32>
    %get3A_45 = arith.constant 0 : index
    %get3A_46 = arith.constant 0 : index
    %get3A_47 = vector.load %arg11[%get3A_45, %get3A_46] : memref<128x256xf32, #tpu.memory_space<vmem>>, vector<128x256xf32>
    %dot_general3A_48 = arith.constant dense<0.000000e+00> : vector<2560x256xf32>
    %dot_general3A_49 = tpu.matmul %mul3A_44, %get3A_47, %dot_general3A_48 {dimension_numbers = #tpu.dot_dimension_numbers<[1], [0], [0], [1], [0, 0, 1, 1], [], []>, transpose_lhs_hint = false} : vector<2560x128xf32>, vector<128x256xf32>, vector<2560x256xf32> -> vector<2560x256xf32>
    %get3A_50 = arith.constant 0 : index
    %get3A_51 = arith.constant 0 : index
    %get3A_52 = vector.load %arg5[%get3A_50, %get3A_51] : memref<2560x16xf32, #tpu.memory_space<vmem>>, vector<2560x16xf32>
    %get3A_53 = arith.constant 0 : index
    %get3A_54 = arith.constant 0 : index
    %get3A_55 = vector.load %arg12[%get3A_53, %get3A_54] : memref<16x256xf32, #tpu.memory_space<vmem>>, vector<16x256xf32>
    %dot_general3A_56 = arith.constant dense<0.000000e+00> : vector<2560x256xf32>
    %dot_general3A_57 = tpu.matmul %get3A_52, %get3A_55, %dot_general3A_56 {dimension_numbers = #tpu.dot_dimension_numbers<[1], [0], [0], [1], [0, 0, 1, 1], [], []>, transpose_lhs_hint = false} : vector<2560x16xf32>, vector<16x256xf32>, vector<2560x256xf32> -> vector<2560x256xf32>
    %add3A_58 = arith.addf %dot_general3A_49, %dot_general3A_57 : vector<2560x256xf32>
    %get3A_59 = arith.constant 0 : index
    %get3A_60 = arith.constant 0 : index
    %get3A_61 = vector.load %arg13[%get3A_59, %get3A_60] : memref<1x256xf32, #tpu.memory_space<vmem>>, vector<1x256xf32>
    %add3A_62 = vector.broadcast %get3A_61 : vector<1x256xf32> to vector<2560x256xf32>
    %add3A_63 = arith.addf %add3A_58, %add3A_62 : vector<2560x256xf32>
    %logistic3A = arith.negf %add3A_63 : vector<2560x256xf32>
    %logistic3A_64 = math.exp %logistic3A : vector<2560x256xf32>
    %logistic3A_65 = arith.constant 1.000000e+00 : f32
    %logistic3A_66 = vector.broadcast %logistic3A_65 : f32 to vector<2560x256xf32>
    %logistic3A_67 = arith.addf %logistic3A_66, %logistic3A_64 : vector<2560x256xf32>
    %logistic3A_68 = arith.divf %logistic3A_66, %logistic3A_67 : vector<2560x256xf32>
    %mul3A_69 = arith.mulf %add3A_63, %logistic3A_68 : vector<2560x256xf32>
    %get3A_70 = arith.constant 0 : index
    %get3A_71 = arith.constant 0 : index
    %get3A_72 = vector.load %arg14[%get3A_70, %get3A_71] : memref<1x256xf32, #tpu.memory_space<vmem>>, vector<1x256xf32>
    %mul3A_73 = vector.broadcast %get3A_72 : vector<1x256xf32> to vector<2560x256xf32>
    %mul3A_74 = arith.mulf %mul3A_69, %mul3A_73 : vector<2560x256xf32>
    %reduce_sum3A_75 = arith.constant dense<0.000000e+00> : vector<2560xf32>
    %reduce_sum3A_76 = vector.multi_reduction <add>, %mul3A_74, %reduce_sum3A_75 [1] : vector<2560x256xf32> to vector<2560xf32>
    %broadcast_in_dim3A_77 = vector.shape_cast %reduce_sum3A_76 : vector<2560xf32> to vector<2560x1xf32>
    %get3A_78 = arith.constant 0 : index
    %get3A_79 = arith.constant 0 : index
    %get3A_80 = vector.load %arg15[%get3A_78, %get3A_79] : memref<1x1xf32, #tpu.memory_space<vmem>>, vector<1x1xf32>
    %add3A_81 = vector.broadcast %get3A_80 : vector<1x1xf32> to vector<2560x1xf32>
    %add3A_82 = arith.addf %broadcast_in_dim3A_77, %add3A_81 : vector<2560x1xf32>
    %add3A_83 = arith.constant 1.000000e+00 : f32
    %add3A_84 = vector.broadcast %add3A_83 : f32 to vector<2560x1xf32>
    %add3A_85 = arith.addf %sqrt3A, %add3A_84 : vector<2560x1xf32>
    %max3A = arith.constant 9.99999996E-13 : f32
    %max3A_86 = vector.broadcast %max3A : f32 to vector<2560x1xf32>
    %max3A_87 = arith.maximumf %sqrt3A, %max3A_86 : vector<2560x1xf32>
    %mul3A_88 = arith.mulf %add3A_85, %max3A_87 : vector<2560x1xf32>
    %div3A = arith.divf %add3A_82, %mul3A_88 : vector<2560x1xf32>
    %mul3A_89 = vector.broadcast %div3A : vector<2560x1xf32> to vector<2560x16xf32>
    %mul3A_90 = arith.mulf %get3A_1, %mul3A_89 : vector<2560x16xf32>
    %swap3A = arith.constant 0 : index
    %swap3A_91 = arith.constant 0 : index
    %swap3A_92 = vector.load %arg16[%swap3A, %swap3A_91] : memref<2560x16xf32, #tpu.memory_space<vmem>>, vector<2560x16xf32>
    tpu.vector_store %arg16[%swap3A, %swap3A_91], %mul3A_90 {strides = array<i32>} : memref<2560x16xf32, #tpu.memory_space<vmem>>, vector<2560x16xf32>,
    return
  }
  func.func @transform_0(%arg0: i32) -> (i32, i32) {
    %c0_i32 = arith.constant 0 : i32
    %c0_i32_0 = arith.constant 0 : i32
    return %arg0, %c0_i32 : i32, i32
  }
  func.func @transform_1(%arg0: i32) -> (i32, i32) {
    %c0_i32 = arith.constant 0 : i32
    %c0_i32_0 = arith.constant 0 : i32
    return %arg0, %c0_i32 : i32, i32
  }
  func.func @transform_2(%arg0: i32) -> (i32, i32) {
    %c0_i32 = arith.constant 0 : i32
    %c0_i32_0 = arith.constant 0 : i32
    return %arg0, %c0_i32 : i32, i32
  }
  func.func @transform_3(%arg0: i32) -> (i32, i32) {
    %c0_i32 = arith.constant 0 : i32
    %c0_i32_0 = arith.constant 0 : i32
    return %arg0, %c0_i32 : i32, i32
  }
  func.func @transform_4(%arg0: i32) -> (i32, i32) {
    %c0_i32 = arith.constant 0 : i32
    %c0_i32_0 = arith.constant 0 : i32
    return %arg0, %c0_i32 : i32, i32
  }
  func.func @transform_5(%arg0: i32) -> (i32, i32) {
    %c0_i32 = arith.constant 0 : i32
    %c0_i32_0 = arith.constant 0 : i32
    %c0_i32_1 = arith.constant 0 : i32
    return %c0_i32, %c0_i32_0 : i32, i32
  }
  func.func @transform_6(%arg0: i32) -> (i32, i32) {
    %c0_i32 = arith.constant 0 : i32
    %c0_i32_0 = arith.constant 0 : i32
    %c0_i32_1 = arith.constant 0 : i32
    return %c0_i32, %c0_i32_0 : i32, i32
  }
  func.func @transform_7(%arg0: i32) -> (i32, i32) {
    %c0_i32 = arith.constant 0 : i32
    %c0_i32_0 = arith.constant 0 : i32
    %c0_i32_1 = arith.constant 0 : i32
    return %c0_i32, %c0_i32_0 : i32, i32
  }
  func.func @transform_8(%arg0: i32) -> (i32, i32) {
    %c0_i32 = arith.constant 0 : i32
    %c0_i32_0 = arith.constant 0 : i32
    %c0_i32_1 = arith.constant 0 : i32
    return %c0_i32, %c0_i32_0 : i32, i32
  }
  func.func @transform_9(%arg0: i32) -> (i32, i32) {
    %c0_i32 = arith.constant 0 : i32
    %c0_i32_0 = arith.constant 0 : i32
    %c0_i32_1 = arith.constant 0 : i32
    return %c0_i32, %c0_i32_0 : i32, i32
  }
  func.func @transform_10(%arg0: i32) -> (i32, i32) {
    %c0_i32 = arith.constant 0 : i32
    %c0_i32_0 = arith.constant 0 : i32
    %c0_i32_1 = arith.constant 0 : i32
    return %c0_i32, %c0_i32_0 : i32, i32
  }
  func.func @transform_11(%arg0: i32) -> (i32, i32) {
    %c0_i32 = arith.constant 0 : i32
    %c0_i32_0 = arith.constant 0 : i32
    %c0_i32_1 = arith.constant 0 : i32
    return %c0_i32, %c0_i32_0 : i32, i32
  }
  func.func @transform_12(%arg0: i32) -> (i32, i32) {
    %c0_i32 = arith.constant 0 : i32
    %c0_i32_0 = arith.constant 0 : i32
    %c0_i32_1 = arith.constant 0 : i32
    return %c0_i32, %c0_i32_0 : i32, i32
  }
  func.func @transform_13(%arg0: i32) -> (i32, i32) {
    %c0_i32 = arith.constant 0 : i32
    %c0_i32_0 = arith.constant 0 : i32
    %c0_i32_1 = arith.constant 0 : i32
    return %c0_i32, %c0_i32_0 : i32, i32
  }
  func.func @transform_14(%arg0: i32) -> (i32, i32) {
    %c0_i32 = arith.constant 0 : i32
    %c0_i32_0 = arith.constant 0 : i32
    %c0_i32_1 = arith.constant 0 : i32
    return %c0_i32, %c0_i32_0 : i32, i32
  }
  func.func @transform_15(%arg0: i32) -> (i32, i32) {
    %c0_i32 = arith.constant 0 : i32
    %c0_i32_0 = arith.constant 0 : i32
    return %arg0, %c0_i32 : i32, i32
  }
}

module attributes {stable_mosaic.version = 14 : i64} {
  func.func @_psum_body(%arg0: i32, %arg1: memref<32x640x128xf32, #tpu.memory_space<vmem>>, %arg2: memref<640x128xf32, #tpu.memory_space<vmem>>) attributes {dimension_semantics = [#tpu.dimension_semantics<arbitrary>], iteration_bounds = array<i64: 1>, scalar_prefetch = 0 : i64, scratch_operands = 0 : i64, tpu.core_type = #tpu.core_type<tc>, window_params = [{pipeline_mode = #tpu.pipeline_mode<synchronous>, transform_indices = @transform_0, window_bounds = array<i64: 32, 640, 128>}, {pipeline_mode = #tpu.pipeline_mode<synchronous>, transform_indices = @transform_1, window_bounds = array<i64: 640, 128>}]} {
    %get3A = arith.constant 0 : index
    %get3A_0 = arith.constant 0 : index
    %get3A_1 = arith.constant 0 : index
    %get3A_2 = vector.load %arg1[%get3A, %get3A_0, %get3A_1] : memref<32x640x128xf32, #tpu.memory_space<vmem>>, vector<1x640x128xf32>
    %get3A_3 = vector.shape_cast %get3A_2 : vector<1x640x128xf32> to vector<640x128xf32>
    %get3A_4 = arith.constant 1 : index
    %get3A_5 = arith.constant 0 : index
    %get3A_6 = arith.constant 0 : index
    %get3A_7 = vector.load %arg1[%get3A_4, %get3A_5, %get3A_6] : memref<32x640x128xf32, #tpu.memory_space<vmem>>, vector<1x640x128xf32>
    %get3A_8 = vector.shape_cast %get3A_7 : vector<1x640x128xf32> to vector<640x128xf32>
    %add3A = arith.addf %get3A_3, %get3A_8 : vector<640x128xf32>
    %get3A_9 = arith.constant 2 : index
    %get3A_10 = arith.constant 0 : index
    %get3A_11 = arith.constant 0 : index
    %get3A_12 = vector.load %arg1[%get3A_9, %get3A_10, %get3A_11] : memref<32x640x128xf32, #tpu.memory_space<vmem>>, vector<1x640x128xf32>
    %get3A_13 = vector.shape_cast %get3A_12 : vector<1x640x128xf32> to vector<640x128xf32>
    %add3A_14 = arith.addf %add3A, %get3A_13 : vector<640x128xf32>
    %get3A_15 = arith.constant 3 : index
    %get3A_16 = arith.constant 0 : index
    %get3A_17 = arith.constant 0 : index
    %get3A_18 = vector.load %arg1[%get3A_15, %get3A_16, %get3A_17] : memref<32x640x128xf32, #tpu.memory_space<vmem>>, vector<1x640x128xf32>
    %get3A_19 = vector.shape_cast %get3A_18 : vector<1x640x128xf32> to vector<640x128xf32>
    %add3A_20 = arith.addf %add3A_14, %get3A_19 : vector<640x128xf32>
    %get3A_21 = arith.constant 4 : index
    %get3A_22 = arith.constant 0 : index
    %get3A_23 = arith.constant 0 : index
    %get3A_24 = vector.load %arg1[%get3A_21, %get3A_22, %get3A_23] : memref<32x640x128xf32, #tpu.memory_space<vmem>>, vector<1x640x128xf32>
    %get3A_25 = vector.shape_cast %get3A_24 : vector<1x640x128xf32> to vector<640x128xf32>
    %add3A_26 = arith.addf %add3A_20, %get3A_25 : vector<640x128xf32>
    %get3A_27 = arith.constant 5 : index
    %get3A_28 = arith.constant 0 : index
    %get3A_29 = arith.constant 0 : index
    %get3A_30 = vector.load %arg1[%get3A_27, %get3A_28, %get3A_29] : memref<32x640x128xf32, #tpu.memory_space<vmem>>, vector<1x640x128xf32>
    %get3A_31 = vector.shape_cast %get3A_30 : vector<1x640x128xf32> to vector<640x128xf32>
    %add3A_32 = arith.addf %add3A_26, %get3A_31 : vector<640x128xf32>
    %get3A_33 = arith.constant 6 : index
    %get3A_34 = arith.constant 0 : index
    %get3A_35 = arith.constant 0 : index
    %get3A_36 = vector.load %arg1[%get3A_33, %get3A_34, %get3A_35] : memref<32x640x128xf32, #tpu.memory_space<vmem>>, vector<1x640x128xf32>
    %get3A_37 = vector.shape_cast %get3A_36 : vector<1x640x128xf32> to vector<640x128xf32>
    %add3A_38 = arith.addf %add3A_32, %get3A_37 : vector<640x128xf32>
    %get3A_39 = arith.constant 7 : index
    %get3A_40 = arith.constant 0 : index
    %get3A_41 = arith.constant 0 : index
    %get3A_42 = vector.load %arg1[%get3A_39, %get3A_40, %get3A_41] : memref<32x640x128xf32, #tpu.memory_space<vmem>>, vector<1x640x128xf32>
    %get3A_43 = vector.shape_cast %get3A_42 : vector<1x640x128xf32> to vector<640x128xf32>
    %add3A_44 = arith.addf %add3A_38, %get3A_43 : vector<640x128xf32>
    %get3A_45 = arith.constant 8 : index
    %get3A_46 = arith.constant 0 : index
    %get3A_47 = arith.constant 0 : index
    %get3A_48 = vector.load %arg1[%get3A_45, %get3A_46, %get3A_47] : memref<32x640x128xf32, #tpu.memory_space<vmem>>, vector<1x640x128xf32>
    %get3A_49 = vector.shape_cast %get3A_48 : vector<1x640x128xf32> to vector<640x128xf32>
    %add3A_50 = arith.addf %add3A_44, %get3A_49 : vector<640x128xf32>
    %get3A_51 = arith.constant 9 : index
    %get3A_52 = arith.constant 0 : index
    %get3A_53 = arith.constant 0 : index
    %get3A_54 = vector.load %arg1[%get3A_51, %get3A_52, %get3A_53] : memref<32x640x128xf32, #tpu.memory_space<vmem>>, vector<1x640x128xf32>
    %get3A_55 = vector.shape_cast %get3A_54 : vector<1x640x128xf32> to vector<640x128xf32>
    %add3A_56 = arith.addf %add3A_50, %get3A_55 : vector<640x128xf32>
    %get3A_57 = arith.constant 10 : index
    %get3A_58 = arith.constant 0 : index
    %get3A_59 = arith.constant 0 : index
    %get3A_60 = vector.load %arg1[%get3A_57, %get3A_58, %get3A_59] : memref<32x640x128xf32, #tpu.memory_space<vmem>>, vector<1x640x128xf32>
    %get3A_61 = vector.shape_cast %get3A_60 : vector<1x640x128xf32> to vector<640x128xf32>
    %add3A_62 = arith.addf %add3A_56, %get3A_61 : vector<640x128xf32>
    %get3A_63 = arith.constant 11 : index
    %get3A_64 = arith.constant 0 : index
    %get3A_65 = arith.constant 0 : index
    %get3A_66 = vector.load %arg1[%get3A_63, %get3A_64, %get3A_65] : memref<32x640x128xf32, #tpu.memory_space<vmem>>, vector<1x640x128xf32>
    %get3A_67 = vector.shape_cast %get3A_66 : vector<1x640x128xf32> to vector<640x128xf32>
    %add3A_68 = arith.addf %add3A_62, %get3A_67 : vector<640x128xf32>
    %get3A_69 = arith.constant 12 : index
    %get3A_70 = arith.constant 0 : index
    %get3A_71 = arith.constant 0 : index
    %get3A_72 = vector.load %arg1[%get3A_69, %get3A_70, %get3A_71] : memref<32x640x128xf32, #tpu.memory_space<vmem>>, vector<1x640x128xf32>
    %get3A_73 = vector.shape_cast %get3A_72 : vector<1x640x128xf32> to vector<640x128xf32>
    %add3A_74 = arith.addf %add3A_68, %get3A_73 : vector<640x128xf32>
    %get3A_75 = arith.constant 13 : index
    %get3A_76 = arith.constant 0 : index
    %get3A_77 = arith.constant 0 : index
    %get3A_78 = vector.load %arg1[%get3A_75, %get3A_76, %get3A_77] : memref<32x640x128xf32, #tpu.memory_space<vmem>>, vector<1x640x128xf32>
    %get3A_79 = vector.shape_cast %get3A_78 : vector<1x640x128xf32> to vector<640x128xf32>
    %add3A_80 = arith.addf %add3A_74, %get3A_79 : vector<640x128xf32>
    %get3A_81 = arith.constant 14 : index
    %get3A_82 = arith.constant 0 : index
    %get3A_83 = arith.constant 0 : index
    %get3A_84 = vector.load %arg1[%get3A_81, %get3A_82, %get3A_83] : memref<32x640x128xf32, #tpu.memory_space<vmem>>, vector<1x640x128xf32>
    %get3A_85 = vector.shape_cast %get3A_84 : vector<1x640x128xf32> to vector<640x128xf32>
    %add3A_86 = arith.addf %add3A_80, %get3A_85 : vector<640x128xf32>
    %get3A_87 = arith.constant 15 : index
    %get3A_88 = arith.constant 0 : index
    %get3A_89 = arith.constant 0 : index
    %get3A_90 = vector.load %arg1[%get3A_87, %get3A_88, %get3A_89] : memref<32x640x128xf32, #tpu.memory_space<vmem>>, vector<1x640x128xf32>
    %get3A_91 = vector.shape_cast %get3A_90 : vector<1x640x128xf32> to vector<640x128xf32>
    %add3A_92 = arith.addf %add3A_86, %get3A_91 : vector<640x128xf32>
    %get3A_93 = arith.constant 16 : index
    %get3A_94 = arith.constant 0 : index
    %get3A_95 = arith.constant 0 : index
    %get3A_96 = vector.load %arg1[%get3A_93, %get3A_94, %get3A_95] : memref<32x640x128xf32, #tpu.memory_space<vmem>>, vector<1x640x128xf32>
    %get3A_97 = vector.shape_cast %get3A_96 : vector<1x640x128xf32> to vector<640x128xf32>
    %add3A_98 = arith.addf %add3A_92, %get3A_97 : vector<640x128xf32>
    %get3A_99 = arith.constant 17 : index
    %get3A_100 = arith.constant 0 : index
    %get3A_101 = arith.constant 0 : index
    %get3A_102 = vector.load %arg1[%get3A_99, %get3A_100, %get3A_101] : memref<32x640x128xf32, #tpu.memory_space<vmem>>, vector<1x640x128xf32>
    %get3A_103 = vector.shape_cast %get3A_102 : vector<1x640x128xf32> to vector<640x128xf32>
    %add3A_104 = arith.addf %add3A_98, %get3A_103 : vector<640x128xf32>
    %get3A_105 = arith.constant 18 : index
    %get3A_106 = arith.constant 0 : index
    %get3A_107 = arith.constant 0 : index
    %get3A_108 = vector.load %arg1[%get3A_105, %get3A_106, %get3A_107] : memref<32x640x128xf32, #tpu.memory_space<vmem>>, vector<1x640x128xf32>
    %get3A_109 = vector.shape_cast %get3A_108 : vector<1x640x128xf32> to vector<640x128xf32>
    %add3A_110 = arith.addf %add3A_104, %get3A_109 : vector<640x128xf32>
    %get3A_111 = arith.constant 19 : index
    %get3A_112 = arith.constant 0 : index
    %get3A_113 = arith.constant 0 : index
    %get3A_114 = vector.load %arg1[%get3A_111, %get3A_112, %get3A_113] : memref<32x640x128xf32, #tpu.memory_space<vmem>>, vector<1x640x128xf32>
    %get3A_115 = vector.shape_cast %get3A_114 : vector<1x640x128xf32> to vector<640x128xf32>
    %add3A_116 = arith.addf %add3A_110, %get3A_115 : vector<640x128xf32>
    %get3A_117 = arith.constant 20 : index
    %get3A_118 = arith.constant 0 : index
    %get3A_119 = arith.constant 0 : index
    %get3A_120 = vector.load %arg1[%get3A_117, %get3A_118, %get3A_119] : memref<32x640x128xf32, #tpu.memory_space<vmem>>, vector<1x640x128xf32>
    %get3A_121 = vector.shape_cast %get3A_120 : vector<1x640x128xf32> to vector<640x128xf32>
    %add3A_122 = arith.addf %add3A_116, %get3A_121 : vector<640x128xf32>
    %get3A_123 = arith.constant 21 : index
    %get3A_124 = arith.constant 0 : index
    %get3A_125 = arith.constant 0 : index
    %get3A_126 = vector.load %arg1[%get3A_123, %get3A_124, %get3A_125] : memref<32x640x128xf32, #tpu.memory_space<vmem>>, vector<1x640x128xf32>
    %get3A_127 = vector.shape_cast %get3A_126 : vector<1x640x128xf32> to vector<640x128xf32>
    %add3A_128 = arith.addf %add3A_122, %get3A_127 : vector<640x128xf32>
    %get3A_129 = arith.constant 22 : index
    %get3A_130 = arith.constant 0 : index
    %get3A_131 = arith.constant 0 : index
    %get3A_132 = vector.load %arg1[%get3A_129, %get3A_130, %get3A_131] : memref<32x640x128xf32, #tpu.memory_space<vmem>>, vector<1x640x128xf32>
    %get3A_133 = vector.shape_cast %get3A_132 : vector<1x640x128xf32> to vector<640x128xf32>
    %add3A_134 = arith.addf %add3A_128, %get3A_133 : vector<640x128xf32>
    %get3A_135 = arith.constant 23 : index
    %get3A_136 = arith.constant 0 : index
    %get3A_137 = arith.constant 0 : index
    %get3A_138 = vector.load %arg1[%get3A_135, %get3A_136, %get3A_137] : memref<32x640x128xf32, #tpu.memory_space<vmem>>, vector<1x640x128xf32>
    %get3A_139 = vector.shape_cast %get3A_138 : vector<1x640x128xf32> to vector<640x128xf32>
    %add3A_140 = arith.addf %add3A_134, %get3A_139 : vector<640x128xf32>
    %get3A_141 = arith.constant 24 : index
    %get3A_142 = arith.constant 0 : index
    %get3A_143 = arith.constant 0 : index
    %get3A_144 = vector.load %arg1[%get3A_141, %get3A_142, %get3A_143] : memref<32x640x128xf32, #tpu.memory_space<vmem>>, vector<1x640x128xf32>
    %get3A_145 = vector.shape_cast %get3A_144 : vector<1x640x128xf32> to vector<640x128xf32>
    %add3A_146 = arith.addf %add3A_140, %get3A_145 : vector<640x128xf32>
    %get3A_147 = arith.constant 25 : index
    %get3A_148 = arith.constant 0 : index
    %get3A_149 = arith.constant 0 : index
    %get3A_150 = vector.load %arg1[%get3A_147, %get3A_148, %get3A_149] : memref<32x640x128xf32, #tpu.memory_space<vmem>>, vector<1x640x128xf32>
    %get3A_151 = vector.shape_cast %get3A_150 : vector<1x640x128xf32> to vector<640x128xf32>
    %add3A_152 = arith.addf %add3A_146, %get3A_151 : vector<640x128xf32>
    %get3A_153 = arith.constant 26 : index
    %get3A_154 = arith.constant 0 : index
    %get3A_155 = arith.constant 0 : index
    %get3A_156 = vector.load %arg1[%get3A_153, %get3A_154, %get3A_155] : memref<32x640x128xf32, #tpu.memory_space<vmem>>, vector<1x640x128xf32>
    %get3A_157 = vector.shape_cast %get3A_156 : vector<1x640x128xf32> to vector<640x128xf32>
    %add3A_158 = arith.addf %add3A_152, %get3A_157 : vector<640x128xf32>
    %get3A_159 = arith.constant 27 : index
    %get3A_160 = arith.constant 0 : index
    %get3A_161 = arith.constant 0 : index
    %get3A_162 = vector.load %arg1[%get3A_159, %get3A_160, %get3A_161] : memref<32x640x128xf32, #tpu.memory_space<vmem>>, vector<1x640x128xf32>
    %get3A_163 = vector.shape_cast %get3A_162 : vector<1x640x128xf32> to vector<640x128xf32>
    %add3A_164 = arith.addf %add3A_158, %get3A_163 : vector<640x128xf32>
    %get3A_165 = arith.constant 28 : index
    %get3A_166 = arith.constant 0 : index
    %get3A_167 = arith.constant 0 : index
    %get3A_168 = vector.load %arg1[%get3A_165, %get3A_166, %get3A_167] : memref<32x640x128xf32, #tpu.memory_space<vmem>>, vector<1x640x128xf32>
    %get3A_169 = vector.shape_cast %get3A_168 : vector<1x640x128xf32> to vector<640x128xf32>
    %add3A_170 = arith.addf %add3A_164, %get3A_169 : vector<640x128xf32>
    %get3A_171 = arith.constant 29 : index
    %get3A_172 = arith.constant 0 : index
    %get3A_173 = arith.constant 0 : index
    %get3A_174 = vector.load %arg1[%get3A_171, %get3A_172, %get3A_173] : memref<32x640x128xf32, #tpu.memory_space<vmem>>, vector<1x640x128xf32>
    %get3A_175 = vector.shape_cast %get3A_174 : vector<1x640x128xf32> to vector<640x128xf32>
    %add3A_176 = arith.addf %add3A_170, %get3A_175 : vector<640x128xf32>
    %get3A_177 = arith.constant 30 : index
    %get3A_178 = arith.constant 0 : index
    %get3A_179 = arith.constant 0 : index
    %get3A_180 = vector.load %arg1[%get3A_177, %get3A_178, %get3A_179] : memref<32x640x128xf32, #tpu.memory_space<vmem>>, vector<1x640x128xf32>
    %get3A_181 = vector.shape_cast %get3A_180 : vector<1x640x128xf32> to vector<640x128xf32>
    %add3A_182 = arith.addf %add3A_176, %get3A_181 : vector<640x128xf32>
    %get3A_183 = arith.constant 31 : index
    %get3A_184 = arith.constant 0 : index
    %get3A_185 = arith.constant 0 : index
    %get3A_186 = vector.load %arg1[%get3A_183, %get3A_184, %get3A_185] : memref<32x640x128xf32, #tpu.memory_space<vmem>>, vector<1x640x128xf32>
    %get3A_187 = vector.shape_cast %get3A_186 : vector<1x640x128xf32> to vector<640x128xf32>
    %add3A_188 = arith.addf %add3A_182, %get3A_187 : vector<640x128xf32>
    %swap3A = arith.constant 0 : index
    %swap3A_189 = arith.constant 0 : index
    %swap3A_190 = vector.load %arg2[%swap3A, %swap3A_189] : memref<640x128xf32, #tpu.memory_space<vmem>>, vector<640x128xf32>
    tpu.vector_store %arg2[%swap3A, %swap3A_189], %add3A_188 {strides = array<i32>} : memref<640x128xf32, #tpu.memory_space<vmem>>, vector<640x128xf32>,
    return
  }
  func.func @transform_0(%arg0: i32) -> (i32, i32, i32) {
    %c0_i32 = arith.constant 0 : i32
    %c0_i32_0 = arith.constant 0 : i32
    %c0_i32_1 = arith.constant 0 : i32
    %c0_i32_2 = arith.constant 0 : i32
    return %c0_i32, %c0_i32_0, %c0_i32_1 : i32, i32, i32
  }
  func.func @transform_1(%arg0: i32) -> (i32, i32) {
    %c0_i32 = arith.constant 0 : i32
    %c0_i32_0 = arith.constant 0 : i32
    %c0_i32_1 = arith.constant 0 : i32
    return %c0_i32, %c0_i32_0 : i32, i32
  }
}

module attributes {stable_mosaic.version = 14 : i64} {
  func.func @_final_body(%arg0: i32, %arg1: memref<2000x8xf32, #tpu.memory_space<vmem>>, %arg2: memref<2000x128xf32, #tpu.memory_space<vmem>>, %arg3: memref<128x64xf32, #tpu.memory_space<vmem>>, %arg4: memref<1x64xf32, #tpu.memory_space<vmem>>, %arg5: memref<1x64xf32, #tpu.memory_space<vmem>>, %arg6: memref<1x64xf32, #tpu.memory_space<vmem>>, %arg7: memref<1x1xf32, #tpu.memory_space<vmem>>, %arg8: memref<2000x8xf32, #tpu.memory_space<vmem>>) attributes {dimension_semantics = [#tpu.dimension_semantics<arbitrary>], iteration_bounds = array<i64: 5>, scalar_prefetch = 0 : i64, scratch_operands = 0 : i64, tpu.core_type = #tpu.core_type<tc>, window_params = [{transform_indices = @transform_0, window_bounds = array<i64: 2000, 8>}, {transform_indices = @transform_1, window_bounds = array<i64: 2000, 128>}, {pipeline_mode = #tpu.pipeline_mode<synchronous>, transform_indices = @transform_2, window_bounds = array<i64: 128, 64>}, {pipeline_mode = #tpu.pipeline_mode<synchronous>, transform_indices = @transform_3, window_bounds = array<i64: 1, 64>}, {pipeline_mode = #tpu.pipeline_mode<synchronous>, transform_indices = @transform_4, window_bounds = array<i64: 1, 64>}, {pipeline_mode = #tpu.pipeline_mode<synchronous>, transform_indices = @transform_5, window_bounds = array<i64: 1, 64>}, {pipeline_mode = #tpu.pipeline_mode<synchronous>, transform_indices = @transform_6, window_bounds = array<i64: 1, 1>}, {transform_indices = @transform_7, window_bounds = array<i64: 2000, 8>}]} {
    %get3A = arith.constant 0 : index
    %get3A_0 = arith.constant 0 : index
    %get3A_1 = vector.load %arg1[%get3A, %get3A_0] : memref<2000x8xf32, #tpu.memory_space<vmem>>, vector<2000x8xf32>
    %mul3A = arith.mulf %get3A_1, %get3A_1 : vector<2000x8xf32>
    %reduce_sum3A = arith.constant dense<0.000000e+00> : vector<2000xf32>
    %reduce_sum3A_2 = vector.multi_reduction <add>, %mul3A, %reduce_sum3A [1] : vector<2000x8xf32> to vector<2000xf32>
    %broadcast_in_dim3A = vector.shape_cast %reduce_sum3A_2 : vector<2000xf32> to vector<2000x1xf32>
    %sqrt3A = math.sqrt %broadcast_in_dim3A : vector<2000x1xf32>
    %get3A_3 = arith.constant 0 : index
    %get3A_4 = arith.constant 0 : index
    %get3A_5 = vector.load %arg2[%get3A_3, %get3A_4] : memref<2000x128xf32, #tpu.memory_space<vmem>>, vector<2000x128xf32>
    %get3A_6 = arith.constant 0 : index
    %get3A_7 = arith.constant 0 : index
    %get3A_8 = vector.load %arg3[%get3A_6, %get3A_7] : memref<128x64xf32, #tpu.memory_space<vmem>>, vector<128x64xf32>
    %dot_general3A = arith.constant dense<0.000000e+00> : vector<2000x64xf32>
    %dot_general3A_9 = tpu.matmul %get3A_5, %get3A_8, %dot_general3A {dimension_numbers = #tpu.dot_dimension_numbers<[1], [0], [0], [1], [0, 0, 1, 1], [], []>, transpose_lhs_hint = false} : vector<2000x128xf32>, vector<128x64xf32>, vector<2000x64xf32> -> vector<2000x64xf32>
    %get3A_10 = arith.constant 0 : index
    %get3A_11 = arith.constant 0 : index
    %get3A_12 = vector.load %arg4[%get3A_10, %get3A_11] : memref<1x64xf32, #tpu.memory_space<vmem>>, vector<1x64xf32>
    %mul3A_13 = vector.broadcast %sqrt3A : vector<2000x1xf32> to vector<2000x64xf32>
    %mul3A_14 = vector.broadcast %get3A_12 : vector<1x64xf32> to vector<2000x64xf32>
    %mul3A_15 = arith.mulf %mul3A_13, %mul3A_14 : vector<2000x64xf32>
    %add3A = arith.addf %dot_general3A_9, %mul3A_15 : vector<2000x64xf32>
    %get3A_16 = arith.constant 0 : index
    %get3A_17 = arith.constant 0 : index
    %get3A_18 = vector.load %arg5[%get3A_16, %get3A_17] : memref<1x64xf32, #tpu.memory_space<vmem>>, vector<1x64xf32>
    %add3A_19 = vector.broadcast %get3A_18 : vector<1x64xf32> to vector<2000x64xf32>
    %add3A_20 = arith.addf %add3A, %add3A_19 : vector<2000x64xf32>
    %logistic3A = arith.negf %add3A_20 : vector<2000x64xf32>
    %logistic3A_21 = math.exp %logistic3A : vector<2000x64xf32>
    %logistic3A_22 = arith.constant 1.000000e+00 : f32
    %logistic3A_23 = vector.broadcast %logistic3A_22 : f32 to vector<2000x64xf32>
    %logistic3A_24 = arith.addf %logistic3A_23, %logistic3A_21 : vector<2000x64xf32>
    %logistic3A_25 = arith.divf %logistic3A_23, %logistic3A_24 : vector<2000x64xf32>
    %mul3A_26 = arith.mulf %add3A_20, %logistic3A_25 : vector<2000x64xf32>
    %get3A_27 = arith.constant 0 : index
    %get3A_28 = arith.constant 0 : index
    %get3A_29 = vector.load %arg6[%get3A_27, %get3A_28] : memref<1x64xf32, #tpu.memory_space<vmem>>, vector<1x64xf32>
    %mul3A_30 = vector.broadcast %get3A_29 : vector<1x64xf32> to vector<2000x64xf32>
    %mul3A_31 = arith.mulf %mul3A_26, %mul3A_30 : vector<2000x64xf32>
    %reduce_sum3A_32 = arith.constant dense<0.000000e+00> : vector<2000xf32>
    %reduce_sum3A_33 = vector.multi_reduction <add>, %mul3A_31, %reduce_sum3A_32 [1] : vector<2000x64xf32> to vector<2000xf32>
    %broadcast_in_dim3A_34 = vector.shape_cast %reduce_sum3A_33 : vector<2000xf32> to vector<2000x1xf32>
    %get3A_35 = arith.constant 0 : index
    %get3A_36 = arith.constant 0 : index
    %get3A_37 = vector.load %arg7[%get3A_35, %get3A_36] : memref<1x1xf32, #tpu.memory_space<vmem>>, vector<1x1xf32>
    %add3A_38 = vector.broadcast %get3A_37 : vector<1x1xf32> to vector<2000x1xf32>
    %add3A_39 = arith.addf %broadcast_in_dim3A_34, %add3A_38 : vector<2000x1xf32>
    %custom_jvp_call3A = arith.constant 0.000000e+00 : f32
    %max3A = vector.broadcast %custom_jvp_call3A : f32 to vector<2000x1xf32>
    %max3A_40 = arith.maximumf %add3A_39, %max3A : vector<2000x1xf32>
    %sub3A = vector.broadcast %custom_jvp_call3A : f32 to vector<2000x1xf32>
    %sub3A_41 = arith.subf %add3A_39, %sub3A : vector<2000x1xf32>
    %ne3A = arith.cmpf one, %sub3A_41, %sub3A_41 : vector<2000x1xf32>
    %add3A_42 = vector.broadcast %custom_jvp_call3A : f32 to vector<2000x1xf32>
    %add3A_43 = arith.addf %add3A_39, %add3A_42 : vector<2000x1xf32>
    %abs3A = math.absf %sub3A_41 : vector<2000x1xf32>
    %neg3A = arith.constant 0.000000e+00 : f32
    %neg3A_44 = vector.broadcast %neg3A : f32 to vector<2000x1xf32>
    %neg3A_45 = arith.subf %neg3A_44, %abs3A : vector<2000x1xf32>
    %exp3A = math.exp %neg3A_45 : vector<2000x1xf32>
    %log1p3A = math.log1p %exp3A : vector<2000x1xf32>
    %add3A_46 = arith.addf %max3A_40, %log1p3A : vector<2000x1xf32>
    %select_n3A = arith.select %ne3A, %add3A_43, %add3A_46 : vector<2000x1xi1>, vector<2000x1xf32>
    %mul3A_47 = vector.broadcast %select_n3A : vector<2000x1xf32> to vector<2000x8xf32>
    %mul3A_48 = arith.mulf %get3A_1, %mul3A_47 : vector<2000x8xf32>
    %swap3A = arith.constant 0 : index
    %swap3A_49 = arith.constant 0 : index
    %swap3A_50 = vector.load %arg8[%swap3A, %swap3A_49] : memref<2000x8xf32, #tpu.memory_space<vmem>>, vector<2000x8xf32>
    tpu.vector_store %arg8[%swap3A, %swap3A_49], %mul3A_48 {strides = array<i32>} : memref<2000x8xf32, #tpu.memory_space<vmem>>, vector<2000x8xf32>,
    return
  }
  func.func @transform_0(%arg0: i32) -> (i32, i32) {
    %c0_i32 = arith.constant 0 : i32
    %c0_i32_0 = arith.constant 0 : i32
    return %arg0, %c0_i32 : i32, i32
  }
  func.func @transform_1(%arg0: i32) -> (i32, i32) {
    %c0_i32 = arith.constant 0 : i32
    %c0_i32_0 = arith.constant 0 : i32
    return %arg0, %c0_i32 : i32, i32
  }
  func.func @transform_2(%arg0: i32) -> (i32, i32) {
    %c0_i32 = arith.constant 0 : i32
    %c0_i32_0 = arith.constant 0 : i32
    %c0_i32_1 = arith.constant 0 : i32
    return %c0_i32, %c0_i32_0 : i32, i32
  }
  func.func @transform_3(%arg0: i32) -> (i32, i32) {
    %c0_i32 = arith.constant 0 : i32
    %c0_i32_0 = arith.constant 0 : i32
    %c0_i32_1 = arith.constant 0 : i32
    return %c0_i32, %c0_i32_0 : i32, i32
  }
  func.func @transform_4(%arg0: i32) -> (i32, i32) {
    %c0_i32 = arith.constant 0 : i32
    %c0_i32_0 = arith.constant 0 : i32
    %c0_i32_1 = arith.constant 0 : i32
    return %c0_i32, %c0_i32_0 : i32, i32
  }
  func.func @transform_5(%arg0: i32) -> (i32, i32) {
    %c0_i32 = arith.constant 0 : i32
    %c0_i32_0 = arith.constant 0 : i32
    %c0_i32_1 = arith.constant 0 : i32
    return %c0_i32, %c0_i32_0 : i32, i32
  }
  func.func @transform_6(%arg0: i32) -> (i32, i32) {
    %c0_i32 = arith.constant 0 : i32
    %c0_i32_0 = arith.constant 0 : i32
    %c0_i32_1 = arith.constant 0 : i32
    return %c0_i32, %c0_i32_0 : i32, i32
  }
  func.func @transform_7(%arg0: i32) -> (i32, i32) {
    %c0_i32 = arith.constant 0 : i32
    %c0_i32_0 = arith.constant 0 : i32
    return %arg0, %c0_i32 : i32, i32
  }
}

</mosaic_0001>

<sc_bundles>
// kernel: kernel.11.cloned.1.call-start
scs
__scs_entry_jumppad:
0x0: {  	(pc) =	sbr.rel $0x88, $3  }
0x1: {  	(tag) =	ssettag $0x0;
	lr =	simm.s32 $0x1  }
0x2: {  	[smem:$0x3F88] =	sst lr;
	_ =	strace $0xD0000000  }
0x3: {  	_ = 	snop  }
0x4: {  	_ = 	snop  }
0x5: {  	_ = 	snop  }
0x6: {  	_ = 	snop  }
0x7: {  	_ = 	snop  }
__scs_overlays_trampoline_lowered:
0x8: {  	[smem:$0x3F97] =	sst s0  }
0x9: {  	[smem:$0x3F98] =	sst s1  }
0xa: {  	[smem:$0x3F99] =	sst s2  }
0xb: {  	[smem:$0x3F9A] =	sst s3  }
0xc: {  	[smem:$0x3F9B] =	sst s4  }
0xd: {  	[smem:$0x3F9C] =	sst s5  }
0xe: {  	[smem:$0x3F9D] =	sst s6  }
0xf: {  	[smem:$0x3F9E] =	sst s7  }
0x10: {  	[smem:$0x3F9F] =	sst s8  }
0x11: {  	[smem:$0x3FA0] =	sst s9;
	s0 =	simm.s32 @!p0 $0x0  }
0x12: {  	s1 =	sld [smem:$0x3F86];
	s0 =	simm.s32 @p0 $0x1  }
0x13: {  	[smem:$0x3FA1] =	sst s0;
	s0 =	simm.s32 @!p1 $0x0  }
0x14: {  	s2 =	sld [smem:$0x3F85];
	s0 =	simm.s32 @p1 $0x1  }
0x15: {  	[smem:$0x3FA2] =	sst s0;
	s0 =	simm.s32 @!p2 $0x0  }
0x16: {  	s3 =	sld [smem:$0x3FDB];
	s0 =	simm.s32 @p2 $0x1  }
0x17: {  	s4 =	simm.s32 $0x1BF5;
	[smem:$0x3FA4] =	sst s0  }
0x18: {  	s0 =	sld [smem:$0x3F87];
	_ =	swait.ge [sflag:s4], $0x0  }
0x19: {  	s7 =	sld [smem:$0x3F88]  }
0x1a: {  	s8 =	sadd.s32 $0xFFFFE003, lr  }
0x1b: {  	s9 =	sadd.s32 $0xFFFFFEF7, lr;
	s5 =	simm.s32 $0xFFFFFFFF;
	p2 =	slt.u32 s8, $0xFFFFF086  }
0x1c: {  	p1 =	slt.u32 s9, $0xF7A;
	s5 =	simm.s32 @!p2 $0x0  }
0x1d: {  	s5 =	simm.s32 @p1 $0x1;
	p0 =	seq.s32 s7, s2  }
0x1e: {  	s7 =	smul.u32 @!p0 $0xF7A, s2;
	p2 =	seq.s32 @!p0 s5, $0x0  }
0x1f: {  	s9 =	smul.u32 $0xF7A, s1;
	s8 =	simm.s32 @!p0 $0x1BF5;
	p2 =	por !p2, p0  }
0x20: {  	[sflag:s8] =	ssyncset.s32 @!p0 $0xFFFFF086;
	s6 =	sadd.s32 @!p0 s3, s7;
	s7 =	simm.s32 @!p0 $0x108  }
0x21: {  	s3 =	sadd.s32 s3, s9;
	s6 =	sadd.s32 @!p0 $0x88, s6;
	s7 =	simm.s32 @p2 $0x1082  }
0x22: {  	[simem:s7], [sflag:s8] =	dma.local @!p0 [hbm:s6], $0xF7A  }
0x23: {  	s9 =	sor.u32 $0xD0000000, s2;
	s6 =	simm.s32 $0x108;
	_ =	swait.ge @!p0 [sflag:s8], $0x0  }
0x24: {  	s3 =	sadd.s32 $0x88, s3;
	s6 =	simm.s32 @!p1 $0x1082;
	[sflag:s4] =	ssyncset.s32 $0xFFFFF086  }
0x25: {  	[simem:s6], [sflag:s4] =	dma.local [hbm:s3], $0xF7A  }
0x26: {  	[smem:$0x3F88] =	sst s1;
	(tag) =	ssettag s2;
	_ =	strace s9  }
0x27: {  	s1 =	sld [smem:$0x3F98]  }
0x28: {  	s2 =	sld [smem:$0x3F99]  }
0x29: {  	s4 =	sld [smem:$0x3F9B]  }
0x2a: {  	p0 =	seq.s32 s5, $0x0;
	s5 =	sld [smem:$0x3F9C]  }
0x2b: {  	s6 =	sld [smem:$0x3F9D]  }
0x2c: {  	s7 =	sld [smem:$0x3F9E]  }
0x2d: {  	s3 =	simm.s32 $0x108;
	s8 =	sld [smem:$0x3F9F]  }
0x2e: {  	s3 =	simm.s32 @!p0 $0x1082;
	s9 =	sld [smem:$0x3FA0]  }
0x2f: {  	lr =	sadd.s32 s0, s3;
	s0 =	sld [smem:$0x3F97]  }
0x30: {  	s3 =	sld [smem:$0x3F9A]  }
0x31: {  	[smem:$0x3FA3] =	sst s10  }
0x32: {  	s10 =	sld [smem:$0x3FA1];
	_ =	sdelay $0x3  }
0x33: {  	p0 =	seq.s32 s10, $0x1;
	s10 =	sld [smem:$0x3FA3];
	_ =	sdelay $0x3  }
0x34: {  	[smem:$0x3FA3] =	sst s10  }
0x35: {  	s10 =	sld [smem:$0x3FA2];
	_ =	sdelay $0x3  }
0x36: {  	p1 =	seq.s32 s10, $0x1;
	s10 =	sld [smem:$0x3FA3];
	_ =	sdelay $0x3  }
0x37: {  	[smem:$0x3FA3] =	sst s10  }
0x38: {  	s10 =	sld [smem:$0x3FA4]  }
0x39: {  	_ = 	snop;
	(pc) =	sbr.ind lr, $3  }
0x3a: {  	_ = 	snop  }
0x3b: {  	_ = 	snop  }
0x3c: {  	p2 =	seq.s32 s10, $0x1;
	s10 =	sld [smem:$0x3FA3]  }
0x3d: {  	_ =	shalt  }
0x3e: {  	_ =	shalt  }
0x3f: {  	_ =	shalt  }
0x40: {  	_ =	shalt  }
0x41: {  	_ =	shalt  }
0x42: {  	_ =	shalt  }
0x43: {  	_ =	shalt  }
0x44: {  	_ =	shalt  }
0x45: {  	_ =	shalt  }
0x46: {  	_ =	shalt  }
0x47: {  	_ =	shalt  }
0x48: {  	_ =	shalt  }
0x49: {  	_ =	shalt  }
0x4a: {  	_ =	shalt  }
0x4b: {  	_ =	shalt  }
0x4c: {  	_ =	shalt  }
0x4d: {  	_ =	shalt  }
0x4e: {  	_ =	shalt  }
0x4f: {  	_ =	shalt  }
0x50: {  	_ =	shalt  }
0x51: {  	_ =	shalt  }
0x52: {  	_ =	shalt  }
0x53: {  	_ =	shalt  }
0x54: {  	_ =	shalt  }
0x55: {  	_ =	shalt  }
0x56: {  	_ =	shalt  }
0x57: {  	_ =	shalt  }
0x58: {  	_ =	shalt  }
0x59: {  	_ =	shalt  }
0x5a: {  	_ =	shalt  }
0x5b: {  	_ =	shalt  }
0x5c: {  	_ =	shalt  }
0x5d: {  	_ =	shalt  }
0x5e: {  	_ =	shalt  }
0x5f: {  	_ =	shalt  }
0x60: {  	_ =	shalt  }
0x61: {  	_ =	shalt  }
0x62: {  	_ =	shalt  }
0x63: {  	_ =	shalt  }
0x64: {  	_ =	shalt  }
0x65: {  	_ =	shalt  }
0x66: {  	_ =	shalt  }
0x67: {  	_ =	shalt  }
0x68: {  	_ =	shalt  }
0x69: {  	_ =	shalt  }
0x6a: {  	_ =	shalt  }
0x6b: {  	_ =	shalt  }
0x6c: {  	_ =	shalt  }
0x6d: {  	_ =	shalt  }
0x6e: {  	_ =	shalt  }
0x6f: {  	_ =	shalt  }
0x70: {  	_ =	shalt  }
0x71: {  	_ =	shalt  }
0x72: {  	_ =	shalt  }
0x73: {  	_ =	shalt  }
0x74: {  	_ =	shalt  }
0x75: {  	_ =	shalt  }
0x76: {  	_ =	shalt  }
0x77: {  	_ =	shalt  }
0x78: {  	_ =	shalt  }
0x79: {  	_ =	shalt  }
0x7a: {  	_ =	shalt  }
0x7b: {  	_ =	shalt  }
0x7c: {  	_ =	shalt  }
0x7d: {  	_ =	shalt  }
0x7e: {  	_ =	shalt  }
0x7f: {  	_ =	shalt  }
0x80: {  	_ =	shalt  }
0x81: {  	_ =	shalt  }
0x82: {  	_ =	shalt  }
0x83: {  	_ =	shalt  }
0x84: {  	_ =	shalt  }
0x85: {  	_ =	shalt  }
0x86: {  	_ =	shalt  }
0x87: {  	_ =	shalt  }
.Lfunc_end0:
.L_simem_size_0:
called_computation.1_lowered:
.L_overlay_start_0:
0x88: {  	s2 =	sld [smem:$0x3FD9]  }
0x89: {  	s3 =	sld [smem:$0x3FFE];
	_ =	sdelay $0x1  }
0x8a: {  	s1 =	srdreg.scid  }
0x8b: {  	s0 =	sand.u32 $0x1, s1  }
0x8c: {  	s17 =	sshll.u32 s0, $0xA;
	s2 =	sadd.s32 s3, s2  }
0x8d: {  	s2 =	sadd.s32 s2, s17  }
0x8e: {  	[smem:$0x3FAF] =	sst s2  }
0x8f: {  	_ = 	snop  }
0x90: {  	s2 =	sld [smem:$0x3FD0];
	(tm) =	ssettm $0x1  }
0x91: {  	s18 =	sld [smem:$0x3FFB];
	_ =	sdelay $0x3  }
0x92: {  	_ =	strace s18  }
0x93: {  	s3 =	sld [smem:$0x3FFC];
	_ =	sdelay $0x3  }
0x94: {  	_ =	strace s3  }
0x95: {  	s3 =	sld [smem:$0x3FFD];
	_ =	sdelay $0x3  }
0x96: {  	_ =	strace s3  }
0x97: {  	_ =	strace $0x8FFFFFFF  }
0x98: {  	s19 =	sld [smem:$0x3FDB];
	_ =	sdelay $0x1  }
0x99: {  	s4 =	simm.s32 $_scs_section_size  }
0x9a: {  	s5 =	simm.s32 $_size__tile_overlayer_lowered;
	s6 =	simm.s32 $_tile_overlayer_lowered  }
0x9b: {  	s22 =	simm.s32 $0x1BFF;
	s21 =	sshll.u32 s6, $0x1;
	s3 =	sadd.s32 s4, s19  }
0x9c: {  	s7 =	simm.s32 $0x0;
	s20 =	sshll.u32 s5, $0x1;
	s5 =	sadd.s32 s21, s3  }
0x9d: {  	[timem:s7], [sflag:s22] =	dma.local [hbm:s5], s20  }
0x9e: {  	_ =	swait.ge [sflag:s22], s20  }
0x9f: {  	s4 =	ssub.s32 $0x0, s20;
	[sflag:s22] =	ssyncset.done $0x0  }
0xa0: {  	[sflag:s22] =	ssyncadd.s32 s4;
	_ =	sdelay $0x1  }
0xa1: {  	s23 =	simm.s32 $0x1B8B  }
0xa2: {  	_ =	swait.ge [sflag:s23], $0x1  }
0xa3: {  	[sflag:s23] =	ssyncset.done $0x0  }
0xa4: {  	s25 =	simm.s32 $0x1B8E;
	s24 =	sld [smem:$0x3FFE];
	[sflag:s23] =	ssyncadd.s32 $0xFFFFFFFF  }
0xa5: {  	s26 =	simm.s32 $execute0_lowered;
	[smem:$0x3FD2] =	sst s25  }
0xa6: {  	s5 =	sshll.u32 s26, $0x1;
	_ =	strace $0x80000049;
	[dreg:$0x1] =	wrdreg $0xFFFFFFFF  }
0xa7: {  	s28 =	simm.s32 $_size_execute0_lowered;
	s3 =	sadd.s32 s3, s5;
	[dreg:$0x0] =	wrdreg $0x0  }
0xa8: {  	s5 =	sshll.u32 s28, $0x1;
	[dreg:$0x2] =	wrdreg s3  }
0xa9: {  	[dreg:$0x3] =	wrdreg s5  }
0xaa: {  	[dreg:$0x4] =	wrdreg $0xC0  }
0xab: {  	_ =	task [dreg:s7], $0x5FFFF  }
0xac: {  	[dreg:$0x1] =	wrdreg $0xFFFFFFFF  }
0xad: {  	[dreg:$0x0] =	wrdreg $0x60  }
0xae: {  	[dreg:$0x2] =	wrdreg s24  }
0xaf: {  	[dreg:$0x3] =	wrdreg s2  }
0xb0: {  	[dreg:$0x4] =	wrdreg $0x9  }
0xb1: {  	_ =	task.clear_ibuf [dreg:s7], $0x5FFFF;
	_ =	strace $0x90000049  }
0xb2: {  	s29 =	simm.s32 $0x9;
	_ =	strace $0x8000004B  }
0xb3: {  	_ =	swait.ge [sflag:s29], $0x1  }
0xb4: {  	[sflag:s29] =	ssyncadd.s32 $0xFFFFFFFF  }
0xb5: {  	_ =	strace $0x9000004B  }
0xb6: {  	_ =	sfence  }
0xb7: {  	s30 =	sld [smem:$0x0];
	_ =	sdelay $0x2  }
0xb8: {  	s31 =	sshll.u32 s1, $0xD;
	s1 =	sshrl.u32 s1, $0x2  }
0xb9: {  	s3 =	sand.u32 $0x4000, s31;
	s1 =	sadd.s32 s1, s30  }
0xba: {  	s0 =	sor.u32 s3, s0;
	s1 =	sshll.u32 s1, $0x11  }
0xbb: {  	s0 =	sor.u32 s1, s0  }
0xbc: {  	s0 =	sadd.s32 $0x8F2B, s0  }
0xbd: {  	[sflag:s0] =	ssyncadd.remote.s32 $0x1  }
0xbe: {  	_ =	sfence.sel $0xFFFF  }
0xbf: {  	[dreg:$0x0] =	wrdreg $0xFFFFFFFF;
	(pc) =	sbr.abs _section_cstart, $3  }
0xc0: {  	[dreg:$0x1] =	wrdreg $0xFFFFFFFF  }
0xc1: {  	_ =	task.clear_ibuf [dreg:s7], $0x2FFFF;
	_ =	strace $0x9FFFFFFF  }
0xc2: {  	(tm) =	ssettm $0x7FFFFFFF  }
0xc3: {  	_ =	shalt  }
tec
execute0_lowered:
.L_overlay_start_1:
0x0: {  	(tag) =	ssettag $0x1  }
0x1: {  	s4 =	rddreg [dreg:$0x0]  }
0x2: {  	s2 =	rddreg [dreg:$0x1]  }
0x3: {  	s0 =	rddreg [dreg:$0x2];
	s1 =	stileid.u32  }
0x4: {  	s5 =	srdreg.scid;
	s3 =	simm.s32 $0x0;
	s12 =	simm.s32 $0x3  }
0x5: {  	s13 =	simm.s32 $0x6880;
	s14 =	simm.s32 $0x9080;
	s15 =	simm.s32 $0x4000  }
0x6: {  	v0 =	vlaneseq.u32;
	s16 =	simm.s32 $0x1;
	s17 =	simm.s32 $0x2;
	s18 =	simm.s32 $0x0  }
0x7: {  	s5 =	sand.u32 $0x1, s5;
	s6 =	sshll.u32 s1, $0x1;
	[smem:$0x7FF] =	sst s3;
	v0 =	vmul.u32 $0x80, v0  }
0x8: {  	s7 =	sshll.u32 s1, $0x8;
	s9 =	sshll.u32 s1, $0xC;
	p0 =	slt.u32 s1, $0x2  }
0x9: {  	s6 =	sor.u32 s5, s6;
	s8 =	sshll.u32 s5, $0x7;
	_ =	strace $0x8000004A;
	v1 =	vor.u32 $0x1, v0;
	v2 =	vor.u32 $0x2, v0  }
0xa: {  	s28 =	sadd.s32 s9, s4;
	s30 =	ssub.s32 $0x2, s5;
	s11 =	sshll.u32 s5, $0xB;
	v3 =	vor.u32 $0x800, v0;
	v4 =	vor.u32 $0x801, v0;
	v5 =	vor.u32 $0x802, v0  }
0xb: {  	s6 =	smul.u32 $0x7800, s6;
	s7 =	sor.u32 s8, s7;
	s31 =	sshrl.u32 s30, $0x1;
	v6 =	vor.u32 $0x1000, v0;
	v7 =	vor.u32 $0x1001, v0;
	v8 =	vor.u32 $0x1002, v0  }
0xc: {  	s11 =	sadd.s32 s11, s28;
	v9 =	vor.u32 $0x1800, v0;
	v10 =	vor.u32 $0x1801, v0;
	v11 =	vor.u32 $0x1802, v0;
	s7 =	sshrl.u32 s7, $0x3;
	s9 =	ssub.s32 s30, s31  }
0xd: {  	v12 =	vor.u32 $0x2000, v0;
	v13 =	vor.u32 $0x2001, v0;
	v14 =	vor.u32 $0x2002, v0;
	s6 =	sshrl.u32 s6, $0x3;
	s10 =	sadd.s32 s7, s4;
	s8 =	smax.u32 s9, $0x1  }
0xe: {  	v15 =	vor.u32 $0x2800, v0;
	v16 =	vor.u32 $0x2801, v0;
	v17 =	vor.u32 $0x2802, v0;
	s9 =	sadd.s32 $0x18D1000, s11;
	s29 =	sadd.s32 s6, s4;
	s4 =	simm.s32 $0x4F  }
0xf: {  	v18 =	vor.u32 $0x3000, v0;
	v19 =	vor.u32 $0x3001, v0;
	v20 =	vor.u32 $0x3002, v0;
	s11 =	simm.s32 $0x4080;
	s10 =	sadd.s32 $0xE000, s10;
	s4 =	simm.s32 @!p0 $0x4E  }
0x10: {  	v21 =	vor.u32 $0x3800, v0;
	v22 =	vor.u32 $0x3801, v0;
	v23 =	vor.u32 $0x3802, v0;
	s5 =	sadd.s32 $0x17E00, s29;
	s6 =	sadd.s32 $0x18300, s29;
	s7 =	sadd.s32 $0x18800, s29  }
.LBB2_1:
0x11: {  	[tilespmem:s11], [sflag:$0x3] =	stream.linear.gather [hbm4b:s2+s3], $0x2800, $0x38;
	[tilespmem:$0xB880] =	vst v63  }
0x12: {  	_ =	swait.ge [sflag:s12], $0x2800  }
0x13: {  	[sflag:s12] =	ssyncset.done $0x0  }
0x14: {  	[sflag:s12] =	ssyncadd.s32 $0xFFFFD800  }
0x15: {  	[tilespmem:s13], [sflag:$0x3] =	stream.linear.gather [hbm4b:s2+s3], $0x2800, $0x38;
	[tilespmem:$0xB880] =	vst v63  }
0x16: {  	_ =	swait.ge [sflag:s12], $0x2800  }
0x17: {  	[sflag:s12] =	ssyncset.done $0x0  }
0x18: {  	[sflag:s12] =	ssyncadd.s32 $0xFFFFD800  }
0x19: {  	[tilespmem:s14], [sflag:$0x3] =	stream.linear.gather [hbm4b:s2+s3], $0x2800, $0x38;
	[tilespmem:$0xB880] =	vst v63  }
0x1a: {  	_ =	swait.ge [sflag:s12], $0x2800  }
0x1b: {  	s19 =	smov.u32 s10;
	[sflag:s12] =	ssyncset.done $0x0  }
0x1c: {  	s20 =	smov.u32 s9;
	s21 =	smov.u32 s4;
	[sflag:s12] =	ssyncadd.s32 $0xFFFFD800  }
.LBB2_2:
0x1d: {  	[tilespmem:s15], [sflag:$0x1] =	stream.linear.gather [hbm4b:s19+s3], $0x80, $0x38;
	[tilespmem:$0xB880] =	vst v63  }
0x1e: {  	_ = 	snop  }
0x1f: {  	[tilespmem:s3], [sflag:$0x2] =	stream.linear.gather [hbm4b:s20+s3], $0x4000, $0x38;
	[tilespmem:$0xB880] =	vst v63  }
0x20: {  	_ =	swait.ge [sflag:s16], $0x80  }
0x21: {  	[sflag:s16] =	ssyncset.done $0x0  }
0x22: {  	[sflag:s16] =	ssyncadd.s32 $0xFFFFFF80  }
0x23: {  	_ =	swait.ge [sflag:s17], $0x4000  }
0x24: {  	[sflag:s17] =	ssyncset.done $0x0  }
0x25: {  	[sflag:s17] =	ssyncadd.s32 $0xFFFFC000  }
0x26: {  	v24 =	vld [tilespmem:$0x4000];
	_ =	sdelay $0x2  }
0x27: {  	v25 =	vld.idx.msk [tilespmem:v0+s3+$0x0], $0xffff;
	_ =	sdelay $0x4  }
0x28: {  	[tilespmem:v24+s11+$0x0] =	vst.idx.add.f32.msk $0xffff, v25  }
0x29: {  	v25 =	vld.idx.msk [tilespmem:v1+s3+$0x0], $0xffff;
	_ =	sdelay $0x4  }
0x2a: {  	[tilespmem:v24+s13+$0x0] =	vst.idx.add.f32.msk $0xffff, v25  }
0x2b: {  	v25 =	vld.idx.msk [tilespmem:v2+s3+$0x0], $0xffff;
	_ =	sdelay $0x4  }
0x2c: {  	[tilespmem:v24+s14+$0x0] =	vst.idx.add.f32.msk $0xffff, v25  }
0x2d: {  	v24 =	vld [tilespmem:$0x4010];
	_ =	sdelay $0x2  }
0x2e: {  	v25 =	vld.idx.msk [tilespmem:v3+s3+$0x0], $0xffff;
	_ =	sdelay $0x4  }
0x2f: {  	[tilespmem:v24+s11+$0x0] =	vst.idx.add.f32.msk $0xffff, v25  }
0x30: {  	v25 =	vld.idx.msk [tilespmem:v4+s3+$0x0], $0xffff;
	_ =	sdelay $0x4  }
0x31: {  	[tilespmem:v24+s13+$0x0] =	vst.idx.add.f32.msk $0xffff, v25  }
0x32: {  	v25 =	vld.idx.msk [tilespmem:v5+s3+$0x0], $0xffff;
	_ =	sdelay $0x4  }
0x33: {  	[tilespmem:v24+s14+$0x0] =	vst.idx.add.f32.msk $0xffff, v25  }
0x34: {  	v24 =	vld [tilespmem:$0x4020];
	_ =	sdelay $0x2  }
0x35: {  	v25 =	vld.idx.msk [tilespmem:v6+s3+$0x0], $0xffff;
	_ =	sdelay $0x4  }
0x36: {  	[tilespmem:v24+s11+$0x0] =	vst.idx.add.f32.msk $0xffff, v25  }
0x37: {  	v25 =	vld.idx.msk [tilespmem:v7+s3+$0x0], $0xffff;
	_ =	sdelay $0x4  }
0x38: {  	[tilespmem:v24+s13+$0x0] =	vst.idx.add.f32.msk $0xffff, v25  }
0x39: {  	v25 =	vld.idx.msk [tilespmem:v8+s3+$0x0], $0xffff;
	_ =	sdelay $0x4  }
0x3a: {  	[tilespmem:v24+s14+$0x0] =	vst.idx.add.f32.msk $0xffff, v25  }
0x3b: {  	v24 =	vld [tilespmem:$0x4030];
	_ =	sdelay $0x2  }
0x3c: {  	v25 =	vld.idx.msk [tilespmem:v9+s3+$0x0], $0xffff;
	_ =	sdelay $0x4  }
0x3d: {  	[tilespmem:v24+s11+$0x0] =	vst.idx.add.f32.msk $0xffff, v25  }
0x3e: {  	v25 =	vld.idx.msk [tilespmem:v10+s3+$0x0], $0xffff;
	_ =	sdelay $0x4  }
0x3f: {  	[tilespmem:v24+s13+$0x0] =	vst.idx.add.f32.msk $0xffff, v25  }
0x40: {  	v25 =	vld.idx.msk [tilespmem:v11+s3+$0x0], $0xffff;
	_ =	sdelay $0x4  }
0x41: {  	[tilespmem:v24+s14+$0x0] =	vst.idx.add.f32.msk $0xffff, v25  }
0x42: {  	v24 =	vld [tilespmem:$0x4040];
	_ =	sdelay $0x2  }
0x43: {  	v25 =	vld.idx.msk [tilespmem:v12+s3+$0x0], $0xffff;
	_ =	sdelay $0x4  }
0x44: {  	[tilespmem:v24+s11+$0x0] =	vst.idx.add.f32.msk $0xffff, v25  }
0x45: {  	v25 =	vld.idx.msk [tilespmem:v13+s3+$0x0], $0xffff;
	_ =	sdelay $0x4  }
0x46: {  	[tilespmem:v24+s13+$0x0] =	vst.idx.add.f32.msk $0xffff, v25  }
0x47: {  	v25 =	vld.idx.msk [tilespmem:v14+s3+$0x0], $0xffff;
	_ =	sdelay $0x4  }
0x48: {  	[tilespmem:v24+s14+$0x0] =	vst.idx.add.f32.msk $0xffff, v25  }
0x49: {  	v24 =	vld [tilespmem:$0x4050];
	_ =	sdelay $0x2  }
0x4a: {  	v25 =	vld.idx.msk [tilespmem:v15+s3+$0x0], $0xffff;
	_ =	sdelay $0x4  }
0x4b: {  	[tilespmem:v24+s11+$0x0] =	vst.idx.add.f32.msk $0xffff, v25  }
0x4c: {  	v25 =	vld.idx.msk [tilespmem:v16+s3+$0x0], $0xffff;
	_ =	sdelay $0x4  }
0x4d: {  	[tilespmem:v24+s13+$0x0] =	vst.idx.add.f32.msk $0xffff, v25  }
0x4e: {  	v25 =	vld.idx.msk [tilespmem:v17+s3+$0x0], $0xffff;
	_ =	sdelay $0x4  }
0x4f: {  	[tilespmem:v24+s14+$0x0] =	vst.idx.add.f32.msk $0xffff, v25  }
0x50: {  	v24 =	vld [tilespmem:$0x4060];
	_ =	sdelay $0x2  }
0x51: {  	v25 =	vld.idx.msk [tilespmem:v18+s3+$0x0], $0xffff;
	_ =	sdelay $0x4  }
0x52: {  	[tilespmem:v24+s11+$0x0] =	vst.idx.add.f32.msk $0xffff, v25  }
0x53: {  	v25 =	vld.idx.msk [tilespmem:v19+s3+$0x0], $0xffff;
	_ =	sdelay $0x4  }
0x54: {  	[tilespmem:v24+s13+$0x0] =	vst.idx.add.f32.msk $0xffff, v25  }
0x55: {  	v25 =	vld.idx.msk [tilespmem:v20+s3+$0x0], $0xffff;
	_ =	sdelay $0x4  }
0x56: {  	[tilespmem:v24+s14+$0x0] =	vst.idx.add.f32.msk $0xffff, v25  }
0x57: {  	v24 =	vld [tilespmem:$0x4070];
	_ =	sdelay $0x2  }
0x58: {  	v25 =	vld.idx.msk [tilespmem:v21+s3+$0x0], $0xffff;
	_ =	sdelay $0x4  }
0x59: {  	[tilespmem:v24+s11+$0x0] =	vst.idx.add.f32.msk $0xffff, v25  }
0x5a: {  	v25 =	vld.idx.msk [tilespmem:v22+s3+$0x0], $0xffff;
	_ =	sdelay $0x4  }
0x5b: {  	[tilespmem:v24+s13+$0x0] =	vst.idx.add.f32.msk $0xffff, v25  }
0x5c: {  	p0 =	sne.s32 s21, $0x1;
	v25 =	vld.idx.msk [tilespmem:v23+s3+$0x0], $0xffff  }
.Ltmp0:
0x5d: {  	_ = 	snop;
	(pc) =	sbr.rel @p0 .LBB2_2-.Ltmp0, $2  }
0x5e: {  	_ =	sdelay $0x2  }
0x5f: {  	s19 =	sadd.s32 $0x200, s19;
	s21 =	sadd.s32 $0xFFFFFFFF, s21;
	s20 =	sadd.s32 $0x10000, s20;
	[tilespmem:v24+s14+$0x0] =	vst.idx.add.f32.msk $0xffff, v25  }
0x60: {  	[hbm4b:s5+s3] =	stream.linear.scatter [tilespmem:s11], [sflag:$0x3], $0x2800, $0x38;
	[tilespmem:$0xB880] =	vst v63  }
0x61: {  	_ =	swait.ge [sflag:s12], $0x2800  }
0x62: {  	[sflag:s12] =	ssyncset.done $0x0  }
0x63: {  	[sflag:s12] =	ssyncadd.s32 $0xFFFFD800  }
0x64: {  	[hbm4b:s6+s3] =	stream.linear.scatter [tilespmem:s13], [sflag:$0x3], $0x2800, $0x38;
	[tilespmem:$0xB880] =	vst v63  }
0x65: {  	s18 =	sadd.s32 $0x1, s18;
	_ =	swait.ge [sflag:s12], $0x2800  }
0x66: {  	p0 =	sne.s32 s18, s8;
	[sflag:s12] =	ssyncset.done $0x0  }
.Ltmp1:
0x67: {  	[sflag:s12] =	ssyncadd.s32 $0xFFFFD800;
	(pc) =	sbr.rel @p0 .LBB2_1-.Ltmp1, $4  }
0x68: {  	[hbm4b:s7+s3] =	stream.linear.scatter [tilespmem:s14], [sflag:$0x3], $0x2800, $0x38;
	[tilespmem:$0xB880] =	vst v63  }
0x69: {  	_ =	swait.ge [sflag:s12], $0x2800  }
0x6a: {  	[sflag:s12] =	ssyncset.done $0x0  }
0x6b: {  	[sflag:s12] =	ssyncadd.s32 $0xFFFFD800  }
0x6c: {  	_ =	sfence.sel $0x180000  }
0x6d: {  	[bflag:$0x0] =	sbarrier.arrive $0xFFFF  }
0x6e: {  	p0 =	sne.s32 s1, $0x0;
	_ =	strace $0x9000004A  }
0x6f: {  	s0 =	sadd.s32 @!p0 $0x100000, s0;
	[bflag:$0x2] =	sbarrier.arrive $0xFFFF  }
0x70: {  	[sflag:s0] =	ssyncadd.tile.s32 @!p0 $0x1;
	_ =	shalt  }
.Lfunc_end2:
_tile_overlayer_lowered:
.L_overlay_start_2:
0x71: {  	(tag) =	ssettag $0x2  }
0x72: {  	s0 =	rddreg [dreg:$0x0];
	s2 =	stileid.u32  }
0x73: {  	s1 =	rddreg [dreg:$0x1];
	p0 =	sne.s32 s2, $0x0  }
0x74: {  	s3 =	rddreg [dreg:$0x2];
	[bflag:$0x3] =	sbarrier.arrive $0xFFFF;
	s2 =	simm.s32 @!p0 $0x1C03  }
0x75: {  	[timem:s3], [sflag:s2] =	dma.local @!p0 [hbm:s0], s1  }
0x76: {  	s0 =	simm.s32 @!p0 $0x3  }
0x77: {  	_ =	swait.ge @!p0 [sflag:s0], s1  }
0x78: {  	s1 =	ssub.s32 @!p0 $0x0, s1;
	[sflag:s0] =	ssyncset.done @!p0 $0x0  }
0x79: {  	[sflag:s0] =	ssyncadd.s32 @!p0 s1  }
0x7a: {  	[bflag:$0x3] =	sbarrier.arrive $0xFFFF  }
0x7b: {  	_ =	shalt  }

// kernel: kernel.8.cloned.1.call-start
scs
__scs_entry_jumppad:
0x0: {  	(pc) =	sbr.rel $0x88, $3  }
0x1: {  	(tag) =	ssettag $0x0;
	lr =	simm.s32 $0x1  }
0x2: {  	[smem:$0x3F88] =	sst lr;
	_ =	strace $0xD0000000  }
0x3: {  	_ = 	snop  }
0x4: {  	_ = 	snop  }
0x5: {  	_ = 	snop  }
0x6: {  	_ = 	snop  }
0x7: {  	_ = 	snop  }
__scs_overlays_trampoline_lowered:
0x8: {  	[smem:$0x3F97] =	sst s0  }
0x9: {  	[smem:$0x3F98] =	sst s1  }
0xa: {  	[smem:$0x3F99] =	sst s2  }
0xb: {  	[smem:$0x3F9A] =	sst s3  }
0xc: {  	[smem:$0x3F9B] =	sst s4  }
0xd: {  	[smem:$0x3F9C] =	sst s5  }
0xe: {  	[smem:$0x3F9D] =	sst s6  }
0xf: {  	[smem:$0x3F9E] =	sst s7  }
0x10: {  	[smem:$0x3F9F] =	sst s8  }
0x11: {  	[smem:$0x3FA0] =	sst s9;
	s0 =	simm.s32 @!p0 $0x0  }
0x12: {  	s1 =	sld [smem:$0x3F86];
	s0 =	simm.s32 @p0 $0x1  }
0x13: {  	[smem:$0x3FA1] =	sst s0;
	s0 =	simm.s32 @!p1 $0x0  }
0x14: {  	s2 =	sld [smem:$0x3F85];
	s0 =	simm.s32 @p1 $0x1  }
0x15: {  	[smem:$0x3FA2] =	sst s0;
	s0 =	simm.s32 @!p2 $0x0  }
0x16: {  	s3 =	sld [smem:$0x3FDB];
	s0 =	simm.s32 @p2 $0x1  }
0x17: {  	s4 =	simm.s32 $0x1BF5;
	[smem:$0x3FA4] =	sst s0  }
0x18: {  	s0 =	sld [smem:$0x3F87];
	_ =	swait.ge [sflag:s4], $0x0  }
0x19: {  	s7 =	sld [smem:$0x3F88]  }
0x1a: {  	s8 =	sadd.s32 $0xFFFFE003, lr  }
0x1b: {  	s9 =	sadd.s32 $0xFFFFFEF7, lr;
	s5 =	simm.s32 $0xFFFFFFFF;
	p2 =	slt.u32 s8, $0xFFFFF086  }
0x1c: {  	p1 =	slt.u32 s9, $0xF7A;
	s5 =	simm.s32 @!p2 $0x0  }
0x1d: {  	s5 =	simm.s32 @p1 $0x1;
	p0 =	seq.s32 s7, s2  }
0x1e: {  	s7 =	smul.u32 @!p0 $0xF7A, s2;
	p2 =	seq.s32 @!p0 s5, $0x0  }
0x1f: {  	s9 =	smul.u32 $0xF7A, s1;
	s8 =	simm.s32 @!p0 $0x1BF5;
	p2 =	por !p2, p0  }
0x20: {  	[sflag:s8] =	ssyncset.s32 @!p0 $0xFFFFF086;
	s6 =	sadd.s32 @!p0 s3, s7;
	s7 =	simm.s32 @!p0 $0x108  }
0x21: {  	s3 =	sadd.s32 s3, s9;
	s6 =	sadd.s32 @!p0 $0x88, s6;
	s7 =	simm.s32 @p2 $0x1082  }
0x22: {  	[simem:s7], [sflag:s8] =	dma.local @!p0 [hbm:s6], $0xF7A  }
0x23: {  	s9 =	sor.u32 $0xD0000000, s2;
	s6 =	simm.s32 $0x108;
	_ =	swait.ge @!p0 [sflag:s8], $0x0  }
0x24: {  	s3 =	sadd.s32 $0x88, s3;
	s6 =	simm.s32 @!p1 $0x1082;
	[sflag:s4] =	ssyncset.s32 $0xFFFFF086  }
0x25: {  	[simem:s6], [sflag:s4] =	dma.local [hbm:s3], $0xF7A  }
0x26: {  	[smem:$0x3F88] =	sst s1;
	(tag) =	ssettag s2;
	_ =	strace s9  }
0x27: {  	s1 =	sld [smem:$0x3F98]  }
0x28: {  	s2 =	sld [smem:$0x3F99]  }
0x29: {  	s4 =	sld [smem:$0x3F9B]  }
0x2a: {  	p0 =	seq.s32 s5, $0x0;
	s5 =	sld [smem:$0x3F9C]  }
0x2b: {  	s6 =	sld [smem:$0x3F9D]  }
0x2c: {  	s7 =	sld [smem:$0x3F9E]  }
0x2d: {  	s3 =	simm.s32 $0x108;
	s8 =	sld [smem:$0x3F9F]  }
0x2e: {  	s3 =	simm.s32 @!p0 $0x1082;
	s9 =	sld [smem:$0x3FA0]  }
0x2f: {  	lr =	sadd.s32 s0, s3;
	s0 =	sld [smem:$0x3F97]  }
0x30: {  	s3 =	sld [smem:$0x3F9A]  }
0x31: {  	[smem:$0x3FA3] =	sst s10  }
0x32: {  	s10 =	sld [smem:$0x3FA1];
	_ =	sdelay $0x3  }
0x33: {  	p0 =	seq.s32 s10, $0x1;
	s10 =	sld [smem:$0x3FA3];
	_ =	sdelay $0x3  }
0x34: {  	[smem:$0x3FA3] =	sst s10  }
0x35: {  	s10 =	sld [smem:$0x3FA2];
	_ =	sdelay $0x3  }
0x36: {  	p1 =	seq.s32 s10, $0x1;
	s10 =	sld [smem:$0x3FA3];
	_ =	sdelay $0x3  }
0x37: {  	[smem:$0x3FA3] =	sst s10  }
0x38: {  	s10 =	sld [smem:$0x3FA4]  }
0x39: {  	_ = 	snop;
	(pc) =	sbr.ind lr, $3  }
0x3a: {  	_ = 	snop  }
0x3b: {  	_ = 	snop  }
0x3c: {  	p2 =	seq.s32 s10, $0x1;
	s10 =	sld [smem:$0x3FA3]  }
0x3d: {  	_ =	shalt  }
0x3e: {  	_ =	shalt  }
0x3f: {  	_ =	shalt  }
0x40: {  	_ =	shalt  }
0x41: {  	_ =	shalt  }
0x42: {  	_ =	shalt  }
0x43: {  	_ =	shalt  }
0x44: {  	_ =	shalt  }
0x45: {  	_ =	shalt  }
0x46: {  	_ =	shalt  }
0x47: {  	_ =	shalt  }
0x48: {  	_ =	shalt  }
0x49: {  	_ =	shalt  }
0x4a: {  	_ =	shalt  }
0x4b: {  	_ =	shalt  }
0x4c: {  	_ =	shalt  }
0x4d: {  	_ =	shalt  }
0x4e: {  	_ =	shalt  }
0x4f: {  	_ =	shalt  }
0x50: {  	_ =	shalt  }
0x51: {  	_ =	shalt  }
0x52: {  	_ =	shalt  }
0x53: {  	_ =	shalt  }
0x54: {  	_ =	shalt  }
0x55: {  	_ =	shalt  }
0x56: {  	_ =	shalt  }
0x57: {  	_ =	shalt  }
0x58: {  	_ =	shalt  }
0x59: {  	_ =	shalt  }
0x5a: {  	_ =	shalt  }
0x5b: {  	_ =	shalt  }
0x5c: {  	_ =	shalt  }
0x5d: {  	_ =	shalt  }
0x5e: {  	_ =	shalt  }
0x5f: {  	_ =	shalt  }
0x60: {  	_ =	shalt  }
0x61: {  	_ =	shalt  }
0x62: {  	_ =	shalt  }
0x63: {  	_ =	shalt  }
0x64: {  	_ =	shalt  }
0x65: {  	_ =	shalt  }
0x66: {  	_ =	shalt  }
0x67: {  	_ =	shalt  }
0x68: {  	_ =	shalt  }
0x69: {  	_ =	shalt  }
0x6a: {  	_ =	shalt  }
0x6b: {  	_ =	shalt  }
0x6c: {  	_ =	shalt  }
0x6d: {  	_ =	shalt  }
0x6e: {  	_ =	shalt  }
0x6f: {  	_ =	shalt  }
0x70: {  	_ =	shalt  }
0x71: {  	_ =	shalt  }
0x72: {  	_ =	shalt  }
0x73: {  	_ =	shalt  }
0x74: {  	_ =	shalt  }
0x75: {  	_ =	shalt  }
0x76: {  	_ =	shalt  }
0x77: {  	_ =	shalt  }
0x78: {  	_ =	shalt  }
0x79: {  	_ =	shalt  }
0x7a: {  	_ =	shalt  }
0x7b: {  	_ =	shalt  }
0x7c: {  	_ =	shalt  }
0x7d: {  	_ =	shalt  }
0x7e: {  	_ =	shalt  }
0x7f: {  	_ =	shalt  }
0x80: {  	_ =	shalt  }
0x81: {  	_ =	shalt  }
0x82: {  	_ =	shalt  }
0x83: {  	_ =	shalt  }
0x84: {  	_ =	shalt  }
0x85: {  	_ =	shalt  }
0x86: {  	_ =	shalt  }
0x87: {  	_ =	shalt  }
.Lfunc_end0:
.L_simem_size_0:
called_computation_lowered:
.L_overlay_start_0:
0x88: {  	s2 =	sld [smem:$0x3FD9]  }
0x89: {  	s3 =	sld [smem:$0x3FFE];
	_ =	sdelay $0x1  }
0x8a: {  	s1 =	srdreg.scid  }
0x8b: {  	s0 =	sand.u32 $0x1, s1  }
0x8c: {  	s17 =	sshll.u32 s0, $0xA;
	s2 =	sadd.s32 s3, s2  }
0x8d: {  	s2 =	sadd.s32 s2, s17  }
0x8e: {  	[smem:$0x3FAF] =	sst s2  }
0x8f: {  	_ = 	snop  }
0x90: {  	s2 =	sld [smem:$0x3FD0];
	(tm) =	ssettm $0x1  }
0x91: {  	s18 =	sld [smem:$0x3FFB];
	_ =	sdelay $0x3  }
0x92: {  	_ =	strace s18  }
0x93: {  	s3 =	sld [smem:$0x3FFC];
	_ =	sdelay $0x3  }
0x94: {  	_ =	strace s3  }
0x95: {  	s3 =	sld [smem:$0x3FFD];
	_ =	sdelay $0x3  }
0x96: {  	_ =	strace s3  }
0x97: {  	_ =	strace $0x8FFFFFFF  }
0x98: {  	s19 =	sld [smem:$0x3FDB];
	_ =	sdelay $0x1  }
0x99: {  	s4 =	simm.s32 $_scs_section_size  }
0x9a: {  	s5 =	simm.s32 $_size__tile_overlayer_lowered;
	s6 =	simm.s32 $_tile_overlayer_lowered  }
0x9b: {  	s22 =	simm.s32 $0x1BFF;
	s21 =	sshll.u32 s6, $0x1;
	s3 =	sadd.s32 s4, s19  }
0x9c: {  	s7 =	simm.s32 $0x0;
	s20 =	sshll.u32 s5, $0x1;
	s5 =	sadd.s32 s21, s3  }
0x9d: {  	[timem:s7], [sflag:s22] =	dma.local [hbm:s5], s20  }
0x9e: {  	_ =	swait.ge [sflag:s22], s20  }
0x9f: {  	s4 =	ssub.s32 $0x0, s20;
	[sflag:s22] =	ssyncset.done $0x0  }
0xa0: {  	[sflag:s22] =	ssyncadd.s32 s4;
	_ =	sdelay $0x1  }
0xa1: {  	s23 =	simm.s32 $0x1B8B  }
0xa2: {  	_ =	swait.ge [sflag:s23], $0x1  }
0xa3: {  	[sflag:s23] =	ssyncset.done $0x0  }
0xa4: {  	s25 =	simm.s32 $0x1B8E;
	s24 =	sld [smem:$0x3FFE];
	[sflag:s23] =	ssyncadd.s32 $0xFFFFFFFF  }
0xa5: {  	s26 =	simm.s32 $execute0_lowered;
	[smem:$0x3FD2] =	sst s25  }
0xa6: {  	s5 =	sshll.u32 s26, $0x1;
	_ =	strace $0x80000046;
	[dreg:$0x1] =	wrdreg $0xFFFFFFFF  }
0xa7: {  	s28 =	simm.s32 $_size_execute0_lowered;
	s3 =	sadd.s32 s3, s5;
	[dreg:$0x0] =	wrdreg $0x0  }
0xa8: {  	s5 =	sshll.u32 s28, $0x1;
	[dreg:$0x2] =	wrdreg s3  }
0xa9: {  	[dreg:$0x3] =	wrdreg s5  }
0xaa: {  	[dreg:$0x4] =	wrdreg $0xC0  }
0xab: {  	_ =	task [dreg:s7], $0x5FFFF  }
0xac: {  	[dreg:$0x1] =	wrdreg $0xFFFFFFFF  }
0xad: {  	[dreg:$0x0] =	wrdreg $0x60  }
0xae: {  	[dreg:$0x2] =	wrdreg s24  }
0xaf: {  	[dreg:$0x3] =	wrdreg s2  }
0xb0: {  	[dreg:$0x4] =	wrdreg $0x9  }
0xb1: {  	_ =	task.clear_ibuf [dreg:s7], $0x5FFFF;
	_ =	strace $0x90000046  }
0xb2: {  	s29 =	simm.s32 $0x9;
	_ =	strace $0x80000048  }
0xb3: {  	_ =	swait.ge [sflag:s29], $0x1  }
0xb4: {  	[sflag:s29] =	ssyncadd.s32 $0xFFFFFFFF  }
0xb5: {  	_ =	strace $0x90000048  }
0xb6: {  	_ =	sfence  }
0xb7: {  	s30 =	sld [smem:$0x0];
	_ =	sdelay $0x2  }
0xb8: {  	s31 =	sshll.u32 s1, $0xD;
	s1 =	sshrl.u32 s1, $0x2  }
0xb9: {  	s3 =	sand.u32 $0x4000, s31;
	s1 =	sadd.s32 s1, s30  }
0xba: {  	s0 =	sor.u32 s3, s0;
	s1 =	sshll.u32 s1, $0x11  }
0xbb: {  	s0 =	sor.u32 s1, s0  }
0xbc: {  	s0 =	sadd.s32 $0x8F2B, s0  }
0xbd: {  	[sflag:s0] =	ssyncadd.remote.s32 $0x1  }
0xbe: {  	_ =	sfence.sel $0xFFFF  }
0xbf: {  	[dreg:$0x0] =	wrdreg $0xFFFFFFFF;
	(pc) =	sbr.abs _section_cstart, $3  }
0xc0: {  	[dreg:$0x1] =	wrdreg $0xFFFFFFFF  }
0xc1: {  	_ =	task.clear_ibuf [dreg:s7], $0x2FFFF;
	_ =	strace $0x9FFFFFFF  }
0xc2: {  	(tm) =	ssettm $0x7FFFFFFF  }
0xc3: {  	_ =	shalt  }
tec
execute0_lowered:
.L_overlay_start_1:
0x0: {  	(tag) =	ssettag $0x1  }
0x1: {  	s0 =	rddreg [dreg:$0x0]  }
0x2: {  	s1 =	rddreg [dreg:$0x1];
	s2 =	simm.s32 $0x0  }
0x3: {  	s3 =	srdreg.scid;
	s11 =	stileid.u32;
	s15 =	simm.s32 $0xC100  }
0x4: {  	s16 =	simm.s32 $0x4;
	s17 =	simm.s32 $0xE880;
	s18 =	simm.s32 $0x11000  }
0x5: {  	s19 =	simm.s32 $0x80;
	s20 =	simm.s32 $0x1;
	s21 =	simm.s32 $0x2  }
0x6: {  	v0 =	vlaneseq.u32;
	s22 =	simm.s32 $0x100;
	s23 =	simm.s32 $0x4100;
	s24 =	simm.s32 $0x8100  }
0x7: {  	s25 =	simm.s32 $0x3;
	s26 =	simm.s32 $0x0;
	[smem:$0x7FF] =	sst s2;
	v0 =	vmul.u32 $0x80, v0  }
0x8: {  	s4 =	sadd.s32 $0x18A00, s0;
	s3 =	sand.u32 $0x1, s3;
	s5 =	sadd.s32 $0x3FC00, s0  }
0x9: {  	v1 =	vimm.f32 $0.0e+00;
	s8 =	sshll.u32 s11, $0x8;
	s6 =	sadd.s32 $0x18400, s0;
	s7 =	sadd.s32 $0x17E00, s0;
	v2 =	vor.u32 $0x1, v0;
	v4 =	vor.u32 $0x800, v0  }
0xa: {  	s29 =	sshll.u32 s11, $0xC;
	p0 =	slt.u32 s11, $0x2;
	_ =	strace $0x80000047;
	v5 =	vor.u32 $0x801, v0;
	v6 =	vor.u32 $0x802, v0;
	v7 =	vor.u32 $0x1000, v0  }
0xb: {  	s9 =	sshll.u32 s3, $0x7;
	s10 =	ssub.s32 $0x2, s3;
	s31 =	sshll.u32 s3, $0xB;
	v8 =	vor.u32 $0x1001, v0;
	v9 =	vor.u32 $0x1002, v0;
	v10 =	vor.u32 $0x1800, v0  }
0xc: {  	s3 =	simm.s32 $0x4F;
	s8 =	sor.u32 s9, s8;
	s9 =	sadd.s32 s29, s0;
	v11 =	vor.u32 $0x1801, v0;
	v12 =	vor.u32 $0x1802, v0;
	v13 =	vor.u32 $0x2000, v0  }
0xd: {  	s30 =	sshrl.u32 s10, $0x1;
	s3 =	simm.s32 @!p0 $0x4E;
	v14 =	vor.u32 $0x2001, v0;
	v15 =	vor.u32 $0x2002, v0;
	v16 =	vor.u32 $0x2800, v0;
	s8 =	sshrl.u32 s8, $0x3  }
0xe: {  	v17 =	vor.u32 $0x2801, v0;
	v18 =	vor.u32 $0x2802, v0;
	v19 =	vor.u32 $0x3000, v0;
	s12 =	ssub.s32 s10, s30;
	s9 =	sadd.s32 s31, s9;
	s8 =	sadd.s32 s8, s0  }
0xf: {  	v20 =	vor.u32 $0x3001, v0;
	v21 =	vor.u32 $0x3002, v0;
	v22 =	vor.u32 $0x3800, v0;
	s11 =	sadd.s32 $0xA2AE00, s9;
	s12 =	smax.u32 s12, $0x1;
	s13 =	sadd.s32 $0x66E00, s9  }
0x10: {  	v3 =	vor.u32 $0x2, v0;
	v23 =	vor.u32 $0x3801, v0;
	v24 =	vor.u32 $0x3802, v0;
	s14 =	sadd.s32 $0x548E00, s9;
	s0 =	sadd.s32 $0x4200, s8;
	s10 =	sadd.s32 $0xE000, s8  }
.LBB2_1:
0x11: {  	[tilespmem:s15], [sflag:$0x4] =	stream.linear.gather [hbm4b:s6+s2], $0x2780, $0x38;
	[tilespmem:$0x13780] =	vst v63  }
0x12: {  	_ =	swait.ge [sflag:s16], $0x2780  }
0x13: {  	[sflag:s16] =	ssyncset.done $0x0  }
0x14: {  	[sflag:s16] =	ssyncadd.s32 $0xFFFFD880  }
0x15: {  	[tilespmem:s17], [sflag:$0x4] =	stream.linear.gather [hbm4b:s7+s2], $0x2780, $0x38;
	[tilespmem:$0x13780] =	vst v63  }
0x16: {  	_ =	swait.ge [sflag:s16], $0x2780  }
0x17: {  	[sflag:s16] =	ssyncset.done $0x0  }
0x18: {  	[sflag:s16] =	ssyncadd.s32 $0xFFFFD880  }
0x19: {  	[tilespmem:s18], [sflag:$0x4] =	stream.linear.gather [hbm4b:s1+s2], $0x2780, $0x38;
	[tilespmem:$0x13780] =	vst v63  }
0x1a: {  	_ =	swait.ge [sflag:s16], $0x2780  }
0x1b: {  	[sflag:s16] =	ssyncset.done $0x0  }
0x1c: {  	[sflag:s16] =	ssyncadd.s32 $0xFFFFD880  }
0x1d: {  	[tilespmem:$0x8100] =	vst v1  }
0x1e: {  	[tilespmem:$0x8180] =	vst v1  }
0x1f: {  	[tilespmem:$0x8200] =	vst v1  }
0x20: {  	[tilespmem:$0x8280] =	vst v1  }
0x21: {  	[tilespmem:$0x8300] =	vst v1  }
0x22: {  	[tilespmem:$0x8380] =	vst v1  }
0x23: {  	[tilespmem:$0x8400] =	vst v1  }
0x24: {  	[tilespmem:$0x8480] =	vst v1  }
0x25: {  	[tilespmem:$0x8500] =	vst v1  }
0x26: {  	[tilespmem:$0x8580] =	vst v1  }
0x27: {  	[tilespmem:$0x8600] =	vst v1  }
0x28: {  	[tilespmem:$0x8680] =	vst v1  }
0x29: {  	[tilespmem:$0x8700] =	vst v1  }
0x2a: {  	[tilespmem:$0x8780] =	vst v1  }
0x2b: {  	[tilespmem:$0x8800] =	vst v1  }
0x2c: {  	[tilespmem:$0x8880] =	vst v1  }
0x2d: {  	[tilespmem:$0x8900] =	vst v1  }
0x2e: {  	[tilespmem:$0x8980] =	vst v1  }
0x2f: {  	[tilespmem:$0x8A00] =	vst v1  }
0x30: {  	[tilespmem:$0x8A80] =	vst v1  }
0x31: {  	[tilespmem:$0x8B00] =	vst v1  }
0x32: {  	[tilespmem:$0x8B80] =	vst v1  }
0x33: {  	[tilespmem:$0x8C00] =	vst v1  }
0x34: {  	[tilespmem:$0x8C80] =	vst v1  }
0x35: {  	[tilespmem:$0x8D00] =	vst v1  }
0x36: {  	[tilespmem:$0x8D80] =	vst v1  }
0x37: {  	[tilespmem:$0x8E00] =	vst v1  }
0x38: {  	[tilespmem:$0x8E80] =	vst v1  }
0x39: {  	[tilespmem:$0x8F00] =	vst v1  }
0x3a: {  	[tilespmem:$0x8F80] =	vst v1  }
0x3b: {  	[tilespmem:$0x9000] =	vst v1  }
0x3c: {  	[tilespmem:$0x9080] =	vst v1  }
0x3d: {  	[tilespmem:$0x9100] =	vst v1  }
0x3e: {  	[tilespmem:$0x9180] =	vst v1  }
0x3f: {  	[tilespmem:$0x9200] =	vst v1  }
0x40: {  	[tilespmem:$0x9280] =	vst v1  }
0x41: {  	[tilespmem:$0x9300] =	vst v1  }
0x42: {  	[tilespmem:$0x9380] =	vst v1  }
0x43: {  	[tilespmem:$0x9400] =	vst v1  }
0x44: {  	[tilespmem:$0x9480] =	vst v1  }
0x45: {  	[tilespmem:$0x9500] =	vst v1  }
0x46: {  	[tilespmem:$0x9580] =	vst v1  }
0x47: {  	[tilespmem:$0x9600] =	vst v1  }
0x48: {  	[tilespmem:$0x9680] =	vst v1  }
0x49: {  	[tilespmem:$0x9700] =	vst v1  }
0x4a: {  	[tilespmem:$0x9780] =	vst v1  }
0x4b: {  	[tilespmem:$0x9800] =	vst v1  }
0x4c: {  	[tilespmem:$0x9880] =	vst v1  }
0x4d: {  	[tilespmem:$0x9900] =	vst v1  }
0x4e: {  	[tilespmem:$0x9980] =	vst v1  }
0x4f: {  	[tilespmem:$0x9A00] =	vst v1  }
0x50: {  	[tilespmem:$0x9A80] =	vst v1  }
0x51: {  	[tilespmem:$0x9B00] =	vst v1  }
0x52: {  	[tilespmem:$0x9B80] =	vst v1  }
0x53: {  	[tilespmem:$0x9C00] =	vst v1  }
0x54: {  	[tilespmem:$0x9C80] =	vst v1  }
0x55: {  	[tilespmem:$0x9D00] =	vst v1  }
0x56: {  	[tilespmem:$0x9D80] =	vst v1  }
0x57: {  	[tilespmem:$0x9E00] =	vst v1  }
0x58: {  	[tilespmem:$0x9E80] =	vst v1  }
0x59: {  	[tilespmem:$0x9F00] =	vst v1  }
0x5a: {  	[tilespmem:$0x9F80] =	vst v1  }
0x5b: {  	[tilespmem:$0xA000] =	vst v1  }
0x5c: {  	[tilespmem:$0xA080] =	vst v1  }
0x5d: {  	[tilespmem:$0xA100] =	vst v1  }
0x5e: {  	[tilespmem:$0xA180] =	vst v1  }
0x5f: {  	[tilespmem:$0xA200] =	vst v1  }
0x60: {  	[tilespmem:$0xA280] =	vst v1  }
0x61: {  	[tilespmem:$0xA300] =	vst v1  }
0x62: {  	[tilespmem:$0xA380] =	vst v1  }
0x63: {  	[tilespmem:$0xA400] =	vst v1  }
0x64: {  	[tilespmem:$0xA480] =	vst v1  }
0x65: {  	[tilespmem:$0xA500] =	vst v1  }
0x66: {  	[tilespmem:$0xA580] =	vst v1  }
0x67: {  	[tilespmem:$0xA600] =	vst v1  }
0x68: {  	[tilespmem:$0xA680] =	vst v1  }
0x69: {  	[tilespmem:$0xA700] =	vst v1  }
0x6a: {  	[tilespmem:$0xA780] =	vst v1  }
0x6b: {  	[tilespmem:$0xA800] =	vst v1  }
0x6c: {  	[tilespmem:$0xA880] =	vst v1  }
0x6d: {  	[tilespmem:$0xA900] =	vst v1  }
0x6e: {  	[tilespmem:$0xA980] =	vst v1  }
0x6f: {  	[tilespmem:$0xAA00] =	vst v1  }
0x70: {  	[tilespmem:$0xAA80] =	vst v1  }
0x71: {  	[tilespmem:$0xAB00] =	vst v1  }
0x72: {  	[tilespmem:$0xAB80] =	vst v1  }
0x73: {  	[tilespmem:$0xAC00] =	vst v1  }
0x74: {  	[tilespmem:$0xAC80] =	vst v1  }
0x75: {  	[tilespmem:$0xAD00] =	vst v1  }
0x76: {  	[tilespmem:$0xAD80] =	vst v1  }
0x77: {  	[tilespmem:$0xAE00] =	vst v1  }
0x78: {  	[tilespmem:$0xAE80] =	vst v1  }
0x79: {  	[tilespmem:$0xAF00] =	vst v1  }
0x7a: {  	[tilespmem:$0xAF80] =	vst v1  }
0x7b: {  	[tilespmem:$0xB000] =	vst v1  }
0x7c: {  	[tilespmem:$0xB080] =	vst v1  }
0x7d: {  	[tilespmem:$0xB100] =	vst v1  }
0x7e: {  	[tilespmem:$0xB180] =	vst v1  }
0x7f: {  	[tilespmem:$0xB200] =	vst v1  }
0x80: {  	[tilespmem:$0xB280] =	vst v1  }
0x81: {  	[tilespmem:$0xB300] =	vst v1  }
0x82: {  	[tilespmem:$0xB380] =	vst v1  }
0x83: {  	[tilespmem:$0xB400] =	vst v1  }
0x84: {  	[tilespmem:$0xB480] =	vst v1  }
0x85: {  	[tilespmem:$0xB500] =	vst v1  }
0x86: {  	[tilespmem:$0xB580] =	vst v1  }
0x87: {  	[tilespmem:$0xB600] =	vst v1  }
0x88: {  	[tilespmem:$0xB680] =	vst v1  }
0x89: {  	[tilespmem:$0xB700] =	vst v1  }
0x8a: {  	[tilespmem:$0xB780] =	vst v1  }
0x8b: {  	[tilespmem:$0xB800] =	vst v1  }
0x8c: {  	[tilespmem:$0xB880] =	vst v1  }
0x8d: {  	[tilespmem:$0xB900] =	vst v1  }
0x8e: {  	[tilespmem:$0xB980] =	vst v1  }
0x8f: {  	[tilespmem:$0xBA00] =	vst v1  }
0x90: {  	[tilespmem:$0xBA80] =	vst v1  }
0x91: {  	[tilespmem:$0xBB00] =	vst v1  }
0x92: {  	[tilespmem:$0xBB80] =	vst v1  }
0x93: {  	[tilespmem:$0xBC00] =	vst v1  }
0x94: {  	[tilespmem:$0xBC80] =	vst v1  }
0x95: {  	[tilespmem:$0xBD00] =	vst v1  }
0x96: {  	[tilespmem:$0xBD80] =	vst v1  }
0x97: {  	[tilespmem:$0xBE00] =	vst v1  }
0x98: {  	[tilespmem:$0xBE80] =	vst v1  }
0x99: {  	[tilespmem:$0xBF00] =	vst v1  }
0x9a: {  	[tilespmem:$0xBF80] =	vst v1  }
0x9b: {  	s28 =	smov.u32 s14;
	s29 =	smov.u32 s13;
	s30 =	smov.u32 s11;
	[tilespmem:$0xC000] =	vst v1  }
0x9c: {  	s31 =	smov.u32 s10;
	s9 =	smov.u32 s0;
	s8 =	smov.u32 s3;
	[tilespmem:$0xC080] =	vst v1  }
.LBB2_2:
0x9d: {  	[tilespmem:s2], [sflag:$0x1] =	stream.linear.gather [hbm4b:s31+s2], $0x80, $0x38;
	[tilespmem:$0x13780] =	vst v63  }
0x9e: {  	_ = 	snop  }
0x9f: {  	[tilespmem:s19], [sflag:$0x2] =	stream.linear.gather [hbm4b:s9+s2], $0x80, $0x38;
	[tilespmem:$0x13780] =	vst v63  }
0xa0: {  	_ =	swait.ge [sflag:s20], $0x80  }
0xa1: {  	[sflag:s20] =	ssyncset.done $0x0  }
0xa2: {  	[sflag:s20] =	ssyncadd.s32 $0xFFFFFF80  }
0xa3: {  	_ =	swait.ge [sflag:s21], $0x80  }
0xa4: {  	[sflag:s21] =	ssyncset.done $0x0  }
0xa5: {  	[sflag:s21] =	ssyncadd.s32 $0xFFFFFF80  }
0xa6: {  	[tilespmem:s22], [sflag:$0x1] =	stream.indirect.gather [hbm4b:s4+s19], $0x80, s2, s19, $0xb8;
	[tilespmem:$0x13780] =	vst v63  }
0xa7: {  	_ = 	snop  }
0xa8: {  	[tilespmem:s23], [sflag:$0x2] =	stream.indirect.gather [hbm4b:s5+s19], $0x80, s19, s19, $0xb8;
	[tilespmem:$0x13780] =	vst v63  }
0xa9: {  	v25 =	vld [tilespmem:$0x0]  }
0xaa: {  	v26 =	vld [tilespmem:$0x80];
	_ =	sdelay $0x6  }
0xab: {  	v27 =	vld.idx.msk [tilespmem:v25+s15+$0x0], $0xffff  }
0xac: {  	v28 =	vld.idx.msk [tilespmem:v26+s15+$0x0], $0xffff;
	_ =	sdelay $0x4  }
0xad: {  	v27 =	vsub.f32 v27, v28;
	_ =	sdelay $0x1  }
0xae: {  	[tilespmem:v0+s24+$0x0] =	vst.idx.msk $0xffff, v27  }
0xaf: {  	v27 =	vld.idx.msk [tilespmem:v25+s17+$0x0], $0xffff  }
0xb0: {  	v49 =	vld.idx.msk [tilespmem:v26+s17+$0x0], $0xffff;
	_ =	sdelay $0x4  }
0xb1: {  	v27 =	vsub.f32 v27, v49;
	_ =	sdelay $0x1  }
0xb2: {  	[tilespmem:v2+s24+$0x0] =	vst.idx.msk $0xffff, v27  }
0xb3: {  	v25 =	vld.idx.msk [tilespmem:v25+s18+$0x0], $0xffff  }
0xb4: {  	v26 =	vld.idx.msk [tilespmem:v26+s18+$0x0], $0xffff;
	_ =	sdelay $0x4  }
0xb5: {  	v25 =	vsub.f32 v25, v26;
	_ =	sdelay $0x1  }
0xb6: {  	[tilespmem:v3+s24+$0x0] =	vst.idx.msk $0xffff, v25  }
0xb7: {  	v25 =	vld [tilespmem:$0x10]  }
0xb8: {  	v26 =	vld [tilespmem:$0x90];
	_ =	sdelay $0x6  }
0xb9: {  	v27 =	vld.idx.msk [tilespmem:v25+s15+$0x0], $0xffff  }
0xba: {  	v50 =	vld.idx.msk [tilespmem:v26+s15+$0x0], $0xffff;
	_ =	sdelay $0x4  }
0xbb: {  	v27 =	vsub.f32 v27, v50;
	_ =	sdelay $0x1  }
0xbc: {  	[tilespmem:v4+s24+$0x0] =	vst.idx.msk $0xffff, v27  }
0xbd: {  	v27 =	vld.idx.msk [tilespmem:v25+s17+$0x0], $0xffff  }
0xbe: {  	v51 =	vld.idx.msk [tilespmem:v26+s17+$0x0], $0xffff;
	_ =	sdelay $0x4  }
0xbf: {  	v27 =	vsub.f32 v27, v51;
	_ =	sdelay $0x1  }
0xc0: {  	[tilespmem:v5+s24+$0x0] =	vst.idx.msk $0xffff, v27  }
0xc1: {  	v25 =	vld.idx.msk [tilespmem:v25+s18+$0x0], $0xffff  }
0xc2: {  	v26 =	vld.idx.msk [tilespmem:v26+s18+$0x0], $0xffff;
	_ =	sdelay $0x4  }
0xc3: {  	v25 =	vsub.f32 v25, v26;
	_ =	sdelay $0x1  }
0xc4: {  	[tilespmem:v6+s24+$0x0] =	vst.idx.msk $0xffff, v25  }
0xc5: {  	v25 =	vld [tilespmem:$0x20]  }
0xc6: {  	v26 =	vld [tilespmem:$0xA0];
	_ =	sdelay $0x6  }
0xc7: {  	v27 =	vld.idx.msk [tilespmem:v25+s15+$0x0], $0xffff  }
0xc8: {  	v52 =	vld.idx.msk [tilespmem:v26+s15+$0x0], $0xffff;
	_ =	sdelay $0x4  }
0xc9: {  	v27 =	vsub.f32 v27, v52;
	_ =	sdelay $0x1  }
0xca: {  	[tilespmem:v7+s24+$0x0] =	vst.idx.msk $0xffff, v27  }
0xcb: {  	v27 =	vld.idx.msk [tilespmem:v25+s17+$0x0], $0xffff  }
0xcc: {  	v53 =	vld.idx.msk [tilespmem:v26+s17+$0x0], $0xffff;
	_ =	sdelay $0x4  }
0xcd: {  	v27 =	vsub.f32 v27, v53;
	_ =	sdelay $0x1  }
0xce: {  	[tilespmem:v8+s24+$0x0] =	vst.idx.msk $0xffff, v27  }
0xcf: {  	v25 =	vld.idx.msk [tilespmem:v25+s18+$0x0], $0xffff  }
0xd0: {  	v26 =	vld.idx.msk [tilespmem:v26+s18+$0x0], $0xffff;
	_ =	sdelay $0x4  }
0xd1: {  	v25 =	vsub.f32 v25, v26;
	_ =	sdelay $0x1  }
0xd2: {  	[tilespmem:v9+s24+$0x0] =	vst.idx.msk $0xffff, v25  }
0xd3: {  	v25 =	vld [tilespmem:$0x30]  }
0xd4: {  	v26 =	vld [tilespmem:$0xB0];
	_ =	sdelay $0x6  }
0xd5: {  	v27 =	vld.idx.msk [tilespmem:v25+s15+$0x0], $0xffff  }
0xd6: {  	v54 =	vld.idx.msk [tilespmem:v26+s15+$0x0], $0xffff;
	_ =	sdelay $0x4  }
0xd7: {  	v27 =	vsub.f32 v27, v54;
	_ =	sdelay $0x1  }
0xd8: {  	[tilespmem:v10+s24+$0x0] =	vst.idx.msk $0xffff, v27  }
0xd9: {  	v27 =	vld.idx.msk [tilespmem:v25+s17+$0x0], $0xffff  }
0xda: {  	v55 =	vld.idx.msk [tilespmem:v26+s17+$0x0], $0xffff;
	_ =	sdelay $0x4  }
0xdb: {  	v27 =	vsub.f32 v27, v55;
	_ =	sdelay $0x1  }
0xdc: {  	[tilespmem:v11+s24+$0x0] =	vst.idx.msk $0xffff, v27  }
0xdd: {  	v25 =	vld.idx.msk [tilespmem:v25+s18+$0x0], $0xffff  }
0xde: {  	v26 =	vld.idx.msk [tilespmem:v26+s18+$0x0], $0xffff;
	_ =	sdelay $0x4  }
0xdf: {  	v25 =	vsub.f32 v25, v26;
	_ =	sdelay $0x1  }
0xe0: {  	[tilespmem:v12+s24+$0x0] =	vst.idx.msk $0xffff, v25  }
0xe1: {  	v25 =	vld [tilespmem:$0x40]  }
0xe2: {  	v26 =	vld [tilespmem:$0xC0];
	_ =	sdelay $0x6  }
0xe3: {  	v27 =	vld.idx.msk [tilespmem:v25+s15+$0x0], $0xffff  }
0xe4: {  	v56 =	vld.idx.msk [tilespmem:v26+s15+$0x0], $0xffff;
	_ =	sdelay $0x4  }
0xe5: {  	v27 =	vsub.f32 v27, v56;
	_ =	sdelay $0x1  }
0xe6: {  	[tilespmem:v13+s24+$0x0] =	vst.idx.msk $0xffff, v27  }
0xe7: {  	v27 =	vld.idx.msk [tilespmem:v25+s17+$0x0], $0xffff  }
0xe8: {  	v57 =	vld.idx.msk [tilespmem:v26+s17+$0x0], $0xffff;
	_ =	sdelay $0x4  }
0xe9: {  	v27 =	vsub.f32 v27, v57;
	_ =	sdelay $0x1  }
0xea: {  	[tilespmem:v14+s24+$0x0] =	vst.idx.msk $0xffff, v27  }
0xeb: {  	v25 =	vld.idx.msk [tilespmem:v25+s18+$0x0], $0xffff  }
0xec: {  	v26 =	vld.idx.msk [tilespmem:v26+s18+$0x0], $0xffff;
	_ =	sdelay $0x4  }
0xed: {  	v25 =	vsub.f32 v25, v26;
	_ =	sdelay $0x1  }
0xee: {  	[tilespmem:v15+s24+$0x0] =	vst.idx.msk $0xffff, v25  }
0xef: {  	v25 =	vld [tilespmem:$0x50]  }
0xf0: {  	v26 =	vld [tilespmem:$0xD0];
	_ =	sdelay $0x6  }
0xf1: {  	v27 =	vld.idx.msk [tilespmem:v25+s15+$0x0], $0xffff  }
0xf2: {  	v58 =	vld.idx.msk [tilespmem:v26+s15+$0x0], $0xffff;
	_ =	sdelay $0x4  }
0xf3: {  	v27 =	vsub.f32 v27, v58;
	_ =	sdelay $0x1  }
0xf4: {  	[tilespmem:v16+s24+$0x0] =	vst.idx.msk $0xffff, v27  }
0xf5: {  	v27 =	vld.idx.msk [tilespmem:v25+s17+$0x0], $0xffff  }
0xf6: {  	v59 =	vld.idx.msk [tilespmem:v26+s17+$0x0], $0xffff;
	_ =	sdelay $0x4  }
0xf7: {  	v27 =	vsub.f32 v27, v59;
	_ =	sdelay $0x1  }
0xf8: {  	[tilespmem:v17+s24+$0x0] =	vst.idx.msk $0xffff, v27  }
0xf9: {  	v25 =	vld.idx.msk [tilespmem:v25+s18+$0x0], $0xffff  }
0xfa: {  	v26 =	vld.idx.msk [tilespmem:v26+s18+$0x0], $0xffff;
	_ =	sdelay $0x4  }
0xfb: {  	v25 =	vsub.f32 v25, v26;
	_ =	sdelay $0x1  }
0xfc: {  	[tilespmem:v18+s24+$0x0] =	vst.idx.msk $0xffff, v25  }
0xfd: {  	v25 =	vld [tilespmem:$0x60]  }
0xfe: {  	v26 =	vld [tilespmem:$0xE0];
	_ =	sdelay $0x6  }
0xff: {  	v27 =	vld.idx.msk [tilespmem:v25+s15+$0x0], $0xffff  }
0x100: {  	v60 =	vld.idx.msk [tilespmem:v26+s15+$0x0], $0xffff;
	_ =	sdelay $0x4  }
0x101: {  	v27 =	vsub.f32 v27, v60;
	_ =	sdelay $0x1  }
0x102: {  	[tilespmem:v19+s24+$0x0] =	vst.idx.msk $0xffff, v27  }
0x103: {  	v27 =	vld.idx.msk [tilespmem:v25+s17+$0x0], $0xffff  }
0x104: {  	v61 =	vld.idx.msk [tilespmem:v26+s17+$0x0], $0xffff;
	_ =	sdelay $0x4  }
0x105: {  	v27 =	vsub.f32 v27, v61;
	_ =	sdelay $0x1  }
0x106: {  	[tilespmem:v20+s24+$0x0] =	vst.idx.msk $0xffff, v27  }
0x107: {  	v25 =	vld.idx.msk [tilespmem:v25+s18+$0x0], $0xffff  }
0x108: {  	v26 =	vld.idx.msk [tilespmem:v26+s18+$0x0], $0xffff;
	_ =	sdelay $0x4  }
0x109: {  	v25 =	vsub.f32 v25, v26;
	_ =	sdelay $0x1  }
0x10a: {  	[tilespmem:v21+s24+$0x0] =	vst.idx.msk $0xffff, v25  }
0x10b: {  	v25 =	vld [tilespmem:$0x70]  }
0x10c: {  	v26 =	vld [tilespmem:$0xF0];
	_ =	sdelay $0x6  }
0x10d: {  	v27 =	vld.idx.msk [tilespmem:v25+s15+$0x0], $0xffff  }
0x10e: {  	v62 =	vld.idx.msk [tilespmem:v26+s15+$0x0], $0xffff;
	_ =	sdelay $0x4  }
0x10f: {  	v27 =	vsub.f32 v27, v62;
	_ =	sdelay $0x1  }
0x110: {  	[tilespmem:v22+s24+$0x0] =	vst.idx.msk $0xffff, v27  }
0x111: {  	v27 =	vld.idx.msk [tilespmem:v25+s17+$0x0], $0xffff  }
0x112: {  	v63 =	vld.idx.msk [tilespmem:v26+s17+$0x0], $0xffff;
	_ =	sdelay $0x4  }
0x113: {  	v27 =	vsub.f32 v27, v63;
	_ =	sdelay $0x1  }
0x114: {  	[tilespmem:v23+s24+$0x0] =	vst.idx.msk $0xffff, v27  }
0x115: {  	v25 =	vld.idx.msk [tilespmem:v25+s18+$0x0], $0xffff  }
0x116: {  	v26 =	vld.idx.msk [tilespmem:v26+s18+$0x0], $0xffff;
	_ =	sdelay $0x4  }
0x117: {  	v25 =	vsub.f32 v25, v26;
	_ =	sdelay $0x1  }
0x118: {  	[tilespmem:v24+s24+$0x0] =	vst.idx.msk $0xffff, v25  }
0x119: {  	[hbm4b:s30+s2] =	stream.linear.scatter [tilespmem:s24], [sflag:$0x3], $0x4000, $0x38;
	[tilespmem:$0x13780] =	vst v63  }
0x11a: {  	_ =	swait.ge [sflag:s20], $0x4000  }
0x11b: {  	[sflag:s20] =	ssyncset.done $0x0  }
0x11c: {  	[sflag:s20] =	ssyncadd.s32 $0xFFFFC000  }
0x11d: {  	_ =	swait.ge [sflag:s21], $0x4000  }
0x11e: {  	[sflag:s21] =	ssyncset.done $0x0  }
0x11f: {  	[sflag:s21] =	ssyncadd.s32 $0xFFFFC000  }
0x120: {  	[hbm4b:s29+s2] =	stream.linear.scatter [tilespmem:s22], [sflag:$0x1], $0x4000, $0x38;
	[tilespmem:$0x13780] =	vst v63  }
0x121: {  	_ = 	snop  }
0x122: {  	[hbm4b:s28+s2] =	stream.linear.scatter [tilespmem:s23], [sflag:$0x2], $0x4000, $0x38;
	[tilespmem:$0x13780] =	vst v63  }
0x123: {  	_ =	swait.ge [sflag:s20], $0x4000  }
0x124: {  	[sflag:s20] =	ssyncset.done $0x0  }
0x125: {  	[sflag:s20] =	ssyncadd.s32 $0xFFFFC000  }
0x126: {  	p0 =	sne.s32 s8, $0x1;
	_ =	swait.ge [sflag:s21], $0x4000  }
.Ltmp0:
0x127: {  	[sflag:s21] =	ssyncset.done $0x0;
	(pc) =	sbr.rel @p0 .LBB2_2-.Ltmp0, $4  }
0x128: {  	[sflag:s21] =	ssyncadd.s32 $0xFFFFC000  }
0x129: {  	s31 =	sadd.s32 $0x200, s31;
	s8 =	sadd.s32 $0xFFFFFFFF, s8;
	_ =	swait.ge [sflag:s25], $0x4000  }
0x12a: {  	s9 =	sadd.s32 $0x200, s9;
	s30 =	sadd.s32 $0x10000, s30;
	[sflag:s25] =	ssyncset.done $0x0  }
0x12b: {  	s29 =	sadd.s32 $0x10000, s29;
	s28 =	sadd.s32 $0x10000, s28;
	[sflag:s25] =	ssyncadd.s32 $0xFFFFC000  }
0x12c: {  	s26 =	sadd.s32 $0x1, s26  }
0x12d: {  	p0 =	sne.s32 s26, s12  }
.Ltmp1:
0x12e: {  	_ = 	snop;
	(pc) =	sbr.rel @p0 .LBB2_1-.Ltmp1, $1  }
0x12f: {  	_ =	sdelay $0x3  }
0x130: {  	_ =	sfence.sel $0x180000  }
0x131: {  	[bflag:$0x0] =	sbarrier.arrive $0xFFFF  }
0x132: {  	_ =	strace $0x90000047  }
0x133: {  	s0 =	stileid.u32;
	[bflag:$0x2] =	sbarrier.arrive $0xFFFF  }
0x134: {  	p0 =	sne.s32 s0, $0x0;
	s0 =	rddreg [dreg:$0x2]  }
0x135: {  	s0 =	sadd.s32 @!p0 $0x100000, s0  }
0x136: {  	[sflag:s0] =	ssyncadd.tile.s32 @!p0 $0x1;
	_ =	shalt  }
.Lfunc_end2:
_tile_overlayer_lowered:
.L_overlay_start_2:
0x137: {  	(tag) =	ssettag $0x2  }
0x138: {  	s0 =	rddreg [dreg:$0x0];
	s2 =	stileid.u32  }
0x139: {  	s1 =	rddreg [dreg:$0x1];
	p0 =	sne.s32 s2, $0x0  }
0x13a: {  	s3 =	rddreg [dreg:$0x2];
	[bflag:$0x3] =	sbarrier.arrive $0xFFFF;
	s2 =	simm.s32 @!p0 $0x1C04  }
0x13b: {  	[timem:s3], [sflag:s2] =	dma.local @!p0 [hbm:s0], s1  }
0x13c: {  	s0 =	simm.s32 @!p0 $0x4  }
0x13d: {  	_ =	swait.ge @!p0 [sflag:s0], s1  }
0x13e: {  	s1 =	ssub.s32 @!p0 $0x0, s1;
	[sflag:s0] =	ssyncset.done @!p0 $0x0  }
0x13f: {  	[sflag:s0] =	ssyncadd.s32 @!p0 s1  }
0x140: {  	[bflag:$0x3] =	sbarrier.arrive $0xFFFF  }
0x141: {  	_ =	shalt  }

</sc_bundles>
